<compile_context>
chip_gen: v7x
topology: tpu7x:2x2x1
jax: 0.10.2.dev20260603
libtpu: 0.0.44.dev20260713+nightly
codegen_flags: <defaults>
</compile_context>

<pallas_src>
import functools

import jax
import jax.numpy as jnp
from jax import lax
from jax.experimental import pallas as pl
from jax.experimental.pallas import tpu as pltpu
from jax.experimental.pallas import tpu_sc as plsc

B = 2048
NPG = 39
M = 40
DEG = 16
EPG = NPG * DEG
GM2 = M * M
NW = 32
GPW = B // NW
GPR = 16
ROUNDS = GPW // GPR

G = 64
ROWS = G * M
STEPS = B // G

MLP_ROWS = 512
F_DIM = 4560


def _make_sc_body(nb, hoff):
    gpw = nb // NW

    def _sc_body(src_hbm, dst_hbm, out_hbm, acc, sbuf, dbuf):
        c = lax.axis_index("c")
        s = lax.axis_index("s")
        wid = s * 2 + c
        lane = lax.iota(jnp.int32, 16)
        ones = jnp.ones((16,), jnp.float32)
        zeros = jnp.zeros((16,), jnp.float32)

        def round_body(r, carry):
            gl = wid * gpw + r * GPR

            def zero_body(i, carry2):
                for u in range(8):
                    acc[pl.ds((i * 8 + u) * 16, 16)] = zeros
                return carry2

            lax.fori_loop(0, GPR * GM2 // 128, zero_body, 0)

            pltpu.sync_copy(src_hbm.at[pl.ds(gl * EPG, GPR * EPG)], sbuf)
            pltpu.sync_copy(dst_hbm.at[pl.ds(gl * EPG, GPR * EPG)], dbuf)

            gbase = (hoff + gl + lane) * NPG
            abase = lane * GM2

            def edge_body(j, carry2):
                for u in range(8):
                    ei = lane * EPG + (j * 8 + u)
                    sv = plsc.load_gather(sbuf, [ei])
                    dv = plsc.load_gather(dbuf, [ei])
                    idx = abase + (dv - gbase) * M + (sv - gbase)
                    plsc.addupdate_scatter(acc, [idx], ones)
                return carry2

            lax.fori_loop(0, EPG // 8, edge_body, 0)

            pltpu.sync_copy(acc, out_hbm.at[pl.ds(gl * GM2, GPR * GM2)])
            return carry

        lax.fori_loop(0, gpw // GPR, round_body, 0)

    return _sc_body


def _build_a(src, dst, nb, hoff):
    mesh = plsc.VectorSubcoreMesh(core_axis_name="c", subcore_axis_name="s")
    call = functools.partial(
        pl.kernel,
        mesh=mesh,
        compiler_params=pltpu.CompilerParams(needs_layout_passes=False),
        out_type=jax.ShapeDtypeStruct((nb * GM2,), jnp.float32),
        scratch_types=[
            pltpu.VMEM((GPR * GM2,), jnp.float32),
            pltpu.VMEM((GPR * EPG,), jnp.int32),
            pltpu.VMEM((GPR * EPG,), jnp.int32),
        ],
    )(_make_sc_body(nb, hoff))
    return call(src, dst)


def _gat_block_kernel(x_ref, a_ref,
                      w1, b1, w2, b2, w3, b3, w4, b4,
                      h1_ref, h2_ref, h3_ref, h4_ref, pcat_ref):
    f32 = jnp.float32
    rowl = lax.broadcasted_iota(jnp.int32, (ROWS, 1), 0) % M
    valid = rowl < NPG
    lane_id = lax.broadcasted_iota(jnp.int32, (ROWS, M), 1)
    patt = (lane_id == rowl).astype(f32)
    self_loop = jnp.where((lane_id == rowl) & valid, 1.0, 0.0)
    acnt = a_ref[...] + self_loop
    mask = acnt > 0

    sm = (lax.broadcasted_iota(jnp.int32, (G, ROWS), 1) // M
          == lax.broadcasted_iota(jnp.int32, (G, ROWS), 0)).astype(f32)
    rm = (lax.broadcasted_iota(jnp.int32, (ROWS, G), 0) // M
          == lax.broadcasted_iota(jnp.int32, (ROWS, G), 1)).astype(f32)
    ones_col = jnp.ones((ROWS, 1), f32)
    ones_row = jnp.ones((1, M), f32)

    def gat_layer(h_in, waug, b_row, fout, first):
        if first:
            h2aug = h_in * waug[...]
        else:
            h2aug = jnp.dot(h_in, waug[...], preferred_element_type=f32)
        h2 = h2aug[:, :fout]
        asrc = h2aug[:, fout:fout + 1]
        adst = h2aug[:, fout + 1:fout + 2]
        rhs = asrc * patt
        grid = jnp.dot(sm, rhs, preferred_element_type=f32)
        r_mat = jnp.dot(rm, grid, preferred_element_type=f32)
        pre = r_mat + adst
        alpha = jnp.where(pre >= 0, pre, 0.2 * pre)
        am = jnp.max(alpha, axis=1, keepdims=True)
        shift = jnp.maximum(am, 0.0)
        p_mat = jnp.where(mask, acnt * jnp.exp(alpha - shift), 0.0)
        h2e = jnp.concatenate([h2, ones_col], axis=1)
        num_aug = jnp.concatenate(
            [jnp.dot(p_mat[t * M:(t + 1) * M, :],
                     h2e[t * M:(t + 1) * M, :],
                     preferred_element_type=f32) for t in range(G)], axis=0)
        num = num_aug[:, :fout]
        den = num_aug[:, fout:fout + 1]
        inv = 1.0 / (den + 1e-16)
        return jnp.maximum(num * inv + b_row[...], 0.0)

    def pool(h, fdim):
        hm = jnp.where(valid, h, -3e38)
        return jnp.max(hm.reshape(G, M, fdim), axis=1)

    x = x_ref[...]
    p0 = pool(x, 1)
    h1 = gat_layer(x, w1, b1, 8, True)
    h1_ref[...] = h1
    p1 = pool(h1, 8)
    h2 = gat_layer(h1, w2, b2, 64, False)
    h2_ref[...] = h2
    p2 = pool(h2, 64)
    h3 = gat_layer(h2, w3, b3, 32, False)
    h3_ref[...] = h3
    p3 = pool(h3, 32)
    h4 = gat_layer(h3, w4, b4, 9, False)
    h4_ref[...] = h4
    p4 = pool(h4, 9)
    pcat_ref[...] = jnp.concatenate([p0, p1, p2, p3, p4], axis=1)


def _run_gat(xp, a2, weights):
    (w1, b1, w2, b2, w3, b3, w4, b4) = weights
    nb = xp.shape[0] // M
    f32 = jnp.float32
    data_spec = lambda cols: pl.BlockSpec((ROWS, cols), lambda i: (i, 0))
    w_spec = lambda r, c: pl.BlockSpec((r, c), lambda i: (0, 0))
    pool_spec = lambda cols: pl.BlockSpec((G, cols), lambda i: (i, 0))
    out_shapes = [
        jax.ShapeDtypeStruct((nb * M, 8), f32),
        jax.ShapeDtypeStruct((nb * M, 64), f32),
        jax.ShapeDtypeStruct((nb * M, 32), f32),
        jax.ShapeDtypeStruct((nb * M, 9), f32),
        jax.ShapeDtypeStruct((nb, 114), f32),
    ]
    in_specs = [
        data_spec(1), data_spec(M),
        w_spec(1, 10), w_spec(1, 8),
        w_spec(8, 66), w_spec(1, 64),
        w_spec(64, 34), w_spec(1, 32),
        w_spec(32, 11), w_spec(1, 9),
    ]
    out_specs = [
        data_spec(8), data_spec(64), data_spec(32), data_spec(9),
        pool_spec(114),
    ]
    return pl.pallas_call(
        _gat_block_kernel,
        grid=(nb // G,),
        in_specs=in_specs,
        out_specs=out_specs,
        out_shape=out_shapes,
        compiler_params=pltpu.CompilerParams(dimension_semantics=("parallel",)),
    )(xp, a2, w1, b1, w2, b2, w3, b3, w4, b4)


def _mlp_kernel(res_ref, r1_ref, r2_ref, r3_ref, r4_ref, pc_ref,
                wr, wr1, wr2, wr3, wr4, wpc, bl1, wl2, bl2, wl3, bl3, o_ref):
    f32 = jnp.float32
    t = (jnp.dot(res_ref[...], wr[...], preferred_element_type=f32)
         + jnp.dot(r1_ref[...], wr1[...], preferred_element_type=f32)
         + jnp.dot(r2_ref[...], wr2[...], preferred_element_type=f32)
         + jnp.dot(r3_ref[...], wr3[...], preferred_element_type=f32)
         + jnp.dot(r4_ref[...], wr4[...], preferred_element_type=f32)
         + jnp.dot(pc_ref[...], wpc[...], preferred_element_type=f32)
         + bl1[...])
    t = jnp.maximum(t, 0.0)
    t = jnp.dot(t, wl2[...], preferred_element_type=f32) + bl2[...]
    t = jnp.maximum(t, 0.0)
    o_ref[...] = jnp.dot(t, wl3[...], preferred_element_type=f32) + bl3[...]


def _run_mlp(pieces, wl1_parts, bl1, wl2, bl2, wl3, bl3):
    f32 = jnp.float32
    nb = pieces[0].shape[0]
    w_spec = lambda r, c: pl.BlockSpec((r, c), lambda i: (0, 0))
    d_spec = lambda cols: pl.BlockSpec((MLP_ROWS, cols), lambda i: (i, 0))
    piece_cols = [NPG, NPG * 8, NPG * 64, NPG * 32, NPG * 9, 114]
    return pl.pallas_call(
        _mlp_kernel,
        grid=(nb // MLP_ROWS,),
        in_specs=(
            [d_spec(c) for c in piece_cols]
            + [w_spec(c, 1024) for c in piece_cols]
            + [w_spec(1, 1024), w_spec(1024, 128), w_spec(1, 128),
               w_spec(128, 9), w_spec(1, 9)]
        ),
        out_specs=pl.BlockSpec((MLP_ROWS, 9), lambda i: (i, 0)),
        out_shape=jax.ShapeDtypeStruct((nb, 9), f32),
        compiler_params=pltpu.CompilerParams(dimension_semantics=("parallel",)),
    )(*pieces, *wl1_parts, bl1, wl2, bl2, wl3, bl3)


def kernel(x, edge_index, batch, W1, as1, ad1, b1, W2, as2, ad2, b2,
           W3, as3, ad3, b3, W4, as4, ad4, b4, Wl1, bl1, Wl2, bl2, Wl3, bl3):
    del batch
    f32 = jnp.float32
    src = edge_index[0]
    dst = edge_index[1]

    row = lambda v: v.reshape(1, -1).astype(f32)
    aug = lambda w, a_s, a_d: jnp.concatenate(
        [w, (w @ a_s)[:, None], (w @ a_d)[:, None]], axis=1)
    weights = (aug(W1, as1, ad1), row(b1), aug(W2, as2, ad2), row(b2),
               aug(W3, as3, ad3), row(b3), aug(W4, as4, ad4), row(b4))
    offs = [0, 39, 351, 2847, 4095, 4446, 4560]
    wl1_parts = [Wl1[offs[i]:offs[i + 1]] for i in range(6)]
    bl = (row(bl1), Wl2, row(bl2), Wl3, row(bl3))

    a2 = _build_a(src, dst, B, 0).reshape(B * M, M)
    xp = jnp.pad(x.reshape(B, NPG), ((0, 0), (0, M - NPG))).reshape(B * M, 1)
    h1, h2, h3, h4, pcat = _run_gat(xp, a2, weights)

    res = x.reshape(B, NPG)
    res1 = h1.reshape(B, M, 8)[:, :NPG, :].reshape(B, NPG * 8)
    res2 = h2.reshape(B, M, 64)[:, :NPG, :].reshape(B, NPG * 64)
    res3 = h3.reshape(B, M, 32)[:, :NPG, :].reshape(B, NPG * 32)
    res4 = h4.reshape(B, M, 9)[:, :NPG, :].reshape(B, NPG * 9)
    pieces = (res, res1, res2, res3, res4, pcat)
    return _run_mlp(pieces, wl1_parts, *bl)

# --- scband reference (transcript-rebuilt; emitter-appended) ---
"""Pipeline reference for scband-ccrgnn-16621523436376 (READ-ONLY COPY).

The authoritative reference and input builder live on the scoring server;
editing this copy changes nothing except your own understanding.
"""

import jax, jax.numpy as jnp
import numpy as np

B = 2048
NPG = 39
N = B * NPG
DEG = 16
E = N * DEG


def setup_inputs(seed: int = 0) -> dict:
    key = jax.random.key(seed)
    ks = jax.random.split(key, 32)
    x = jax.random.normal(ks[0], (N, 1), dtype=jnp.float32)
    # within-graph random edges: each graph of 39 nodes gets 39*16 edges
    eg = (jnp.arange(E, dtype=jnp.int32) // (NPG * DEG)) * NPG
    src = jax.random.randint(ks[1], (E,), 0, NPG, dtype=jnp.int32) + eg
    dst = jax.random.randint(ks[2], (E,), 0, NPG, dtype=jnp.int32) + eg
    edge_index = jnp.stack([src, dst])
    batch = jnp.repeat(jnp.arange(B, dtype=jnp.int32), NPG)

    def glorot(k, shp):
        fan = (shp[0] + shp[1]) if len(shp) == 2 else (shp[0] * 2)
        return (jax.random.normal(k, shp, dtype=jnp.float32) * np.sqrt(2.0 / fan)).astype(jnp.float32)

    W1 = glorot(ks[3], (1, 8));   as1 = glorot(ks[4], (8,));  ad1 = glorot(ks[5], (8,));  b1 = jnp.zeros((8,), jnp.float32)
    W2 = glorot(ks[6], (8, 64));  as2 = glorot(ks[7], (64,)); ad2 = glorot(ks[8], (64,)); b2 = jnp.zeros((64,), jnp.float32)
    W3 = glorot(ks[9], (64, 32)); as3 = glorot(ks[10], (32,)); ad3 = glorot(ks[11], (32,)); b3 = jnp.zeros((32,), jnp.float32)
    W4 = glorot(ks[12], (32, 9)); as4 = glorot(ks[13], (9,));  ad4 = glorot(ks[14], (9,));  b4 = jnp.zeros((9,), jnp.float32)
    Wl1 = glorot(ks[15], (4560, 1024)); bl1 = jnp.zeros((1024,), jnp.float32)
    Wl2 = glorot(ks[16], (1024, 128));  bl2 = jnp.zeros((128,), jnp.float32)
    Wl3 = glorot(ks[17], (128, 9));     bl3 = jnp.zeros((9,), jnp.float32)
    return {"x": x, "edge_index": edge_index, "batch": batch,
            "W1": W1, "as1": as1, "ad1": ad1, "b1": b1,
            "W2": W2, "as2": as2, "ad2": ad2, "b2": b2,
            "W3": W3, "as3": as3, "ad3": ad3, "b3": b3,
            "W4": W4, "as4": as4, "ad4": ad4, "b4": b4,
            "Wl1": Wl1, "bl1": bl1, "Wl2": Wl2, "bl2": bl2, "Wl3": Wl3, "bl3": bl3}


def _gat_conv(h_in, src, dst, W, a_s, a_d, b, n_nodes):
    # PyG GATConv, heads=1: linear transform, edge attention, dst-softmax, scatter-add
    h = h_in @ W
    asrc = (h * a_s).sum(-1)
    adst = (h * a_d).sum(-1)
    alpha = jax.nn.leaky_relu(asrc[src] + adst[dst], 0.2)
    amax = jax.ops.segment_max(alpha, dst, num_segments=n_nodes)
    ex = jnp.exp(alpha - amax[dst])
    den = jax.ops.segment_sum(ex, dst, num_segments=n_nodes)
    coef = ex / (den[dst] + 1e-16)
    out = jax.ops.segment_sum(h[src] * coef[:, None], dst, num_segments=n_nodes)
    return out + b


def reference(x, edge_index, batch, W1, as1, ad1, b1, W2, as2, ad2, b2,
              W3, as3, ad3, b3, W4, as4, ad4, b4, Wl1, bl1, Wl2, bl2, Wl3, bl3):
    n_nodes = x.shape[0]
    batch_size = n_nodes // NPG  # == batch.max() + 1
    # GATConv add_self_loops=True
    loop = jnp.arange(n_nodes, dtype=edge_index.dtype)
    src = jnp.concatenate([edge_index[0], loop])
    dst = jnp.concatenate([edge_index[1], loop])

    res = x.reshape(batch_size, -1)
    out0 = jax.ops.segment_max(x.reshape(-1, 1), batch, num_segments=batch_size)
    h = jax.nn.relu(_gat_conv(x.reshape(-1, 1), src, dst, W1, as1, ad1, b1, n_nodes))
    res1 = h.reshape(batch_size, -1)
    out1 = jax.ops.segment_max(h, batch, num_segments=batch_size)
    h = jax.nn.relu(_gat_conv(h, src, dst, W2, as2, ad2, b2, n_nodes))
    res2 = h.reshape(batch_size, -1)
    out2 = jax.ops.segment_max(h, batch, num_segments=batch_size)
    h = jax.nn.relu(_gat_conv(h, src, dst, W3, as3, ad3, b3, n_nodes))
    res3 = h.reshape(batch_size, -1)
    out3 = jax.ops.segment_max(h, batch, num_segments=batch_size)
    h = jax.nn.relu(_gat_conv(h, src, dst, W4, as4, ad4, b4, n_nodes))
    res4 = h.reshape(batch_size, -1)
    out4 = jax.ops.segment_max(h, batch, num_segments=batch_size)

    f = jnp.concatenate([res, res1, res2, res3, res4, out0, out1, out2, out3, out4], axis=1)
    f = jax.nn.relu(f @ Wl1 + bl1)
    f = jax.nn.relu(f @ Wl2 + bl2)
    f = f @ Wl3 + bl3
    return f

if __name__ == "__main__":
    import jax
    _d = setup_inputs()
    print(jax.jit(kernel)(*tuple(_d.values())))

</pallas_src>

<mosaic_0001>
#map = affine_map<(d0, d1) -> (0)>
module attributes {stable_mosaic.version = 14 : i64} {
  func.func @_sc_body(%arg0: i32, %arg1: i32, %arg2: memref<1277952xi32, #tpu.memory_space<hbm>>, %arg3: memref<1277952xi32, #tpu.memory_space<hbm>>, %arg4: memref<3276800xf32, #tpu.memory_space<hbm>>, %arg5: memref<25600xf32, #tpu.memory_space<vmem>>, %arg6: memref<9984xi32, #tpu.memory_space<vmem>>, %arg7: memref<9984xi32, #tpu.memory_space<vmem>>) attributes {dimension_semantics = [#tpu.dimension_semantics<core_parallel>, #tpu.dimension_semantics<subcore_parallel>], iteration_bounds = array<i64: 2, 16>, scalar_prefetch = 0 : i64, scratch_operands = 3 : i64, tpu.core_type = #tpu.core_type<sc_vector_subcore>, window_params = [{transform_indices = #map}, {transform_indices = #map}, {transform_indices = #map}]} {
    %mul3A = arith.constant 2 : i32
    %mul3A_0 = arith.muli %arg1, %mul3A : i32
    %add3A = arith.addi %mul3A_0, %arg0 : i32
    %iota3A = tpu.iota {dimensions = array<i32: 0>} : vector<16xi32>
    %broadcast_in_dim3A = arith.constant 1.000000e+00 : f32
    %broadcast_in_dim3A_1 = vector.broadcast %broadcast_in_dim3A : f32 to vector<16xf32>
    %broadcast_in_dim3A_2 = arith.constant 0.000000e+00 : f32
    %broadcast_in_dim3A_3 = vector.broadcast %broadcast_in_dim3A_2 : f32 to vector<16xf32>
    %scan3A = arith.constant 0 : i32
    %scan3A_4 = arith.constant 0 : i32
    %scan3A_5 = arith.constant 4 : i32
    %scan3A_6 = arith.addi %scan3A_4, %scan3A_5 : i32
    %scan3A_7 = arith.constant 1 : i32
    scf.for %scan3A_9 = %scan3A_4 to %scan3A_6 step %scan3A_7  : i32 {
      %mul3A_10 = arith.constant 64 : i32
      %mul3A_11 = arith.muli %add3A, %mul3A_10 : i32
      %mul3A_12 = arith.constant 16 : i32
      %mul3A_13 = arith.muli %scan3A_9, %mul3A_12 : i32
      %add3A_14 = arith.addi %mul3A_11, %mul3A_13 : i32
      %scan3A_15 = arith.constant 0 : i32
      %scan3A_16 = arith.constant 0 : i32
      %scan3A_17 = arith.constant 200 : i32
      %scan3A_18 = arith.addi %scan3A_16, %scan3A_17 : i32
      %scan3A_19 = arith.constant 1 : i32
      scf.for %scan3A_43 = %scan3A_16 to %scan3A_18 step %scan3A_19  : i32 {
        %mul3A_44 = arith.constant 8 : i32
        %mul3A_45 = arith.muli %scan3A_43, %mul3A_44 : i32
        %add3A_46 = arith.constant 0 : i32
        %add3A_47 = arith.addi %mul3A_45, %add3A_46 : i32
        %mul3A_48 = arith.constant 16 : i32
        %mul3A_49 = arith.muli %add3A_47, %mul3A_48 : i32
        %swap3A = arith.index_cast %mul3A_49 : i32 to index
        %swap3A_50 = tpu.vector_load %arg5[%swap3A] {strides = array<i32>} : memref<25600xf32, #tpu.memory_space<vmem>>, vector<16xf32>,
        tpu.vector_store %arg5[%swap3A], %broadcast_in_dim3A_3 {strides = array<i32>} : memref<25600xf32, #tpu.memory_space<vmem>>, vector<16xf32>,
        %mul3A_51 = arith.constant 8 : i32
        %mul3A_52 = arith.muli %scan3A_43, %mul3A_51 : i32
        %add3A_53 = arith.constant 1 : i32
        %add3A_54 = arith.addi %mul3A_52, %add3A_53 : i32
        %mul3A_55 = arith.constant 16 : i32
        %mul3A_56 = arith.muli %add3A_54, %mul3A_55 : i32
        %swap3A_57 = arith.index_cast %mul3A_56 : i32 to index
        %swap3A_58 = tpu.vector_load %arg5[%swap3A_57] {strides = array<i32>} : memref<25600xf32, #tpu.memory_space<vmem>>, vector<16xf32>,
        tpu.vector_store %arg5[%swap3A_57], %broadcast_in_dim3A_3 {strides = array<i32>} : memref<25600xf32, #tpu.memory_space<vmem>>, vector<16xf32>,
        %mul3A_59 = arith.constant 8 : i32
        %mul3A_60 = arith.muli %scan3A_43, %mul3A_59 : i32
        %add3A_61 = arith.constant 2 : i32
        %add3A_62 = arith.addi %mul3A_60, %add3A_61 : i32
        %mul3A_63 = arith.constant 16 : i32
        %mul3A_64 = arith.muli %add3A_62, %mul3A_63 : i32
        %swap3A_65 = arith.index_cast %mul3A_64 : i32 to index
        %swap3A_66 = tpu.vector_load %arg5[%swap3A_65] {strides = array<i32>} : memref<25600xf32, #tpu.memory_space<vmem>>, vector<16xf32>,
        tpu.vector_store %arg5[%swap3A_65], %broadcast_in_dim3A_3 {strides = array<i32>} : memref<25600xf32, #tpu.memory_space<vmem>>, vector<16xf32>,
        %mul3A_67 = arith.constant 8 : i32
        %mul3A_68 = arith.muli %scan3A_43, %mul3A_67 : i32
        %add3A_69 = arith.constant 3 : i32
        %add3A_70 = arith.addi %mul3A_68, %add3A_69 : i32
        %mul3A_71 = arith.constant 16 : i32
        %mul3A_72 = arith.muli %add3A_70, %mul3A_71 : i32
        %swap3A_73 = arith.index_cast %mul3A_72 : i32 to index
        %swap3A_74 = tpu.vector_load %arg5[%swap3A_73] {strides = array<i32>} : memref<25600xf32, #tpu.memory_space<vmem>>, vector<16xf32>,
        tpu.vector_store %arg5[%swap3A_73], %broadcast_in_dim3A_3 {strides = array<i32>} : memref<25600xf32, #tpu.memory_space<vmem>>, vector<16xf32>,
        %mul3A_75 = arith.constant 8 : i32
        %mul3A_76 = arith.muli %scan3A_43, %mul3A_75 : i32
        %add3A_77 = arith.constant 4 : i32
        %add3A_78 = arith.addi %mul3A_76, %add3A_77 : i32
        %mul3A_79 = arith.constant 16 : i32
        %mul3A_80 = arith.muli %add3A_78, %mul3A_79 : i32
        %swap3A_81 = arith.index_cast %mul3A_80 : i32 to index
        %swap3A_82 = tpu.vector_load %arg5[%swap3A_81] {strides = array<i32>} : memref<25600xf32, #tpu.memory_space<vmem>>, vector<16xf32>,
        tpu.vector_store %arg5[%swap3A_81], %broadcast_in_dim3A_3 {strides = array<i32>} : memref<25600xf32, #tpu.memory_space<vmem>>, vector<16xf32>,
        %mul3A_83 = arith.constant 8 : i32
        %mul3A_84 = arith.muli %scan3A_43, %mul3A_83 : i32
        %add3A_85 = arith.constant 5 : i32
        %add3A_86 = arith.addi %mul3A_84, %add3A_85 : i32
        %mul3A_87 = arith.constant 16 : i32
        %mul3A_88 = arith.muli %add3A_86, %mul3A_87 : i32
        %swap3A_89 = arith.index_cast %mul3A_88 : i32 to index
        %swap3A_90 = tpu.vector_load %arg5[%swap3A_89] {strides = array<i32>} : memref<25600xf32, #tpu.memory_space<vmem>>, vector<16xf32>,
        tpu.vector_store %arg5[%swap3A_89], %broadcast_in_dim3A_3 {strides = array<i32>} : memref<25600xf32, #tpu.memory_space<vmem>>, vector<16xf32>,
        %mul3A_91 = arith.constant 8 : i32
        %mul3A_92 = arith.muli %scan3A_43, %mul3A_91 : i32
        %add3A_93 = arith.constant 6 : i32
        %add3A_94 = arith.addi %mul3A_92, %add3A_93 : i32
        %mul3A_95 = arith.constant 16 : i32
        %mul3A_96 = arith.muli %add3A_94, %mul3A_95 : i32
        %swap3A_97 = arith.index_cast %mul3A_96 : i32 to index
        %swap3A_98 = tpu.vector_load %arg5[%swap3A_97] {strides = array<i32>} : memref<25600xf32, #tpu.memory_space<vmem>>, vector<16xf32>,
        tpu.vector_store %arg5[%swap3A_97], %broadcast_in_dim3A_3 {strides = array<i32>} : memref<25600xf32, #tpu.memory_space<vmem>>, vector<16xf32>,
        %mul3A_99 = arith.constant 8 : i32
        %mul3A_100 = arith.muli %scan3A_43, %mul3A_99 : i32
        %add3A_101 = arith.constant 7 : i32
        %add3A_102 = arith.addi %mul3A_100, %add3A_101 : i32
        %mul3A_103 = arith.constant 16 : i32
        %mul3A_104 = arith.muli %add3A_102, %mul3A_103 : i32
        %swap3A_105 = arith.index_cast %mul3A_104 : i32 to index
        %swap3A_106 = tpu.vector_load %arg5[%swap3A_105] {strides = array<i32>} : memref<25600xf32, #tpu.memory_space<vmem>>, vector<16xf32>,
        tpu.vector_store %arg5[%swap3A_105], %broadcast_in_dim3A_3 {strides = array<i32>} : memref<25600xf32, #tpu.memory_space<vmem>>, vector<16xf32>,
      }
      %scan3A_20 = arith.constant 200 : i32
      %mul3A_21 = arith.constant 624 : i32
      %mul3A_22 = arith.muli %add3A_14, %mul3A_21 : i32
      "tpu.region"() ({
        %run_scoped3A = tpu.sem_alloc : memref<!tpu.dma_semaphore, #tpu.memory_space<semaphore_mem>>
        %dma_start3A = tpu.memref_slice %arg2[%mul3A_22] : memref<1277952xi32, #tpu.memory_space<hbm>> -> memref<9984xi32, #tpu.memory_space<hbm>>
        %dma_start3A_43 = tpu.memref_slice %arg2[%mul3A_22] : memref<1277952xi32, #tpu.memory_space<hbm>> -> memref<9984xi32, #tpu.memory_space<hbm>>
        tpu.enqueue_dma source(%dma_start3A_43 : memref<9984xi32, #tpu.memory_space<hbm>>) target(%arg6 : memref<9984xi32, #tpu.memory_space<vmem>>) target_semaphore(%run_scoped3A : memref<!tpu.dma_semaphore, #tpu.memory_space<semaphore_mem>>)
        %dma_wait3A = tpu.memref_slice %arg2[%mul3A_22] : memref<1277952xi32, #tpu.memory_space<hbm>> -> memref<9984xi32, #tpu.memory_space<hbm>>
        %dma_wait3A_44 = tpu.memref_slice %arg2[%mul3A_22] : memref<1277952xi32, #tpu.memory_space<hbm>> -> memref<9984xi32, #tpu.memory_space<hbm>>
        tpu.wait_dma2 semaphore(%run_scoped3A : memref<!tpu.dma_semaphore, #tpu.memory_space<semaphore_mem>>) src(%dma_wait3A_44 : memref<9984xi32, #tpu.memory_space<hbm>>) dst(%arg6 : memref<9984xi32, #tpu.memory_space<vmem>>)
        tpu.yield
      }) : () -> ()
      %mul3A_23 = arith.constant 624 : i32
      %mul3A_24 = arith.muli %add3A_14, %mul3A_23 : i32
      "tpu.region"() ({
        %run_scoped3A = tpu.sem_alloc : memref<!tpu.dma_semaphore, #tpu.memory_space<semaphore_mem>>
        %dma_start3A = tpu.memref_slice %arg3[%mul3A_24] : memref<1277952xi32, #tpu.memory_space<hbm>> -> memref<9984xi32, #tpu.memory_space<hbm>>
        %dma_start3A_43 = tpu.memref_slice %arg3[%mul3A_24] : memref<1277952xi32, #tpu.memory_space<hbm>> -> memref<9984xi32, #tpu.memory_space<hbm>>
        tpu.enqueue_dma source(%dma_start3A_43 : memref<9984xi32, #tpu.memory_space<hbm>>) target(%arg7 : memref<9984xi32, #tpu.memory_space<vmem>>) target_semaphore(%run_scoped3A : memref<!tpu.dma_semaphore, #tpu.memory_space<semaphore_mem>>)
        %dma_wait3A = tpu.memref_slice %arg3[%mul3A_24] : memref<1277952xi32, #tpu.memory_space<hbm>> -> memref<9984xi32, #tpu.memory_space<hbm>>
        %dma_wait3A_44 = tpu.memref_slice %arg3[%mul3A_24] : memref<1277952xi32, #tpu.memory_space<hbm>> -> memref<9984xi32, #tpu.memory_space<hbm>>
        tpu.wait_dma2 semaphore(%run_scoped3A : memref<!tpu.dma_semaphore, #tpu.memory_space<semaphore_mem>>) src(%dma_wait3A_44 : memref<9984xi32, #tpu.memory_space<hbm>>) dst(%arg7 : memref<9984xi32, #tpu.memory_space<vmem>>)
        tpu.yield
      }) : () -> ()
      %add3A_25 = arith.constant 0 : i32
      %add3A_26 = arith.addi %add3A_25, %add3A_14 : i32
      %add3A_27 = vector.broadcast %add3A_26 : i32 to vector<16xi32>
      %add3A_28 = arith.addi %add3A_27, %iota3A : vector<16xi32>
      %mul3A_29 = arith.constant 39 : i32
      %mul3A_30 = vector.broadcast %mul3A_29 : i32 to vector<16xi32>
      %mul3A_31 = arith.muli %add3A_28, %mul3A_30 : vector<16xi32>
      %mul3A_32 = arith.constant 1600 : i32
      %mul3A_33 = vector.broadcast %mul3A_32 : i32 to vector<16xi32>
      %mul3A_34 = arith.muli %iota3A, %mul3A_33 : vector<16xi32>
      %scan3A_35 = arith.constant 0 : i32
      %scan3A_36 = arith.constant 0 : i32
      %scan3A_37 = arith.constant 78 : i32
      %scan3A_38 = arith.addi %scan3A_36, %scan3A_37 : i32
      %scan3A_39 = arith.constant 1 : i32
      scf.for %scan3A_43 = %scan3A_36 to %scan3A_38 step %scan3A_39  : i32 {
        %mul3A_44 = arith.constant 624 : i32
        %mul3A_45 = vector.broadcast %mul3A_44 : i32 to vector<16xi32>
        %mul3A_46 = arith.muli %iota3A, %mul3A_45 : vector<16xi32>
        %mul3A_47 = arith.constant 8 : i32
        %mul3A_48 = arith.muli %scan3A_43, %mul3A_47 : i32
        %add3A_49 = arith.constant 0 : i32
        %add3A_50 = arith.addi %mul3A_48, %add3A_49 : i32
        %add3A_51 = vector.broadcast %add3A_50 : i32 to vector<16xi32>
        %add3A_52 = arith.addi %mul3A_46, %add3A_51 : vector<16xi32>
        %gather3A = tpu.vector_load_idx %arg6[%add3A_52] : memref<9984xi32, #tpu.memory_space<vmem>>[vector<16xi32>], vector<16xi32>,
        %gather3A_53 = tpu.vector_load_idx %arg7[%add3A_52] : memref<9984xi32, #tpu.memory_space<vmem>>[vector<16xi32>], vector<16xi32>,
        %sub3A = arith.subi %gather3A_53, %mul3A_31 : vector<16xi32>
        %mul3A_54 = arith.constant 40 : i32
        %mul3A_55 = vector.broadcast %mul3A_54 : i32 to vector<16xi32>
        %mul3A_56 = arith.muli %sub3A, %mul3A_55 : vector<16xi32>
        %add3A_57 = arith.addi %mul3A_34, %mul3A_56 : vector<16xi32>
        %sub3A_58 = arith.subi %gather3A, %mul3A_31 : vector<16xi32>
        %add3A_59 = arith.addi %add3A_57, %sub3A_58 : vector<16xi32>
        tpu.vector_store_idx %arg5[%add3A_59], %broadcast_in_dim3A_1 {add = true} : memref<25600xf32, #tpu.memory_space<vmem>>[vector<16xi32>], vector<16xf32>,
        %mul3A_60 = arith.constant 624 : i32
        %mul3A_61 = vector.broadcast %mul3A_60 : i32 to vector<16xi32>
        %mul3A_62 = arith.muli %iota3A, %mul3A_61 : vector<16xi32>
        %mul3A_63 = arith.constant 8 : i32
        %mul3A_64 = arith.muli %scan3A_43, %mul3A_63 : i32
        %add3A_65 = arith.constant 1 : i32
        %add3A_66 = arith.addi %mul3A_64, %add3A_65 : i32
        %add3A_67 = vector.broadcast %add3A_66 : i32 to vector<16xi32>
        %add3A_68 = arith.addi %mul3A_62, %add3A_67 : vector<16xi32>
        %gather3A_69 = tpu.vector_load_idx %arg6[%add3A_68] : memref<9984xi32, #tpu.memory_space<vmem>>[vector<16xi32>], vector<16xi32>,
        %gather3A_70 = tpu.vector_load_idx %arg7[%add3A_68] : memref<9984xi32, #tpu.memory_space<vmem>>[vector<16xi32>], vector<16xi32>,
        %sub3A_71 = arith.subi %gather3A_70, %mul3A_31 : vector<16xi32>
        %mul3A_72 = arith.constant 40 : i32
        %mul3A_73 = vector.broadcast %mul3A_72 : i32 to vector<16xi32>
        %mul3A_74 = arith.muli %sub3A_71, %mul3A_73 : vector<16xi32>
        %add3A_75 = arith.addi %mul3A_34, %mul3A_74 : vector<16xi32>
        %sub3A_76 = arith.subi %gather3A_69, %mul3A_31 : vector<16xi32>
        %add3A_77 = arith.addi %add3A_75, %sub3A_76 : vector<16xi32>
        tpu.vector_store_idx %arg5[%add3A_77], %broadcast_in_dim3A_1 {add = true} : memref<25600xf32, #tpu.memory_space<vmem>>[vector<16xi32>], vector<16xf32>,
        %mul3A_78 = arith.constant 624 : i32
        %mul3A_79 = vector.broadcast %mul3A_78 : i32 to vector<16xi32>
        %mul3A_80 = arith.muli %iota3A, %mul3A_79 : vector<16xi32>
        %mul3A_81 = arith.constant 8 : i32
        %mul3A_82 = arith.muli %scan3A_43, %mul3A_81 : i32
        %add3A_83 = arith.constant 2 : i32
        %add3A_84 = arith.addi %mul3A_82, %add3A_83 : i32
        %add3A_85 = vector.broadcast %add3A_84 : i32 to vector<16xi32>
        %add3A_86 = arith.addi %mul3A_80, %add3A_85 : vector<16xi32>
        %gather3A_87 = tpu.vector_load_idx %arg6[%add3A_86] : memref<9984xi32, #tpu.memory_space<vmem>>[vector<16xi32>], vector<16xi32>,
        %gather3A_88 = tpu.vector_load_idx %arg7[%add3A_86] : memref<9984xi32, #tpu.memory_space<vmem>>[vector<16xi32>], vector<16xi32>,
        %sub3A_89 = arith.subi %gather3A_88, %mul3A_31 : vector<16xi32>
        %mul3A_90 = arith.constant 40 : i32
        %mul3A_91 = vector.broadcast %mul3A_90 : i32 to vector<16xi32>
        %mul3A_92 = arith.muli %sub3A_89, %mul3A_91 : vector<16xi32>
        %add3A_93 = arith.addi %mul3A_34, %mul3A_92 : vector<16xi32>
        %sub3A_94 = arith.subi %gather3A_87, %mul3A_31 : vector<16xi32>
        %add3A_95 = arith.addi %add3A_93, %sub3A_94 : vector<16xi32>
        tpu.vector_store_idx %arg5[%add3A_95], %broadcast_in_dim3A_1 {add = true} : memref<25600xf32, #tpu.memory_space<vmem>>[vector<16xi32>], vector<16xf32>,
        %mul3A_96 = arith.constant 624 : i32
        %mul3A_97 = vector.broadcast %mul3A_96 : i32 to vector<16xi32>
        %mul3A_98 = arith.muli %iota3A, %mul3A_97 : vector<16xi32>
        %mul3A_99 = arith.constant 8 : i32
        %mul3A_100 = arith.muli %scan3A_43, %mul3A_99 : i32
        %add3A_101 = arith.constant 3 : i32
        %add3A_102 = arith.addi %mul3A_100, %add3A_101 : i32
        %add3A_103 = vector.broadcast %add3A_102 : i32 to vector<16xi32>
        %add3A_104 = arith.addi %mul3A_98, %add3A_103 : vector<16xi32>
        %gather3A_105 = tpu.vector_load_idx %arg6[%add3A_104] : memref<9984xi32, #tpu.memory_space<vmem>>[vector<16xi32>], vector<16xi32>,
        %gather3A_106 = tpu.vector_load_idx %arg7[%add3A_104] : memref<9984xi32, #tpu.memory_space<vmem>>[vector<16xi32>], vector<16xi32>,
        %sub3A_107 = arith.subi %gather3A_106, %mul3A_31 : vector<16xi32>
        %mul3A_108 = arith.constant 40 : i32
        %mul3A_109 = vector.broadcast %mul3A_108 : i32 to vector<16xi32>
        %mul3A_110 = arith.muli %sub3A_107, %mul3A_109 : vector<16xi32>
        %add3A_111 = arith.addi %mul3A_34, %mul3A_110 : vector<16xi32>
        %sub3A_112 = arith.subi %gather3A_105, %mul3A_31 : vector<16xi32>
        %add3A_113 = arith.addi %add3A_111, %sub3A_112 : vector<16xi32>
        tpu.vector_store_idx %arg5[%add3A_113], %broadcast_in_dim3A_1 {add = true} : memref<25600xf32, #tpu.memory_space<vmem>>[vector<16xi32>], vector<16xf32>,
        %mul3A_114 = arith.constant 624 : i32
        %mul3A_115 = vector.broadcast %mul3A_114 : i32 to vector<16xi32>
        %mul3A_116 = arith.muli %iota3A, %mul3A_115 : vector<16xi32>
        %mul3A_117 = arith.constant 8 : i32
        %mul3A_118 = arith.muli %scan3A_43, %mul3A_117 : i32
        %add3A_119 = arith.constant 4 : i32
        %add3A_120 = arith.addi %mul3A_118, %add3A_119 : i32
        %add3A_121 = vector.broadcast %add3A_120 : i32 to vector<16xi32>
        %add3A_122 = arith.addi %mul3A_116, %add3A_121 : vector<16xi32>
        %gather3A_123 = tpu.vector_load_idx %arg6[%add3A_122] : memref<9984xi32, #tpu.memory_space<vmem>>[vector<16xi32>], vector<16xi32>,
        %gather3A_124 = tpu.vector_load_idx %arg7[%add3A_122] : memref<9984xi32, #tpu.memory_space<vmem>>[vector<16xi32>], vector<16xi32>,
        %sub3A_125 = arith.subi %gather3A_124, %mul3A_31 : vector<16xi32>
        %mul3A_126 = arith.constant 40 : i32
        %mul3A_127 = vector.broadcast %mul3A_126 : i32 to vector<16xi32>
        %mul3A_128 = arith.muli %sub3A_125, %mul3A_127 : vector<16xi32>
        %add3A_129 = arith.addi %mul3A_34, %mul3A_128 : vector<16xi32>
        %sub3A_130 = arith.subi %gather3A_123, %mul3A_31 : vector<16xi32>
        %add3A_131 = arith.addi %add3A_129, %sub3A_130 : vector<16xi32>
        tpu.vector_store_idx %arg5[%add3A_131], %broadcast_in_dim3A_1 {add = true} : memref<25600xf32, #tpu.memory_space<vmem>>[vector<16xi32>], vector<16xf32>,
        %mul3A_132 = arith.constant 624 : i32
        %mul3A_133 = vector.broadcast %mul3A_132 : i32 to vector<16xi32>
        %mul3A_134 = arith.muli %iota3A, %mul3A_133 : vector<16xi32>
        %mul3A_135 = arith.constant 8 : i32
        %mul3A_136 = arith.muli %scan3A_43, %mul3A_135 : i32
        %add3A_137 = arith.constant 5 : i32
        %add3A_138 = arith.addi %mul3A_136, %add3A_137 : i32
        %add3A_139 = vector.broadcast %add3A_138 : i32 to vector<16xi32>
        %add3A_140 = arith.addi %mul3A_134, %add3A_139 : vector<16xi32>
        %gather3A_141 = tpu.vector_load_idx %arg6[%add3A_140] : memref<9984xi32, #tpu.memory_space<vmem>>[vector<16xi32>], vector<16xi32>,
        %gather3A_142 = tpu.vector_load_idx %arg7[%add3A_140] : memref<9984xi32, #tpu.memory_space<vmem>>[vector<16xi32>], vector<16xi32>,
        %sub3A_143 = arith.subi %gather3A_142, %mul3A_31 : vector<16xi32>
        %mul3A_144 = arith.constant 40 : i32
        %mul3A_145 = vector.broadcast %mul3A_144 : i32 to vector<16xi32>
        %mul3A_146 = arith.muli %sub3A_143, %mul3A_145 : vector<16xi32>
        %add3A_147 = arith.addi %mul3A_34, %mul3A_146 : vector<16xi32>
        %sub3A_148 = arith.subi %gather3A_141, %mul3A_31 : vector<16xi32>
        %add3A_149 = arith.addi %add3A_147, %sub3A_148 : vector<16xi32>
        tpu.vector_store_idx %arg5[%add3A_149], %broadcast_in_dim3A_1 {add = true} : memref<25600xf32, #tpu.memory_space<vmem>>[vector<16xi32>], vector<16xf32>,
        %mul3A_150 = arith.constant 624 : i32
        %mul3A_151 = vector.broadcast %mul3A_150 : i32 to vector<16xi32>
        %mul3A_152 = arith.muli %iota3A, %mul3A_151 : vector<16xi32>
        %mul3A_153 = arith.constant 8 : i32
        %mul3A_154 = arith.muli %scan3A_43, %mul3A_153 : i32
        %add3A_155 = arith.constant 6 : i32
        %add3A_156 = arith.addi %mul3A_154, %add3A_155 : i32
        %add3A_157 = vector.broadcast %add3A_156 : i32 to vector<16xi32>
        %add3A_158 = arith.addi %mul3A_152, %add3A_157 : vector<16xi32>
        %gather3A_159 = tpu.vector_load_idx %arg6[%add3A_158] : memref<9984xi32, #tpu.memory_space<vmem>>[vector<16xi32>], vector<16xi32>,
        %gather3A_160 = tpu.vector_load_idx %arg7[%add3A_158] : memref<9984xi32, #tpu.memory_space<vmem>>[vector<16xi32>], vector<16xi32>,
        %sub3A_161 = arith.subi %gather3A_160, %mul3A_31 : vector<16xi32>
        %mul3A_162 = arith.constant 40 : i32
        %mul3A_163 = vector.broadcast %mul3A_162 : i32 to vector<16xi32>
        %mul3A_164 = arith.muli %sub3A_161, %mul3A_163 : vector<16xi32>
        %add3A_165 = arith.addi %mul3A_34, %mul3A_164 : vector<16xi32>
        %sub3A_166 = arith.subi %gather3A_159, %mul3A_31 : vector<16xi32>
        %add3A_167 = arith.addi %add3A_165, %sub3A_166 : vector<16xi32>
        tpu.vector_store_idx %arg5[%add3A_167], %broadcast_in_dim3A_1 {add = true} : memref<25600xf32, #tpu.memory_space<vmem>>[vector<16xi32>], vector<16xf32>,
        %mul3A_168 = arith.constant 624 : i32
        %mul3A_169 = vector.broadcast %mul3A_168 : i32 to vector<16xi32>
        %mul3A_170 = arith.muli %iota3A, %mul3A_169 : vector<16xi32>
        %mul3A_171 = arith.constant 8 : i32
        %mul3A_172 = arith.muli %scan3A_43, %mul3A_171 : i32
        %add3A_173 = arith.constant 7 : i32
        %add3A_174 = arith.addi %mul3A_172, %add3A_173 : i32
        %add3A_175 = vector.broadcast %add3A_174 : i32 to vector<16xi32>
        %add3A_176 = arith.addi %mul3A_170, %add3A_175 : vector<16xi32>
        %gather3A_177 = tpu.vector_load_idx %arg6[%add3A_176] : memref<9984xi32, #tpu.memory_space<vmem>>[vector<16xi32>], vector<16xi32>,
        %gather3A_178 = tpu.vector_load_idx %arg7[%add3A_176] : memref<9984xi32, #tpu.memory_space<vmem>>[vector<16xi32>], vector<16xi32>,
        %sub3A_179 = arith.subi %gather3A_178, %mul3A_31 : vector<16xi32>
        %mul3A_180 = arith.constant 40 : i32
        %mul3A_181 = vector.broadcast %mul3A_180 : i32 to vector<16xi32>
        %mul3A_182 = arith.muli %sub3A_179, %mul3A_181 : vector<16xi32>
        %add3A_183 = arith.addi %mul3A_34, %mul3A_182 : vector<16xi32>
        %sub3A_184 = arith.subi %gather3A_177, %mul3A_31 : vector<16xi32>
        %add3A_185 = arith.addi %add3A_183, %sub3A_184 : vector<16xi32>
        tpu.vector_store_idx %arg5[%add3A_185], %broadcast_in_dim3A_1 {add = true} : memref<25600xf32, #tpu.memory_space<vmem>>[vector<16xi32>], vector<16xf32>,
      }
      %scan3A_40 = arith.constant 78 : i32
      %mul3A_41 = arith.constant 1600 : i32
      %mul3A_42 = arith.muli %add3A_14, %mul3A_41 : i32
      "tpu.region"() ({
        %run_scoped3A = tpu.sem_alloc : memref<!tpu.dma_semaphore, #tpu.memory_space<semaphore_mem>>
        %dma_start3A = tpu.memref_slice %arg4[%mul3A_42] : memref<3276800xf32, #tpu.memory_space<hbm>> -> memref<25600xf32, #tpu.memory_space<hbm>>
        %dma_start3A_43 = tpu.memref_slice %arg4[%mul3A_42] : memref<3276800xf32, #tpu.memory_space<hbm>> -> memref<25600xf32, #tpu.memory_space<hbm>>
        tpu.enqueue_dma source(%arg5 : memref<25600xf32, #tpu.memory_space<vmem>>) target(%dma_start3A_43 : memref<25600xf32, #tpu.memory_space<hbm>>) target_semaphore(%run_scoped3A : memref<!tpu.dma_semaphore, #tpu.memory_space<semaphore_mem>>)
        %dma_wait3A = tpu.memref_slice %arg4[%mul3A_42] : memref<3276800xf32, #tpu.memory_space<hbm>> -> memref<25600xf32, #tpu.memory_space<hbm>>
        %dma_wait3A_44 = tpu.memref_slice %arg4[%mul3A_42] : memref<3276800xf32, #tpu.memory_space<hbm>> -> memref<25600xf32, #tpu.memory_space<hbm>>
        tpu.wait_dma2 semaphore(%run_scoped3A : memref<!tpu.dma_semaphore, #tpu.memory_space<semaphore_mem>>) src(%arg5 : memref<25600xf32, #tpu.memory_space<vmem>>) dst(%dma_wait3A_44 : memref<25600xf32, #tpu.memory_space<hbm>>)
        tpu.yield
      }) : () -> ()
    }
    %scan3A_8 = arith.constant 4 : i32
    return
  }
}

module attributes {stable_mosaic.version = 14 : i64} {
  func.func @_gat_block_kernel(%arg0: i32, %arg1: memref<2560x1xf32, #tpu.memory_space<vmem>>, %arg2: memref<2560x40xf32, #tpu.memory_space<vmem>>, %arg3: memref<1x10xf32, #tpu.memory_space<vmem>>, %arg4: memref<1x8xf32, #tpu.memory_space<vmem>>, %arg5: memref<8x66xf32, #tpu.memory_space<vmem>>, %arg6: memref<1x64xf32, #tpu.memory_space<vmem>>, %arg7: memref<64x34xf32, #tpu.memory_space<vmem>>, %arg8: memref<1x32xf32, #tpu.memory_space<vmem>>, %arg9: memref<32x11xf32, #tpu.memory_space<vmem>>, %arg10: memref<1x9xf32, #tpu.memory_space<vmem>>, %arg11: memref<2560x8xf32, #tpu.memory_space<vmem>>, %arg12: memref<2560x64xf32, #tpu.memory_space<vmem>>, %arg13: memref<2560x32xf32, #tpu.memory_space<vmem>>, %arg14: memref<2560x9xf32, #tpu.memory_space<vmem>>, %arg15: memref<64x114xf32, #tpu.memory_space<vmem>>) attributes {dimension_semantics = [#tpu.dimension_semantics<parallel>], iteration_bounds = array<i64: 32>, scalar_prefetch = 0 : i64, scratch_operands = 0 : i64, tpu.core_type = #tpu.core_type<tc>, window_params = [{transform_indices = @transform_0, window_bounds = array<i64: 2560, 1>}, {transform_indices = @transform_1, window_bounds = array<i64: 2560, 40>}, {pipeline_mode = #tpu.pipeline_mode<synchronous>, transform_indices = @transform_2, window_bounds = array<i64: 1, 10>}, {pipeline_mode = #tpu.pipeline_mode<synchronous>, transform_indices = @transform_3, window_bounds = array<i64: 1, 8>}, {pipeline_mode = #tpu.pipeline_mode<synchronous>, transform_indices = @transform_4, window_bounds = array<i64: 8, 66>}, {pipeline_mode = #tpu.pipeline_mode<synchronous>, transform_indices = @transform_5, window_bounds = array<i64: 1, 64>}, {pipeline_mode = #tpu.pipeline_mode<synchronous>, transform_indices = @transform_6, window_bounds = array<i64: 64, 34>}, {pipeline_mode = #tpu.pipeline_mode<synchronous>, transform_indices = @transform_7, window_bounds = array<i64: 1, 32>}, {pipeline_mode = #tpu.pipeline_mode<synchronous>, transform_indices = @transform_8, window_bounds = array<i64: 32, 11>}, {pipeline_mode = #tpu.pipeline_mode<synchronous>, transform_indices = @transform_9, window_bounds = array<i64: 1, 9>}, {transform_indices = @transform_10, window_bounds = array<i64: 2560, 8>}, {transform_indices = @transform_11, window_bounds = array<i64: 2560, 64>}, {transform_indices = @transform_12, window_bounds = array<i64: 2560, 32>}, {transform_indices = @transform_13, window_bounds = array<i64: 2560, 9>}, {transform_indices = @transform_14, window_bounds = array<i64: 64, 114>}]} {
    %iota3A = tpu.iota {dimensions = array<i32: 0>} : vector<2560x1xi32>
    %jit3A = arith.constant 40 : i32
    %eq3A = arith.constant 0 : i32
    %eq3A_0 = arith.cmpi eq, %jit3A, %eq3A : i32
    %jit3A_1 = arith.constant 1 : i32
    %select_n3A = arith.select %eq3A_0, %jit3A_1, %jit3A : i32
    %rem3A = vector.broadcast %select_n3A : i32 to vector<2560x1xi32>
    %rem3A_2 = arith.remsi %iota3A, %rem3A : vector<2560x1xi32>
    %ne3A = arith.constant 0 : i32
    %ne3A_3 = vector.broadcast %ne3A : i32 to vector<2560x1xi32>
    %ne3A_4 = arith.cmpi ne, %rem3A_2, %ne3A_3 : vector<2560x1xi32>
    %lt3A = arith.constant 0 : i32
    %lt3A_5 = vector.broadcast %lt3A : i32 to vector<2560x1xi32>
    %lt3A_6 = arith.cmpi slt, %rem3A_2, %lt3A_5 : vector<2560x1xi32>
    %lt3A_7 = arith.constant 0 : i32
    %lt3A_8 = arith.cmpi slt, %select_n3A, %lt3A_7 : i32
    %ne3A_9 = vector.broadcast %lt3A_8 : i1 to vector<2560x1xi1>
    %ne3A_10 = vector.broadcast %ne3A_9 : vector<2560x1xi1> to vector<2560x1xi1>
    %ne3A_11 = arith.xori %lt3A_6, %ne3A_10 : vector<2560x1xi1>
    %and3A = arith.andi %ne3A_11, %ne3A_4 : vector<2560x1xi1>
    %add3A = vector.broadcast %select_n3A : i32 to vector<2560x1xi32>
    %add3A_12 = arith.addi %rem3A_2, %add3A : vector<2560x1xi32>
    %select_n3A_13 = arith.select %and3A, %add3A_12, %rem3A_2 : vector<2560x1xi1>, vector<2560x1xi32>
    %lt3A_14 = arith.constant 39 : i32
    %lt3A_15 = vector.broadcast %lt3A_14 : i32 to vector<2560x1xi32>
    %lt3A_16 = arith.cmpi slt, %select_n3A_13, %lt3A_15 : vector<2560x1xi32>
    %iota3A_17 = tpu.iota {dimensions = array<i32: 1>} : vector<2560x40xi32>
    %eq3A_18 = vector.broadcast %select_n3A_13 : vector<2560x1xi32> to vector<2560x40xi32>
    %eq3A_19 = arith.cmpi eq, %iota3A_17, %eq3A_18 : vector<2560x40xi32>
    %convert_element_type3A = arith.extui %eq3A_19 : vector<2560x40xi1> to vector<2560x40xi32>
    %convert_element_type3A_20 = arith.sitofp %convert_element_type3A : vector<2560x40xi32> to vector<2560x40xf32>
    %eq3A_21 = vector.broadcast %select_n3A_13 : vector<2560x1xi32> to vector<2560x40xi32>
    %eq3A_22 = arith.cmpi eq, %iota3A_17, %eq3A_21 : vector<2560x40xi32>
    %and3A_23 = vector.broadcast %lt3A_16 : vector<2560x1xi1> to vector<2560x40xi1>
    %and3A_24 = arith.andi %eq3A_22, %and3A_23 : vector<2560x40xi1>
    %jit3A_25 = arith.constant 1.000000e+00 : f32
    %jit3A_26 = arith.constant 0.000000e+00 : f32
    %broadcast_in_dim3A = vector.broadcast %jit3A_25 : f32 to vector<2560x40xf32>
    %broadcast_in_dim3A_27 = vector.broadcast %jit3A_26 : f32 to vector<2560x40xf32>
    %select_n3A_28 = arith.select %and3A_24, %broadcast_in_dim3A, %broadcast_in_dim3A_27 : vector<2560x40xi1>, vector<2560x40xf32>
    %get3A = arith.constant 0 : index
    %get3A_29 = arith.constant 0 : index
    %get3A_30 = vector.load %arg2[%get3A, %get3A_29] : memref<2560x40xf32, #tpu.memory_space<vmem>>, vector<2560x40xf32>
    %add3A_31 = arith.addf %get3A_30, %select_n3A_28 : vector<2560x40xf32>
    %gt3A = arith.constant 0.000000e+00 : f32
    %gt3A_32 = vector.broadcast %gt3A : f32 to vector<2560x40xf32>
    %gt3A_33 = arith.cmpf ogt, %add3A_31, %gt3A_32 : vector<2560x40xf32>
    %iota3A_34 = tpu.iota {dimensions = array<i32: 1>} : vector<64x2560xi32>
    %jit3A_35 = arith.constant 40 : i32
    %div3A = vector.broadcast %jit3A_35 : i32 to vector<64x2560xi32>
    %div3A_36 = arith.divsi %iota3A_34, %div3A : vector<64x2560xi32>
    %sign3A = arith.constant 0 : i32
    %sign3A_37 = vector.broadcast %sign3A : i32 to vector<64x2560xi32>
    %sign3A_38 = arith.cmpi sgt, %iota3A_34, %sign3A_37 : vector<64x2560xi32>
    %sign3A_39 = arith.extui %sign3A_38 : vector<64x2560xi1> to vector<64x2560xi32>
    %sign3A_40 = arith.constant 0 : i32
    %sign3A_41 = vector.broadcast %sign3A_40 : i32 to vector<64x2560xi32>
    %sign3A_42 = arith.cmpi slt, %iota3A_34, %sign3A_41 : vector<64x2560xi32>
    %sign3A_43 = arith.extui %sign3A_42 : vector<64x2560xi1> to vector<64x2560xi32>
    %sign3A_44 = arith.subi %sign3A_39, %sign3A_43 : vector<64x2560xi32>
    %sign3A_45 = arith.constant 0 : i32
    %sign3A_46 = arith.cmpi sgt, %jit3A_35, %sign3A_45 : i32
    %sign3A_47 = arith.extui %sign3A_46 : i1 to i32
    %sign3A_48 = arith.constant 0 : i32
    %sign3A_49 = arith.cmpi slt, %jit3A_35, %sign3A_48 : i32
    %sign3A_50 = arith.extui %sign3A_49 : i1 to i32
    %sign3A_51 = arith.subi %sign3A_47, %sign3A_50 : i32
    %ne3A_52 = vector.broadcast %sign3A_51 : i32 to vector<64x2560xi32>
    %ne3A_53 = arith.cmpi ne, %sign3A_44, %ne3A_52 : vector<64x2560xi32>
    %rem3A_54 = vector.broadcast %jit3A_35 : i32 to vector<64x2560xi32>
    %rem3A_55 = arith.remsi %iota3A_34, %rem3A_54 : vector<64x2560xi32>
    %ne3A_56 = arith.constant 0 : i32
    %ne3A_57 = vector.broadcast %ne3A_56 : i32 to vector<64x2560xi32>
    %ne3A_58 = arith.cmpi ne, %rem3A_55, %ne3A_57 : vector<64x2560xi32>
    %and3A_59 = arith.andi %ne3A_53, %ne3A_58 : vector<64x2560xi1>
    %sub3A = arith.constant 1 : i32
    %sub3A_60 = vector.broadcast %sub3A : i32 to vector<64x2560xi32>
    %sub3A_61 = arith.subi %div3A_36, %sub3A_60 : vector<64x2560xi32>
    %select_n3A_62 = arith.select %and3A_59, %sub3A_61, %div3A_36 : vector<64x2560xi1>, vector<64x2560xi32>
    %iota3A_63 = tpu.iota {dimensions = array<i32: 0>} : vector<64x2560xi32>
    %eq3A_64 = arith.cmpi eq, %select_n3A_62, %iota3A_63 : vector<64x2560xi32>
    %convert_element_type3A_65 = arith.extui %eq3A_64 : vector<64x2560xi1> to vector<64x2560xi32>
    %convert_element_type3A_66 = arith.sitofp %convert_element_type3A_65 : vector<64x2560xi32> to vector<64x2560xf32>
    %iota3A_67 = tpu.iota {dimensions = array<i32: 0>} : vector<2560x64xi32>
    %jit3A_68 = arith.constant 40 : i32
    %div3A_69 = vector.broadcast %jit3A_68 : i32 to vector<2560x64xi32>
    %div3A_70 = arith.divsi %iota3A_67, %div3A_69 : vector<2560x64xi32>
    %sign3A_71 = arith.constant 0 : i32
    %sign3A_72 = vector.broadcast %sign3A_71 : i32 to vector<2560x64xi32>
    %sign3A_73 = arith.cmpi sgt, %iota3A_67, %sign3A_72 : vector<2560x64xi32>
    %sign3A_74 = arith.extui %sign3A_73 : vector<2560x64xi1> to vector<2560x64xi32>
    %sign3A_75 = arith.constant 0 : i32
    %sign3A_76 = vector.broadcast %sign3A_75 : i32 to vector<2560x64xi32>
    %sign3A_77 = arith.cmpi slt, %iota3A_67, %sign3A_76 : vector<2560x64xi32>
    %sign3A_78 = arith.extui %sign3A_77 : vector<2560x64xi1> to vector<2560x64xi32>
    %sign3A_79 = arith.subi %sign3A_74, %sign3A_78 : vector<2560x64xi32>
    %sign3A_80 = arith.constant 0 : i32
    %sign3A_81 = arith.cmpi sgt, %jit3A_68, %sign3A_80 : i32
    %sign3A_82 = arith.extui %sign3A_81 : i1 to i32
    %sign3A_83 = arith.constant 0 : i32
    %sign3A_84 = arith.cmpi slt, %jit3A_68, %sign3A_83 : i32
    %sign3A_85 = arith.extui %sign3A_84 : i1 to i32
    %sign3A_86 = arith.subi %sign3A_82, %sign3A_85 : i32
    %ne3A_87 = vector.broadcast %sign3A_86 : i32 to vector<2560x64xi32>
    %ne3A_88 = arith.cmpi ne, %sign3A_79, %ne3A_87 : vector<2560x64xi32>
    %rem3A_89 = vector.broadcast %jit3A_68 : i32 to vector<2560x64xi32>
    %rem3A_90 = arith.remsi %iota3A_67, %rem3A_89 : vector<2560x64xi32>
    %ne3A_91 = arith.constant 0 : i32
    %ne3A_92 = vector.broadcast %ne3A_91 : i32 to vector<2560x64xi32>
    %ne3A_93 = arith.cmpi ne, %rem3A_90, %ne3A_92 : vector<2560x64xi32>
    %and3A_94 = arith.andi %ne3A_88, %ne3A_93 : vector<2560x64xi1>
    %sub3A_95 = arith.constant 1 : i32
    %sub3A_96 = vector.broadcast %sub3A_95 : i32 to vector<2560x64xi32>
    %sub3A_97 = arith.subi %div3A_70, %sub3A_96 : vector<2560x64xi32>
    %select_n3A_98 = arith.select %and3A_94, %sub3A_97, %div3A_70 : vector<2560x64xi1>, vector<2560x64xi32>
    %iota3A_99 = tpu.iota {dimensions = array<i32: 1>} : vector<2560x64xi32>
    %eq3A_100 = arith.cmpi eq, %select_n3A_98, %iota3A_99 : vector<2560x64xi32>
    %convert_element_type3A_101 = arith.extui %eq3A_100 : vector<2560x64xi1> to vector<2560x64xi32>
    %convert_element_type3A_102 = arith.sitofp %convert_element_type3A_101 : vector<2560x64xi32> to vector<2560x64xf32>
    %broadcast_in_dim3A_103 = arith.constant 1.000000e+00 : f32
    %broadcast_in_dim3A_104 = vector.broadcast %broadcast_in_dim3A_103 : f32 to vector<2560x1xf32>
    %get3A_105 = arith.constant 0 : index
    %get3A_106 = arith.constant 0 : index
    %get3A_107 = vector.load %arg1[%get3A_105, %get3A_106] : memref<2560x1xf32, #tpu.memory_space<vmem>>, vector<2560x1xf32>
    %jit3A_108 = arith.constant -3.000000e+38 : f32
    %broadcast_in_dim3A_109 = vector.broadcast %jit3A_108 : f32 to vector<2560x1xf32>
    %select_n3A_110 = arith.select %lt3A_16, %get3A_107, %broadcast_in_dim3A_109 : vector<2560x1xi1>, vector<2560x1xf32>
    %reshape3A = vector.shape_cast %select_n3A_110 : vector<2560x1xf32> to vector<64x40x1xf32>
    %reduce_max3A = arith.constant dense<0xFF800000> : vector<64x1xf32>
    %reduce_max3A_111 = vector.multi_reduction <maximumf>, %reshape3A, %reduce_max3A [1] : vector<64x40x1xf32> to vector<64x1xf32>
    %get3A_112 = arith.constant 0 : index
    %get3A_113 = arith.constant 0 : index
    %get3A_114 = vector.load %arg3[%get3A_112, %get3A_113] : memref<1x10xf32, #tpu.memory_space<vmem>>, vector<1x10xf32>
    %mul3A = vector.broadcast %get3A_107 : vector<2560x1xf32> to vector<2560x10xf32>
    %mul3A_115 = vector.broadcast %get3A_114 : vector<1x10xf32> to vector<2560x10xf32>
    %mul3A_116 = arith.mulf %mul3A, %mul3A_115 : vector<2560x10xf32>
    %slice3A = vector.extract_strided_slice %mul3A_116 {offsets = [0, 0], sizes = [2560, 8], strides = [1, 1]} : vector<2560x10xf32> to vector<2560x8xf32>
    %slice3A_117 = vector.extract_strided_slice %mul3A_116 {offsets = [0, 8], sizes = [2560, 1], strides = [1, 1]} : vector<2560x10xf32> to vector<2560x1xf32>
    %slice3A_118 = vector.extract_strided_slice %mul3A_116 {offsets = [0, 9], sizes = [2560, 1], strides = [1, 1]} : vector<2560x10xf32> to vector<2560x1xf32>
    %mul3A_119 = vector.broadcast %slice3A_117 : vector<2560x1xf32> to vector<2560x40xf32>
    %mul3A_120 = arith.mulf %mul3A_119, %convert_element_type3A_20 : vector<2560x40xf32>
    %dot_general3A = arith.constant dense<0.000000e+00> : vector<64x40xf32>
    %dot_general3A_121 = tpu.matmul %convert_element_type3A_66, %mul3A_120, %dot_general3A {dimension_numbers = #tpu.dot_dimension_numbers<[1], [0], [0], [1], [0, 0, 1, 1], [], []>, transpose_lhs_hint = false} : vector<64x2560xf32>, vector<2560x40xf32>, vector<64x40xf32> -> vector<64x40xf32>
    %dot_general3A_122 = arith.constant dense<0.000000e+00> : vector<2560x40xf32>
    %dot_general3A_123 = tpu.matmul %convert_element_type3A_102, %dot_general3A_121, %dot_general3A_122 {dimension_numbers = #tpu.dot_dimension_numbers<[1], [0], [0], [1], [0, 0, 1, 1], [], []>, transpose_lhs_hint = false} : vector<2560x64xf32>, vector<64x40xf32>, vector<2560x40xf32> -> vector<2560x40xf32>
    %add3A_124 = vector.broadcast %slice3A_118 : vector<2560x1xf32> to vector<2560x40xf32>
    %add3A_125 = arith.addf %dot_general3A_123, %add3A_124 : vector<2560x40xf32>
    %ge3A = arith.constant 0.000000e+00 : f32
    %ge3A_126 = vector.broadcast %ge3A : f32 to vector<2560x40xf32>
    %ge3A_127 = arith.cmpf oge, %add3A_125, %ge3A_126 : vector<2560x40xf32>
    %mul3A_128 = arith.constant 2.000000e-01 : f32
    %mul3A_129 = vector.broadcast %mul3A_128 : f32 to vector<2560x40xf32>
    %mul3A_130 = arith.mulf %mul3A_129, %add3A_125 : vector<2560x40xf32>
    %select_n3A_131 = arith.select %ge3A_127, %add3A_125, %mul3A_130 : vector<2560x40xi1>, vector<2560x40xf32>
    %reduce_max3A_132 = arith.constant dense<0xFF800000> : vector<2560xf32>
    %reduce_max3A_133 = vector.multi_reduction <maximumf>, %select_n3A_131, %reduce_max3A_132 [1] : vector<2560x40xf32> to vector<2560xf32>
    %broadcast_in_dim3A_134 = vector.shape_cast %reduce_max3A_133 : vector<2560xf32> to vector<2560x1xf32>
    %max3A = arith.constant 0.000000e+00 : f32
    %max3A_135 = vector.broadcast %max3A : f32 to vector<2560x1xf32>
    %max3A_136 = arith.maximumf %broadcast_in_dim3A_134, %max3A_135 : vector<2560x1xf32>
    %sub3A_137 = vector.broadcast %max3A_136 : vector<2560x1xf32> to vector<2560x40xf32>
    %sub3A_138 = arith.subf %select_n3A_131, %sub3A_137 : vector<2560x40xf32>
    %exp3A = math.exp %sub3A_138 : vector<2560x40xf32>
    %mul3A_139 = arith.mulf %add3A_31, %exp3A : vector<2560x40xf32>
    %jit3A_140 = arith.constant 0.000000e+00 : f32
    %broadcast_in_dim3A_141 = vector.broadcast %jit3A_140 : f32 to vector<2560x40xf32>
    %select_n3A_142 = arith.select %gt3A_33, %mul3A_139, %broadcast_in_dim3A_141 : vector<2560x40xi1>, vector<2560x40xf32>
    %concatenate3A = tpu.concatenate %slice3A, %broadcast_in_dim3A_104 in 1 : vector<2560x8xf32>, vector<2560x1xf32> -> vector<2560x9xf32>
    %slice3A_143 = vector.extract_strided_slice %select_n3A_142 {offsets = [0, 0], sizes = [40, 40], strides = [1, 1]} : vector<2560x40xf32> to vector<40x40xf32>
    %slice3A_144 = vector.extract_strided_slice %concatenate3A {offsets = [0, 0], sizes = [40, 9], strides = [1, 1]} : vector<2560x9xf32> to vector<40x9xf32>
    %dot_general3A_145 = arith.constant dense<0.000000e+00> : vector<40x9xf32>
    %dot_general3A_146 = tpu.matmul %slice3A_143, %slice3A_144, %dot_general3A_145 {dimension_numbers = #tpu.dot_dimension_numbers<[1], [0], [0], [1], [0, 0, 1, 1], [], []>, transpose_lhs_hint = false} : vector<40x40xf32>, vector<40x9xf32>, vector<40x9xf32> -> vector<40x9xf32>
    %slice3A_147 = vector.extract_strided_slice %select_n3A_142 {offsets = [40, 0], sizes = [40, 40], strides = [1, 1]} : vector<2560x40xf32> to vector<40x40xf32>
    %slice3A_148 = vector.extract_strided_slice %concatenate3A {offsets = [40, 0], sizes = [40, 9], strides = [1, 1]} : vector<2560x9xf32> to vector<40x9xf32>
    %dot_general3A_149 = arith.constant dense<0.000000e+00> : vector<40x9xf32>
    %dot_general3A_150 = tpu.matmul %slice3A_147, %slice3A_148, %dot_general3A_149 {dimension_numbers = #tpu.dot_dimension_numbers<[1], [0], [0], [1], [0, 0, 1, 1], [], []>, transpose_lhs_hint = false} : vector<40x40xf32>, vector<40x9xf32>, vector<40x9xf32> -> vector<40x9xf32>
    %slice3A_151 = vector.extract_strided_slice %select_n3A_142 {offsets = [80, 0], sizes = [40, 40], strides = [1, 1]} : vector<2560x40xf32> to vector<40x40xf32>
    %slice3A_152 = vector.extract_strided_slice %concatenate3A {offsets = [80, 0], sizes = [40, 9], strides = [1, 1]} : vector<2560x9xf32> to vector<40x9xf32>
    %dot_general3A_153 = arith.constant dense<0.000000e+00> : vector<40x9xf32>
    %dot_general3A_154 = tpu.matmul %slice3A_151, %slice3A_152, %dot_general3A_153 {dimension_numbers = #tpu.dot_dimension_numbers<[1], [0], [0], [1], [0, 0, 1, 1], [], []>, transpose_lhs_hint = false} : vector<40x40xf32>, vector<40x9xf32>, vector<40x9xf32> -> vector<40x9xf32>
    %slice3A_155 = vector.extract_strided_slice %select_n3A_142 {offsets = [120, 0], sizes = [40, 40], strides = [1, 1]} : vector<2560x40xf32> to vector<40x40xf32>
    %slice3A_156 = vector.extract_strided_slice %concatenate3A {offsets = [120, 0], sizes = [40, 9], strides = [1, 1]} : vector<2560x9xf32> to vector<40x9xf32>
    %dot_general3A_157 = arith.constant dense<0.000000e+00> : vector<40x9xf32>
    %dot_general3A_158 = tpu.matmul %slice3A_155, %slice3A_156, %dot_general3A_157 {dimension_numbers = #tpu.dot_dimension_numbers<[1], [0], [0], [1], [0, 0, 1, 1], [], []>, transpose_lhs_hint = false} : vector<40x40xf32>, vector<40x9xf32>, vector<40x9xf32> -> vector<40x9xf32>
    %slice3A_159 = vector.extract_strided_slice %select_n3A_142 {offsets = [160, 0], sizes = [40, 40], strides = [1, 1]} : vector<2560x40xf32> to vector<40x40xf32>
    %slice3A_160 = vector.extract_strided_slice %concatenate3A {offsets = [160, 0], sizes = [40, 9], strides = [1, 1]} : vector<2560x9xf32> to vector<40x9xf32>
    %dot_general3A_161 = arith.constant dense<0.000000e+00> : vector<40x9xf32>
    %dot_general3A_162 = tpu.matmul %slice3A_159, %slice3A_160, %dot_general3A_161 {dimension_numbers = #tpu.dot_dimension_numbers<[1], [0], [0], [1], [0, 0, 1, 1], [], []>, transpose_lhs_hint = false} : vector<40x40xf32>, vector<40x9xf32>, vector<40x9xf32> -> vector<40x9xf32>
    %slice3A_163 = vector.extract_strided_slice %select_n3A_142 {offsets = [200, 0], sizes = [40, 40], strides = [1, 1]} : vector<2560x40xf32> to vector<40x40xf32>
    %slice3A_164 = vector.extract_strided_slice %concatenate3A {offsets = [200, 0], sizes = [40, 9], strides = [1, 1]} : vector<2560x9xf32> to vector<40x9xf32>
    %dot_general3A_165 = arith.constant dense<0.000000e+00> : vector<40x9xf32>
    %dot_general3A_166 = tpu.matmul %slice3A_163, %slice3A_164, %dot_general3A_165 {dimension_numbers = #tpu.dot_dimension_numbers<[1], [0], [0], [1], [0, 0, 1, 1], [], []>, transpose_lhs_hint = false} : vector<40x40xf32>, vector<40x9xf32>, vector<40x9xf32> -> vector<40x9xf32>
    %slice3A_167 = vector.extract_strided_slice %select_n3A_142 {offsets = [240, 0], sizes = [40, 40], strides = [1, 1]} : vector<2560x40xf32> to vector<40x40xf32>
    %slice3A_168 = vector.extract_strided_slice %concatenate3A {offsets = [240, 0], sizes = [40, 9], strides = [1, 1]} : vector<2560x9xf32> to vector<40x9xf32>
    %dot_general3A_169 = arith.constant dense<0.000000e+00> : vector<40x9xf32>
    %dot_general3A_170 = tpu.matmul %slice3A_167, %slice3A_168, %dot_general3A_169 {dimension_numbers = #tpu.dot_dimension_numbers<[1], [0], [0], [1], [0, 0, 1, 1], [], []>, transpose_lhs_hint = false} : vector<40x40xf32>, vector<40x9xf32>, vector<40x9xf32> -> vector<40x9xf32>
    %slice3A_171 = vector.extract_strided_slice %select_n3A_142 {offsets = [280, 0], sizes = [40, 40], strides = [1, 1]} : vector<2560x40xf32> to vector<40x40xf32>
    %slice3A_172 = vector.extract_strided_slice %concatenate3A {offsets = [280, 0], sizes = [40, 9], strides = [1, 1]} : vector<2560x9xf32> to vector<40x9xf32>
    %dot_general3A_173 = arith.constant dense<0.000000e+00> : vector<40x9xf32>
    %dot_general3A_174 = tpu.matmul %slice3A_171, %slice3A_172, %dot_general3A_173 {dimension_numbers = #tpu.dot_dimension_numbers<[1], [0], [0], [1], [0, 0, 1, 1], [], []>, transpose_lhs_hint = false} : vector<40x40xf32>, vector<40x9xf32>, vector<40x9xf32> -> vector<40x9xf32>
    %slice3A_175 = vector.extract_strided_slice %select_n3A_142 {offsets = [320, 0], sizes = [40, 40], strides = [1, 1]} : vector<2560x40xf32> to vector<40x40xf32>
    %slice3A_176 = vector.extract_strided_slice %concatenate3A {offsets = [320, 0], sizes = [40, 9], strides = [1, 1]} : vector<2560x9xf32> to vector<40x9xf32>
    %dot_general3A_177 = arith.constant dense<0.000000e+00> : vector<40x9xf32>
    %dot_general3A_178 = tpu.matmul %slice3A_175, %slice3A_176, %dot_general3A_177 {dimension_numbers = #tpu.dot_dimension_numbers<[1], [0], [0], [1], [0, 0, 1, 1], [], []>, transpose_lhs_hint = false} : vector<40x40xf32>, vector<40x9xf32>, vector<40x9xf32> -> vector<40x9xf32>
    %slice3A_179 = vector.extract_strided_slice %select_n3A_142 {offsets = [360, 0], sizes = [40, 40], strides = [1, 1]} : vector<2560x40xf32> to vector<40x40xf32>
    %slice3A_180 = vector.extract_strided_slice %concatenate3A {offsets = [360, 0], sizes = [40, 9], strides = [1, 1]} : vector<2560x9xf32> to vector<40x9xf32>
    %dot_general3A_181 = arith.constant dense<0.000000e+00> : vector<40x9xf32>
    %dot_general3A_182 = tpu.matmul %slice3A_179, %slice3A_180, %dot_general3A_181 {dimension_numbers = #tpu.dot_dimension_numbers<[1], [0], [0], [1], [0, 0, 1, 1], [], []>, transpose_lhs_hint = false} : vector<40x40xf32>, vector<40x9xf32>, vector<40x9xf32> -> vector<40x9xf32>
    %slice3A_183 = vector.extract_strided_slice %select_n3A_142 {offsets = [400, 0], sizes = [40, 40], strides = [1, 1]} : vector<2560x40xf32> to vector<40x40xf32>
    %slice3A_184 = vector.extract_strided_slice %concatenate3A {offsets = [400, 0], sizes = [40, 9], strides = [1, 1]} : vector<2560x9xf32> to vector<40x9xf32>
    %dot_general3A_185 = arith.constant dense<0.000000e+00> : vector<40x9xf32>
    %dot_general3A_186 = tpu.matmul %slice3A_183, %slice3A_184, %dot_general3A_185 {dimension_numbers = #tpu.dot_dimension_numbers<[1], [0], [0], [1], [0, 0, 1, 1], [], []>, transpose_lhs_hint = false} : vector<40x40xf32>, vector<40x9xf32>, vector<40x9xf32> -> vector<40x9xf32>
    %slice3A_187 = vector.extract_strided_slice %select_n3A_142 {offsets = [440, 0], sizes = [40, 40], strides = [1, 1]} : vector<2560x40xf32> to vector<40x40xf32>
    %slice3A_188 = vector.extract_strided_slice %concatenate3A {offsets = [440, 0], sizes = [40, 9], strides = [1, 1]} : vector<2560x9xf32> to vector<40x9xf32>
    %dot_general3A_189 = arith.constant dense<0.000000e+00> : vector<40x9xf32>
    %dot_general3A_190 = tpu.matmul %slice3A_187, %slice3A_188, %dot_general3A_189 {dimension_numbers = #tpu.dot_dimension_numbers<[1], [0], [0], [1], [0, 0, 1, 1], [], []>, transpose_lhs_hint = false} : vector<40x40xf32>, vector<40x9xf32>, vector<40x9xf32> -> vector<40x9xf32>
    %slice3A_191 = vector.extract_strided_slice %select_n3A_142 {offsets = [480, 0], sizes = [40, 40], strides = [1, 1]} : vector<2560x40xf32> to vector<40x40xf32>
    %slice3A_192 = vector.extract_strided_slice %concatenate3A {offsets = [480, 0], sizes = [40, 9], strides = [1, 1]} : vector<2560x9xf32> to vector<40x9xf32>
    %dot_general3A_193 = arith.constant dense<0.000000e+00> : vector<40x9xf32>
    %dot_general3A_194 = tpu.matmul %slice3A_191, %slice3A_192, %dot_general3A_193 {dimension_numbers = #tpu.dot_dimension_numbers<[1], [0], [0], [1], [0, 0, 1, 1], [], []>, transpose_lhs_hint = false} : vector<40x40xf32>, vector<40x9xf32>, vector<40x9xf32> -> vector<40x9xf32>
    %slice3A_195 = vector.extract_strided_slice %select_n3A_142 {offsets = [520, 0], sizes = [40, 40], strides = [1, 1]} : vector<2560x40xf32> to vector<40x40xf32>
    %slice3A_196 = vector.extract_strided_slice %concatenate3A {offsets = [520, 0], sizes = [40, 9], strides = [1, 1]} : vector<2560x9xf32> to vector<40x9xf32>
    %dot_general3A_197 = arith.constant dense<0.000000e+00> : vector<40x9xf32>
    %dot_general3A_198 = tpu.matmul %slice3A_195, %slice3A_196, %dot_general3A_197 {dimension_numbers = #tpu.dot_dimension_numbers<[1], [0], [0], [1], [0, 0, 1, 1], [], []>, transpose_lhs_hint = false} : vector<40x40xf32>, vector<40x9xf32>, vector<40x9xf32> -> vector<40x9xf32>
    %slice3A_199 = vector.extract_strided_slice %select_n3A_142 {offsets = [560, 0], sizes = [40, 40], strides = [1, 1]} : vector<2560x40xf32> to vector<40x40xf32>
    %slice3A_200 = vector.extract_strided_slice %concatenate3A {offsets = [560, 0], sizes = [40, 9], strides = [1, 1]} : vector<2560x9xf32> to vector<40x9xf32>
    %dot_general3A_201 = arith.constant dense<0.000000e+00> : vector<40x9xf32>
    %dot_general3A_202 = tpu.matmul %slice3A_199, %slice3A_200, %dot_general3A_201 {dimension_numbers = #tpu.dot_dimension_numbers<[1], [0], [0], [1], [0, 0, 1, 1], [], []>, transpose_lhs_hint = false} : vector<40x40xf32>, vector<40x9xf32>, vector<40x9xf32> -> vector<40x9xf32>
    %slice3A_203 = vector.extract_strided_slice %select_n3A_142 {offsets = [600, 0], sizes = [40, 40], strides = [1, 1]} : vector<2560x40xf32> to vector<40x40xf32>
    %slice3A_204 = vector.extract_strided_slice %concatenate3A {offsets = [600, 0], sizes = [40, 9], strides = [1, 1]} : vector<2560x9xf32> to vector<40x9xf32>
    %dot_general3A_205 = arith.constant dense<0.000000e+00> : vector<40x9xf32>
    %dot_general3A_206 = tpu.matmul %slice3A_203, %slice3A_204, %dot_general3A_205 {dimension_numbers = #tpu.dot_dimension_numbers<[1], [0], [0], [1], [0, 0, 1, 1], [], []>, transpose_lhs_hint = false} : vector<40x40xf32>, vector<40x9xf32>, vector<40x9xf32> -> vector<40x9xf32>
    %slice3A_207 = vector.extract_strided_slice %select_n3A_142 {offsets = [640, 0], sizes = [40, 40], strides = [1, 1]} : vector<2560x40xf32> to vector<40x40xf32>
    %slice3A_208 = vector.extract_strided_slice %concatenate3A {offsets = [640, 0], sizes = [40, 9], strides = [1, 1]} : vector<2560x9xf32> to vector<40x9xf32>
    %dot_general3A_209 = arith.constant dense<0.000000e+00> : vector<40x9xf32>
    %dot_general3A_210 = tpu.matmul %slice3A_207, %slice3A_208, %dot_general3A_209 {dimension_numbers = #tpu.dot_dimension_numbers<[1], [0], [0], [1], [0, 0, 1, 1], [], []>, transpose_lhs_hint = false} : vector<40x40xf32>, vector<40x9xf32>, vector<40x9xf32> -> vector<40x9xf32>
    %slice3A_211 = vector.extract_strided_slice %select_n3A_142 {offsets = [680, 0], sizes = [40, 40], strides = [1, 1]} : vector<2560x40xf32> to vector<40x40xf32>
    %slice3A_212 = vector.extract_strided_slice %concatenate3A {offsets = [680, 0], sizes = [40, 9], strides = [1, 1]} : vector<2560x9xf32> to vector<40x9xf32>
    %dot_general3A_213 = arith.constant dense<0.000000e+00> : vector<40x9xf32>
    %dot_general3A_214 = tpu.matmul %slice3A_211, %slice3A_212, %dot_general3A_213 {dimension_numbers = #tpu.dot_dimension_numbers<[1], [0], [0], [1], [0, 0, 1, 1], [], []>, transpose_lhs_hint = false} : vector<40x40xf32>, vector<40x9xf32>, vector<40x9xf32> -> vector<40x9xf32>
    %slice3A_215 = vector.extract_strided_slice %select_n3A_142 {offsets = [720, 0], sizes = [40, 40], strides = [1, 1]} : vector<2560x40xf32> to vector<40x40xf32>
    %slice3A_216 = vector.extract_strided_slice %concatenate3A {offsets = [720, 0], sizes = [40, 9], strides = [1, 1]} : vector<2560x9xf32> to vector<40x9xf32>
    %dot_general3A_217 = arith.constant dense<0.000000e+00> : vector<40x9xf32>
    %dot_general3A_218 = tpu.matmul %slice3A_215, %slice3A_216, %dot_general3A_217 {dimension_numbers = #tpu.dot_dimension_numbers<[1], [0], [0], [1], [0, 0, 1, 1], [], []>, transpose_lhs_hint = false} : vector<40x40xf32>, vector<40x9xf32>, vector<40x9xf32> -> vector<40x9xf32>
    %slice3A_219 = vector.extract_strided_slice %select_n3A_142 {offsets = [760, 0], sizes = [40, 40], strides = [1, 1]} : vector<2560x40xf32> to vector<40x40xf32>
    %slice3A_220 = vector.extract_strided_slice %concatenate3A {offsets = [760, 0], sizes = [40, 9], strides = [1, 1]} : vector<2560x9xf32> to vector<40x9xf32>
    %dot_general3A_221 = arith.constant dense<0.000000e+00> : vector<40x9xf32>
    %dot_general3A_222 = tpu.matmul %slice3A_219, %slice3A_220, %dot_general3A_221 {dimension_numbers = #tpu.dot_dimension_numbers<[1], [0], [0], [1], [0, 0, 1, 1], [], []>, transpose_lhs_hint = false} : vector<40x40xf32>, vector<40x9xf32>, vector<40x9xf32> -> vector<40x9xf32>
    %slice3A_223 = vector.extract_strided_slice %select_n3A_142 {offsets = [800, 0], sizes = [40, 40], strides = [1, 1]} : vector<2560x40xf32> to vector<40x40xf32>
    %slice3A_224 = vector.extract_strided_slice %concatenate3A {offsets = [800, 0], sizes = [40, 9], strides = [1, 1]} : vector<2560x9xf32> to vector<40x9xf32>
    %dot_general3A_225 = arith.constant dense<0.000000e+00> : vector<40x9xf32>
    %dot_general3A_226 = tpu.matmul %slice3A_223, %slice3A_224, %dot_general3A_225 {dimension_numbers = #tpu.dot_dimension_numbers<[1], [0], [0], [1], [0, 0, 1, 1], [], []>, transpose_lhs_hint = false} : vector<40x40xf32>, vector<40x9xf32>, vector<40x9xf32> -> vector<40x9xf32>
    %slice3A_227 = vector.extract_strided_slice %select_n3A_142 {offsets = [840, 0], sizes = [40, 40], strides = [1, 1]} : vector<2560x40xf32> to vector<40x40xf32>
    %slice3A_228 = vector.extract_strided_slice %concatenate3A {offsets = [840, 0], sizes = [40, 9], strides = [1, 1]} : vector<2560x9xf32> to vector<40x9xf32>
    %dot_general3A_229 = arith.constant dense<0.000000e+00> : vector<40x9xf32>
    %dot_general3A_230 = tpu.matmul %slice3A_227, %slice3A_228, %dot_general3A_229 {dimension_numbers = #tpu.dot_dimension_numbers<[1], [0], [0], [1], [0, 0, 1, 1], [], []>, transpose_lhs_hint = false} : vector<40x40xf32>, vector<40x9xf32>, vector<40x9xf32> -> vector<40x9xf32>
    %slice3A_231 = vector.extract_strided_slice %select_n3A_142 {offsets = [880, 0], sizes = [40, 40], strides = [1, 1]} : vector<2560x40xf32> to vector<40x40xf32>
    %slice3A_232 = vector.extract_strided_slice %concatenate3A {offsets = [880, 0], sizes = [40, 9], strides = [1, 1]} : vector<2560x9xf32> to vector<40x9xf32>
    %dot_general3A_233 = arith.constant dense<0.000000e+00> : vector<40x9xf32>
    %dot_general3A_234 = tpu.matmul %slice3A_231, %slice3A_232, %dot_general3A_233 {dimension_numbers = #tpu.dot_dimension_numbers<[1], [0], [0], [1], [0, 0, 1, 1], [], []>, transpose_lhs_hint = false} : vector<40x40xf32>, vector<40x9xf32>, vector<40x9xf32> -> vector<40x9xf32>
    %slice3A_235 = vector.extract_strided_slice %select_n3A_142 {offsets = [920, 0], sizes = [40, 40], strides = [1, 1]} : vector<2560x40xf32> to vector<40x40xf32>
    %slice3A_236 = vector.extract_strided_slice %concatenate3A {offsets = [920, 0], sizes = [40, 9], strides = [1, 1]} : vector<2560x9xf32> to vector<40x9xf32>
    %dot_general3A_237 = arith.constant dense<0.000000e+00> : vector<40x9xf32>
    %dot_general3A_238 = tpu.matmul %slice3A_235, %slice3A_236, %dot_general3A_237 {dimension_numbers = #tpu.dot_dimension_numbers<[1], [0], [0], [1], [0, 0, 1, 1], [], []>, transpose_lhs_hint = false} : vector<40x40xf32>, vector<40x9xf32>, vector<40x9xf32> -> vector<40x9xf32>
    %slice3A_239 = vector.extract_strided_slice %select_n3A_142 {offsets = [960, 0], sizes = [40, 40], strides = [1, 1]} : vector<2560x40xf32> to vector<40x40xf32>
    %slice3A_240 = vector.extract_strided_slice %concatenate3A {offsets = [960, 0], sizes = [40, 9], strides = [1, 1]} : vector<2560x9xf32> to vector<40x9xf32>
    %dot_general3A_241 = arith.constant dense<0.000000e+00> : vector<40x9xf32>
    %dot_general3A_242 = tpu.matmul %slice3A_239, %slice3A_240, %dot_general3A_241 {dimension_numbers = #tpu.dot_dimension_numbers<[1], [0], [0], [1], [0, 0, 1, 1], [], []>, transpose_lhs_hint = false} : vector<40x40xf32>, vector<40x9xf32>, vector<40x9xf32> -> vector<40x9xf32>
    %slice3A_243 = vector.extract_strided_slice %select_n3A_142 {offsets = [1000, 0], sizes = [40, 40], strides = [1, 1]} : vector<2560x40xf32> to vector<40x40xf32>
    %slice3A_244 = vector.extract_strided_slice %concatenate3A {offsets = [1000, 0], sizes = [40, 9], strides = [1, 1]} : vector<2560x9xf32> to vector<40x9xf32>
    %dot_general3A_245 = arith.constant dense<0.000000e+00> : vector<40x9xf32>
    %dot_general3A_246 = tpu.matmul %slice3A_243, %slice3A_244, %dot_general3A_245 {dimension_numbers = #tpu.dot_dimension_numbers<[1], [0], [0], [1], [0, 0, 1, 1], [], []>, transpose_lhs_hint = false} : vector<40x40xf32>, vector<40x9xf32>, vector<40x9xf32> -> vector<40x9xf32>
    %slice3A_247 = vector.extract_strided_slice %select_n3A_142 {offsets = [1040, 0], sizes = [40, 40], strides = [1, 1]} : vector<2560x40xf32> to vector<40x40xf32>
    %slice3A_248 = vector.extract_strided_slice %concatenate3A {offsets = [1040, 0], sizes = [40, 9], strides = [1, 1]} : vector<2560x9xf32> to vector<40x9xf32>
    %dot_general3A_249 = arith.constant dense<0.000000e+00> : vector<40x9xf32>
    %dot_general3A_250 = tpu.matmul %slice3A_247, %slice3A_248, %dot_general3A_249 {dimension_numbers = #tpu.dot_dimension_numbers<[1], [0], [0], [1], [0, 0, 1, 1], [], []>, transpose_lhs_hint = false} : vector<40x40xf32>, vector<40x9xf32>, vector<40x9xf32> -> vector<40x9xf32>
    %slice3A_251 = vector.extract_strided_slice %select_n3A_142 {offsets = [1080, 0], sizes = [40, 40], strides = [1, 1]} : vector<2560x40xf32> to vector<40x40xf32>
    %slice3A_252 = vector.extract_strided_slice %concatenate3A {offsets = [1080, 0], sizes = [40, 9], strides = [1, 1]} : vector<2560x9xf32> to vector<40x9xf32>
    %dot_general3A_253 = arith.constant dense<0.000000e+00> : vector<40x9xf32>
    %dot_general3A_254 = tpu.matmul %slice3A_251, %slice3A_252, %dot_general3A_253 {dimension_numbers = #tpu.dot_dimension_numbers<[1], [0], [0], [1], [0, 0, 1, 1], [], []>, transpose_lhs_hint = false} : vector<40x40xf32>, vector<40x9xf32>, vector<40x9xf32> -> vector<40x9xf32>
    %slice3A_255 = vector.extract_strided_slice %select_n3A_142 {offsets = [1120, 0], sizes = [40, 40], strides = [1, 1]} : vector<2560x40xf32> to vector<40x40xf32>
    %slice3A_256 = vector.extract_strided_slice %concatenate3A {offsets = [1120, 0], sizes = [40, 9], strides = [1, 1]} : vector<2560x9xf32> to vector<40x9xf32>
    %dot_general3A_257 = arith.constant dense<0.000000e+00> : vector<40x9xf32>
    %dot_general3A_258 = tpu.matmul %slice3A_255, %slice3A_256, %dot_general3A_257 {dimension_numbers = #tpu.dot_dimension_numbers<[1], [0], [0], [1], [0, 0, 1, 1], [], []>, transpose_lhs_hint = false} : vector<40x40xf32>, vector<40x9xf32>, vector<40x9xf32> -> vector<40x9xf32>
    %slice3A_259 = vector.extract_strided_slice %select_n3A_142 {offsets = [1160, 0], sizes = [40, 40], strides = [1, 1]} : vector<2560x40xf32> to vector<40x40xf32>
    %slice3A_260 = vector.extract_strided_slice %concatenate3A {offsets = [1160, 0], sizes = [40, 9], strides = [1, 1]} : vector<2560x9xf32> to vector<40x9xf32>
    %dot_general3A_261 = arith.constant dense<0.000000e+00> : vector<40x9xf32>
    %dot_general3A_262 = tpu.matmul %slice3A_259, %slice3A_260, %dot_general3A_261 {dimension_numbers = #tpu.dot_dimension_numbers<[1], [0], [0], [1], [0, 0, 1, 1], [], []>, transpose_lhs_hint = false} : vector<40x40xf32>, vector<40x9xf32>, vector<40x9xf32> -> vector<40x9xf32>
    %slice3A_263 = vector.extract_strided_slice %select_n3A_142 {offsets = [1200, 0], sizes = [40, 40], strides = [1, 1]} : vector<2560x40xf32> to vector<40x40xf32>
    %slice3A_264 = vector.extract_strided_slice %concatenate3A {offsets = [1200, 0], sizes = [40, 9], strides = [1, 1]} : vector<2560x9xf32> to vector<40x9xf32>
    %dot_general3A_265 = arith.constant dense<0.000000e+00> : vector<40x9xf32>
    %dot_general3A_266 = tpu.matmul %slice3A_263, %slice3A_264, %dot_general3A_265 {dimension_numbers = #tpu.dot_dimension_numbers<[1], [0], [0], [1], [0, 0, 1, 1], [], []>, transpose_lhs_hint = false} : vector<40x40xf32>, vector<40x9xf32>, vector<40x9xf32> -> vector<40x9xf32>
    %slice3A_267 = vector.extract_strided_slice %select_n3A_142 {offsets = [1240, 0], sizes = [40, 40], strides = [1, 1]} : vector<2560x40xf32> to vector<40x40xf32>
    %slice3A_268 = vector.extract_strided_slice %concatenate3A {offsets = [1240, 0], sizes = [40, 9], strides = [1, 1]} : vector<2560x9xf32> to vector<40x9xf32>
    %dot_general3A_269 = arith.constant dense<0.000000e+00> : vector<40x9xf32>
    %dot_general3A_270 = tpu.matmul %slice3A_267, %slice3A_268, %dot_general3A_269 {dimension_numbers = #tpu.dot_dimension_numbers<[1], [0], [0], [1], [0, 0, 1, 1], [], []>, transpose_lhs_hint = false} : vector<40x40xf32>, vector<40x9xf32>, vector<40x9xf32> -> vector<40x9xf32>
    %slice3A_271 = vector.extract_strided_slice %select_n3A_142 {offsets = [1280, 0], sizes = [40, 40], strides = [1, 1]} : vector<2560x40xf32> to vector<40x40xf32>
    %slice3A_272 = vector.extract_strided_slice %concatenate3A {offsets = [1280, 0], sizes = [40, 9], strides = [1, 1]} : vector<2560x9xf32> to vector<40x9xf32>
    %dot_general3A_273 = arith.constant dense<0.000000e+00> : vector<40x9xf32>
    %dot_general3A_274 = tpu.matmul %slice3A_271, %slice3A_272, %dot_general3A_273 {dimension_numbers = #tpu.dot_dimension_numbers<[1], [0], [0], [1], [0, 0, 1, 1], [], []>, transpose_lhs_hint = false} : vector<40x40xf32>, vector<40x9xf32>, vector<40x9xf32> -> vector<40x9xf32>
    %slice3A_275 = vector.extract_strided_slice %select_n3A_142 {offsets = [1320, 0], sizes = [40, 40], strides = [1, 1]} : vector<2560x40xf32> to vector<40x40xf32>
    %slice3A_276 = vector.extract_strided_slice %concatenate3A {offsets = [1320, 0], sizes = [40, 9], strides = [1, 1]} : vector<2560x9xf32> to vector<40x9xf32>
    %dot_general3A_277 = arith.constant dense<0.000000e+00> : vector<40x9xf32>
    %dot_general3A_278 = tpu.matmul %slice3A_275, %slice3A_276, %dot_general3A_277 {dimension_numbers = #tpu.dot_dimension_numbers<[1], [0], [0], [1], [0, 0, 1, 1], [], []>, transpose_lhs_hint = false} : vector<40x40xf32>, vector<40x9xf32>, vector<40x9xf32> -> vector<40x9xf32>
    %slice3A_279 = vector.extract_strided_slice %select_n3A_142 {offsets = [1360, 0], sizes = [40, 40], strides = [1, 1]} : vector<2560x40xf32> to vector<40x40xf32>
    %slice3A_280 = vector.extract_strided_slice %concatenate3A {offsets = [1360, 0], sizes = [40, 9], strides = [1, 1]} : vector<2560x9xf32> to vector<40x9xf32>
    %dot_general3A_281 = arith.constant dense<0.000000e+00> : vector<40x9xf32>
    %dot_general3A_282 = tpu.matmul %slice3A_279, %slice3A_280, %dot_general3A_281 {dimension_numbers = #tpu.dot_dimension_numbers<[1], [0], [0], [1], [0, 0, 1, 1], [], []>, transpose_lhs_hint = false} : vector<40x40xf32>, vector<40x9xf32>, vector<40x9xf32> -> vector<40x9xf32>
    %slice3A_283 = vector.extract_strided_slice %select_n3A_142 {offsets = [1400, 0], sizes = [40, 40], strides = [1, 1]} : vector<2560x40xf32> to vector<40x40xf32>
    %slice3A_284 = vector.extract_strided_slice %concatenate3A {offsets = [1400, 0], sizes = [40, 9], strides = [1, 1]} : vector<2560x9xf32> to vector<40x9xf32>
    %dot_general3A_285 = arith.constant dense<0.000000e+00> : vector<40x9xf32>
    %dot_general3A_286 = tpu.matmul %slice3A_283, %slice3A_284, %dot_general3A_285 {dimension_numbers = #tpu.dot_dimension_numbers<[1], [0], [0], [1], [0, 0, 1, 1], [], []>, transpose_lhs_hint = false} : vector<40x40xf32>, vector<40x9xf32>, vector<40x9xf32> -> vector<40x9xf32>
    %slice3A_287 = vector.extract_strided_slice %select_n3A_142 {offsets = [1440, 0], sizes = [40, 40], strides = [1, 1]} : vector<2560x40xf32> to vector<40x40xf32>
    %slice3A_288 = vector.extract_strided_slice %concatenate3A {offsets = [1440, 0], sizes = [40, 9], strides = [1, 1]} : vector<2560x9xf32> to vector<40x9xf32>
    %dot_general3A_289 = arith.constant dense<0.000000e+00> : vector<40x9xf32>
    %dot_general3A_290 = tpu.matmul %slice3A_287, %slice3A_288, %dot_general3A_289 {dimension_numbers = #tpu.dot_dimension_numbers<[1], [0], [0], [1], [0, 0, 1, 1], [], []>, transpose_lhs_hint = false} : vector<40x40xf32>, vector<40x9xf32>, vector<40x9xf32> -> vector<40x9xf32>
    %slice3A_291 = vector.extract_strided_slice %select_n3A_142 {offsets = [1480, 0], sizes = [40, 40], strides = [1, 1]} : vector<2560x40xf32> to vector<40x40xf32>
    %slice3A_292 = vector.extract_strided_slice %concatenate3A {offsets = [1480, 0], sizes = [40, 9], strides = [1, 1]} : vector<2560x9xf32> to vector<40x9xf32>
    %dot_general3A_293 = arith.constant dense<0.000000e+00> : vector<40x9xf32>
    %dot_general3A_294 = tpu.matmul %slice3A_291, %slice3A_292, %dot_general3A_293 {dimension_numbers = #tpu.dot_dimension_numbers<[1], [0], [0], [1], [0, 0, 1, 1], [], []>, transpose_lhs_hint = false} : vector<40x40xf32>, vector<40x9xf32>, vector<40x9xf32> -> vector<40x9xf32>
    %slice3A_295 = vector.extract_strided_slice %select_n3A_142 {offsets = [1520, 0], sizes = [40, 40], strides = [1, 1]} : vector<2560x40xf32> to vector<40x40xf32>
    %slice3A_296 = vector.extract_strided_slice %concatenate3A {offsets = [1520, 0], sizes = [40, 9], strides = [1, 1]} : vector<2560x9xf32> to vector<40x9xf32>
    %dot_general3A_297 = arith.constant dense<0.000000e+00> : vector<40x9xf32>
    %dot_general3A_298 = tpu.matmul %slice3A_295, %slice3A_296, %dot_general3A_297 {dimension_numbers = #tpu.dot_dimension_numbers<[1], [0], [0], [1], [0, 0, 1, 1], [], []>, transpose_lhs_hint = false} : vector<40x40xf32>, vector<40x9xf32>, vector<40x9xf32> -> vector<40x9xf32>
    %slice3A_299 = vector.extract_strided_slice %select_n3A_142 {offsets = [1560, 0], sizes = [40, 40], strides = [1, 1]} : vector<2560x40xf32> to vector<40x40xf32>
    %slice3A_300 = vector.extract_strided_slice %concatenate3A {offsets = [1560, 0], sizes = [40, 9], strides = [1, 1]} : vector<2560x9xf32> to vector<40x9xf32>
    %dot_general3A_301 = arith.constant dense<0.000000e+00> : vector<40x9xf32>
    %dot_general3A_302 = tpu.matmul %slice3A_299, %slice3A_300, %dot_general3A_301 {dimension_numbers = #tpu.dot_dimension_numbers<[1], [0], [0], [1], [0, 0, 1, 1], [], []>, transpose_lhs_hint = false} : vector<40x40xf32>, vector<40x9xf32>, vector<40x9xf32> -> vector<40x9xf32>
    %slice3A_303 = vector.extract_strided_slice %select_n3A_142 {offsets = [1600, 0], sizes = [40, 40], strides = [1, 1]} : vector<2560x40xf32> to vector<40x40xf32>
    %slice3A_304 = vector.extract_strided_slice %concatenate3A {offsets = [1600, 0], sizes = [40, 9], strides = [1, 1]} : vector<2560x9xf32> to vector<40x9xf32>
    %dot_general3A_305 = arith.constant dense<0.000000e+00> : vector<40x9xf32>
    %dot_general3A_306 = tpu.matmul %slice3A_303, %slice3A_304, %dot_general3A_305 {dimension_numbers = #tpu.dot_dimension_numbers<[1], [0], [0], [1], [0, 0, 1, 1], [], []>, transpose_lhs_hint = false} : vector<40x40xf32>, vector<40x9xf32>, vector<40x9xf32> -> vector<40x9xf32>
    %slice3A_307 = vector.extract_strided_slice %select_n3A_142 {offsets = [1640, 0], sizes = [40, 40], strides = [1, 1]} : vector<2560x40xf32> to vector<40x40xf32>
    %slice3A_308 = vector.extract_strided_slice %concatenate3A {offsets = [1640, 0], sizes = [40, 9], strides = [1, 1]} : vector<2560x9xf32> to vector<40x9xf32>
    %dot_general3A_309 = arith.constant dense<0.000000e+00> : vector<40x9xf32>
    %dot_general3A_310 = tpu.matmul %slice3A_307, %slice3A_308, %dot_general3A_309 {dimension_numbers = #tpu.dot_dimension_numbers<[1], [0], [0], [1], [0, 0, 1, 1], [], []>, transpose_lhs_hint = false} : vector<40x40xf32>, vector<40x9xf32>, vector<40x9xf32> -> vector<40x9xf32>
    %slice3A_311 = vector.extract_strided_slice %select_n3A_142 {offsets = [1680, 0], sizes = [40, 40], strides = [1, 1]} : vector<2560x40xf32> to vector<40x40xf32>
    %slice3A_312 = vector.extract_strided_slice %concatenate3A {offsets = [1680, 0], sizes = [40, 9], strides = [1, 1]} : vector<2560x9xf32> to vector<40x9xf32>
    %dot_general3A_313 = arith.constant dense<0.000000e+00> : vector<40x9xf32>
    %dot_general3A_314 = tpu.matmul %slice3A_311, %slice3A_312, %dot_general3A_313 {dimension_numbers = #tpu.dot_dimension_numbers<[1], [0], [0], [1], [0, 0, 1, 1], [], []>, transpose_lhs_hint = false} : vector<40x40xf32>, vector<40x9xf32>, vector<40x9xf32> -> vector<40x9xf32>
    %slice3A_315 = vector.extract_strided_slice %select_n3A_142 {offsets = [1720, 0], sizes = [40, 40], strides = [1, 1]} : vector<2560x40xf32> to vector<40x40xf32>
    %slice3A_316 = vector.extract_strided_slice %concatenate3A {offsets = [1720, 0], sizes = [40, 9], strides = [1, 1]} : vector<2560x9xf32> to vector<40x9xf32>
    %dot_general3A_317 = arith.constant dense<0.000000e+00> : vector<40x9xf32>
    %dot_general3A_318 = tpu.matmul %slice3A_315, %slice3A_316, %dot_general3A_317 {dimension_numbers = #tpu.dot_dimension_numbers<[1], [0], [0], [1], [0, 0, 1, 1], [], []>, transpose_lhs_hint = false} : vector<40x40xf32>, vector<40x9xf32>, vector<40x9xf32> -> vector<40x9xf32>
    %slice3A_319 = vector.extract_strided_slice %select_n3A_142 {offsets = [1760, 0], sizes = [40, 40], strides = [1, 1]} : vector<2560x40xf32> to vector<40x40xf32>
    %slice3A_320 = vector.extract_strided_slice %concatenate3A {offsets = [1760, 0], sizes = [40, 9], strides = [1, 1]} : vector<2560x9xf32> to vector<40x9xf32>
    %dot_general3A_321 = arith.constant dense<0.000000e+00> : vector<40x9xf32>
    %dot_general3A_322 = tpu.matmul %slice3A_319, %slice3A_320, %dot_general3A_321 {dimension_numbers = #tpu.dot_dimension_numbers<[1], [0], [0], [1], [0, 0, 1, 1], [], []>, transpose_lhs_hint = false} : vector<40x40xf32>, vector<40x9xf32>, vector<40x9xf32> -> vector<40x9xf32>
    %slice3A_323 = vector.extract_strided_slice %select_n3A_142 {offsets = [1800, 0], sizes = [40, 40], strides = [1, 1]} : vector<2560x40xf32> to vector<40x40xf32>
    %slice3A_324 = vector.extract_strided_slice %concatenate3A {offsets = [1800, 0], sizes = [40, 9], strides = [1, 1]} : vector<2560x9xf32> to vector<40x9xf32>
    %dot_general3A_325 = arith.constant dense<0.000000e+00> : vector<40x9xf32>
    %dot_general3A_326 = tpu.matmul %slice3A_323, %slice3A_324, %dot_general3A_325 {dimension_numbers = #tpu.dot_dimension_numbers<[1], [0], [0], [1], [0, 0, 1, 1], [], []>, transpose_lhs_hint = false} : vector<40x40xf32>, vector<40x9xf32>, vector<40x9xf32> -> vector<40x9xf32>
    %slice3A_327 = vector.extract_strided_slice %select_n3A_142 {offsets = [1840, 0], sizes = [40, 40], strides = [1, 1]} : vector<2560x40xf32> to vector<40x40xf32>
    %slice3A_328 = vector.extract_strided_slice %concatenate3A {offsets = [1840, 0], sizes = [40, 9], strides = [1, 1]} : vector<2560x9xf32> to vector<40x9xf32>
    %dot_general3A_329 = arith.constant dense<0.000000e+00> : vector<40x9xf32>
    %dot_general3A_330 = tpu.matmul %slice3A_327, %slice3A_328, %dot_general3A_329 {dimension_numbers = #tpu.dot_dimension_numbers<[1], [0], [0], [1], [0, 0, 1, 1], [], []>, transpose_lhs_hint = false} : vector<40x40xf32>, vector<40x9xf32>, vector<40x9xf32> -> vector<40x9xf32>
    %slice3A_331 = vector.extract_strided_slice %select_n3A_142 {offsets = [1880, 0], sizes = [40, 40], strides = [1, 1]} : vector<2560x40xf32> to vector<40x40xf32>
    %slice3A_332 = vector.extract_strided_slice %concatenate3A {offsets = [1880, 0], sizes = [40, 9], strides = [1, 1]} : vector<2560x9xf32> to vector<40x9xf32>
    %dot_general3A_333 = arith.constant dense<0.000000e+00> : vector<40x9xf32>
    %dot_general3A_334 = tpu.matmul %slice3A_331, %slice3A_332, %dot_general3A_333 {dimension_numbers = #tpu.dot_dimension_numbers<[1], [0], [0], [1], [0, 0, 1, 1], [], []>, transpose_lhs_hint = false} : vector<40x40xf32>, vector<40x9xf32>, vector<40x9xf32> -> vector<40x9xf32>
    %slice3A_335 = vector.extract_strided_slice %select_n3A_142 {offsets = [1920, 0], sizes = [40, 40], strides = [1, 1]} : vector<2560x40xf32> to vector<40x40xf32>
    %slice3A_336 = vector.extract_strided_slice %concatenate3A {offsets = [1920, 0], sizes = [40, 9], strides = [1, 1]} : vector<2560x9xf32> to vector<40x9xf32>
    %dot_general3A_337 = arith.constant dense<0.000000e+00> : vector<40x9xf32>
    %dot_general3A_338 = tpu.matmul %slice3A_335, %slice3A_336, %dot_general3A_337 {dimension_numbers = #tpu.dot_dimension_numbers<[1], [0], [0], [1], [0, 0, 1, 1], [], []>, transpose_lhs_hint = false} : vector<40x40xf32>, vector<40x9xf32>, vector<40x9xf32> -> vector<40x9xf32>
    %slice3A_339 = vector.extract_strided_slice %select_n3A_142 {offsets = [1960, 0], sizes = [40, 40], strides = [1, 1]} : vector<2560x40xf32> to vector<40x40xf32>
    %slice3A_340 = vector.extract_strided_slice %concatenate3A {offsets = [1960, 0], sizes = [40, 9], strides = [1, 1]} : vector<2560x9xf32> to vector<40x9xf32>
    %dot_general3A_341 = arith.constant dense<0.000000e+00> : vector<40x9xf32>
    %dot_general3A_342 = tpu.matmul %slice3A_339, %slice3A_340, %dot_general3A_341 {dimension_numbers = #tpu.dot_dimension_numbers<[1], [0], [0], [1], [0, 0, 1, 1], [], []>, transpose_lhs_hint = false} : vector<40x40xf32>, vector<40x9xf32>, vector<40x9xf32> -> vector<40x9xf32>
    %slice3A_343 = vector.extract_strided_slice %select_n3A_142 {offsets = [2000, 0], sizes = [40, 40], strides = [1, 1]} : vector<2560x40xf32> to vector<40x40xf32>
    %slice3A_344 = vector.extract_strided_slice %concatenate3A {offsets = [2000, 0], sizes = [40, 9], strides = [1, 1]} : vector<2560x9xf32> to vector<40x9xf32>
    %dot_general3A_345 = arith.constant dense<0.000000e+00> : vector<40x9xf32>
    %dot_general3A_346 = tpu.matmul %slice3A_343, %slice3A_344, %dot_general3A_345 {dimension_numbers = #tpu.dot_dimension_numbers<[1], [0], [0], [1], [0, 0, 1, 1], [], []>, transpose_lhs_hint = false} : vector<40x40xf32>, vector<40x9xf32>, vector<40x9xf32> -> vector<40x9xf32>
    %slice3A_347 = vector.extract_strided_slice %select_n3A_142 {offsets = [2040, 0], sizes = [40, 40], strides = [1, 1]} : vector<2560x40xf32> to vector<40x40xf32>
    %slice3A_348 = vector.extract_strided_slice %concatenate3A {offsets = [2040, 0], sizes = [40, 9], strides = [1, 1]} : vector<2560x9xf32> to vector<40x9xf32>
    %dot_general3A_349 = arith.constant dense<0.000000e+00> : vector<40x9xf32>
    %dot_general3A_350 = tpu.matmul %slice3A_347, %slice3A_348, %dot_general3A_349 {dimension_numbers = #tpu.dot_dimension_numbers<[1], [0], [0], [1], [0, 0, 1, 1], [], []>, transpose_lhs_hint = false} : vector<40x40xf32>, vector<40x9xf32>, vector<40x9xf32> -> vector<40x9xf32>
    %slice3A_351 = vector.extract_strided_slice %select_n3A_142 {offsets = [2080, 0], sizes = [40, 40], strides = [1, 1]} : vector<2560x40xf32> to vector<40x40xf32>
    %slice3A_352 = vector.extract_strided_slice %concatenate3A {offsets = [2080, 0], sizes = [40, 9], strides = [1, 1]} : vector<2560x9xf32> to vector<40x9xf32>
    %dot_general3A_353 = arith.constant dense<0.000000e+00> : vector<40x9xf32>
    %dot_general3A_354 = tpu.matmul %slice3A_351, %slice3A_352, %dot_general3A_353 {dimension_numbers = #tpu.dot_dimension_numbers<[1], [0], [0], [1], [0, 0, 1, 1], [], []>, transpose_lhs_hint = false} : vector<40x40xf32>, vector<40x9xf32>, vector<40x9xf32> -> vector<40x9xf32>
    %slice3A_355 = vector.extract_strided_slice %select_n3A_142 {offsets = [2120, 0], sizes = [40, 40], strides = [1, 1]} : vector<2560x40xf32> to vector<40x40xf32>
    %slice3A_356 = vector.extract_strided_slice %concatenate3A {offsets = [2120, 0], sizes = [40, 9], strides = [1, 1]} : vector<2560x9xf32> to vector<40x9xf32>
    %dot_general3A_357 = arith.constant dense<0.000000e+00> : vector<40x9xf32>
    %dot_general3A_358 = tpu.matmul %slice3A_355, %slice3A_356, %dot_general3A_357 {dimension_numbers = #tpu.dot_dimension_numbers<[1], [0], [0], [1], [0, 0, 1, 1], [], []>, transpose_lhs_hint = false} : vector<40x40xf32>, vector<40x9xf32>, vector<40x9xf32> -> vector<40x9xf32>
    %slice3A_359 = vector.extract_strided_slice %select_n3A_142 {offsets = [2160, 0], sizes = [40, 40], strides = [1, 1]} : vector<2560x40xf32> to vector<40x40xf32>
    %slice3A_360 = vector.extract_strided_slice %concatenate3A {offsets = [2160, 0], sizes = [40, 9], strides = [1, 1]} : vector<2560x9xf32> to vector<40x9xf32>
    %dot_general3A_361 = arith.constant dense<0.000000e+00> : vector<40x9xf32>
    %dot_general3A_362 = tpu.matmul %slice3A_359, %slice3A_360, %dot_general3A_361 {dimension_numbers = #tpu.dot_dimension_numbers<[1], [0], [0], [1], [0, 0, 1, 1], [], []>, transpose_lhs_hint = false} : vector<40x40xf32>, vector<40x9xf32>, vector<40x9xf32> -> vector<40x9xf32>
    %slice3A_363 = vector.extract_strided_slice %select_n3A_142 {offsets = [2200, 0], sizes = [40, 40], strides = [1, 1]} : vector<2560x40xf32> to vector<40x40xf32>
    %slice3A_364 = vector.extract_strided_slice %concatenate3A {offsets = [2200, 0], sizes = [40, 9], strides = [1, 1]} : vector<2560x9xf32> to vector<40x9xf32>
    %dot_general3A_365 = arith.constant dense<0.000000e+00> : vector<40x9xf32>
    %dot_general3A_366 = tpu.matmul %slice3A_363, %slice3A_364, %dot_general3A_365 {dimension_numbers = #tpu.dot_dimension_numbers<[1], [0], [0], [1], [0, 0, 1, 1], [], []>, transpose_lhs_hint = false} : vector<40x40xf32>, vector<40x9xf32>, vector<40x9xf32> -> vector<40x9xf32>
    %slice3A_367 = vector.extract_strided_slice %select_n3A_142 {offsets = [2240, 0], sizes = [40, 40], strides = [1, 1]} : vector<2560x40xf32> to vector<40x40xf32>
    %slice3A_368 = vector.extract_strided_slice %concatenate3A {offsets = [2240, 0], sizes = [40, 9], strides = [1, 1]} : vector<2560x9xf32> to vector<40x9xf32>
    %dot_general3A_369 = arith.constant dense<0.000000e+00> : vector<40x9xf32>
    %dot_general3A_370 = tpu.matmul %slice3A_367, %slice3A_368, %dot_general3A_369 {dimension_numbers = #tpu.dot_dimension_numbers<[1], [0], [0], [1], [0, 0, 1, 1], [], []>, transpose_lhs_hint = false} : vector<40x40xf32>, vector<40x9xf32>, vector<40x9xf32> -> vector<40x9xf32>
    %slice3A_371 = vector.extract_strided_slice %select_n3A_142 {offsets = [2280, 0], sizes = [40, 40], strides = [1, 1]} : vector<2560x40xf32> to vector<40x40xf32>
    %slice3A_372 = vector.extract_strided_slice %concatenate3A {offsets = [2280, 0], sizes = [40, 9], strides = [1, 1]} : vector<2560x9xf32> to vector<40x9xf32>
    %dot_general3A_373 = arith.constant dense<0.000000e+00> : vector<40x9xf32>
    %dot_general3A_374 = tpu.matmul %slice3A_371, %slice3A_372, %dot_general3A_373 {dimension_numbers = #tpu.dot_dimension_numbers<[1], [0], [0], [1], [0, 0, 1, 1], [], []>, transpose_lhs_hint = false} : vector<40x40xf32>, vector<40x9xf32>, vector<40x9xf32> -> vector<40x9xf32>
    %slice3A_375 = vector.extract_strided_slice %select_n3A_142 {offsets = [2320, 0], sizes = [40, 40], strides = [1, 1]} : vector<2560x40xf32> to vector<40x40xf32>
    %slice3A_376 = vector.extract_strided_slice %concatenate3A {offsets = [2320, 0], sizes = [40, 9], strides = [1, 1]} : vector<2560x9xf32> to vector<40x9xf32>
    %dot_general3A_377 = arith.constant dense<0.000000e+00> : vector<40x9xf32>
    %dot_general3A_378 = tpu.matmul %slice3A_375, %slice3A_376, %dot_general3A_377 {dimension_numbers = #tpu.dot_dimension_numbers<[1], [0], [0], [1], [0, 0, 1, 1], [], []>, transpose_lhs_hint = false} : vector<40x40xf32>, vector<40x9xf32>, vector<40x9xf32> -> vector<40x9xf32>
    %slice3A_379 = vector.extract_strided_slice %select_n3A_142 {offsets = [2360, 0], sizes = [40, 40], strides = [1, 1]} : vector<2560x40xf32> to vector<40x40xf32>
    %slice3A_380 = vector.extract_strided_slice %concatenate3A {offsets = [2360, 0], sizes = [40, 9], strides = [1, 1]} : vector<2560x9xf32> to vector<40x9xf32>
    %dot_general3A_381 = arith.constant dense<0.000000e+00> : vector<40x9xf32>
    %dot_general3A_382 = tpu.matmul %slice3A_379, %slice3A_380, %dot_general3A_381 {dimension_numbers = #tpu.dot_dimension_numbers<[1], [0], [0], [1], [0, 0, 1, 1], [], []>, transpose_lhs_hint = false} : vector<40x40xf32>, vector<40x9xf32>, vector<40x9xf32> -> vector<40x9xf32>
    %slice3A_383 = vector.extract_strided_slice %select_n3A_142 {offsets = [2400, 0], sizes = [40, 40], strides = [1, 1]} : vector<2560x40xf32> to vector<40x40xf32>
    %slice3A_384 = vector.extract_strided_slice %concatenate3A {offsets = [2400, 0], sizes = [40, 9], strides = [1, 1]} : vector<2560x9xf32> to vector<40x9xf32>
    %dot_general3A_385 = arith.constant dense<0.000000e+00> : vector<40x9xf32>
    %dot_general3A_386 = tpu.matmul %slice3A_383, %slice3A_384, %dot_general3A_385 {dimension_numbers = #tpu.dot_dimension_numbers<[1], [0], [0], [1], [0, 0, 1, 1], [], []>, transpose_lhs_hint = false} : vector<40x40xf32>, vector<40x9xf32>, vector<40x9xf32> -> vector<40x9xf32>
    %slice3A_387 = vector.extract_strided_slice %select_n3A_142 {offsets = [2440, 0], sizes = [40, 40], strides = [1, 1]} : vector<2560x40xf32> to vector<40x40xf32>
    %slice3A_388 = vector.extract_strided_slice %concatenate3A {offsets = [2440, 0], sizes = [40, 9], strides = [1, 1]} : vector<2560x9xf32> to vector<40x9xf32>
    %dot_general3A_389 = arith.constant dense<0.000000e+00> : vector<40x9xf32>
    %dot_general3A_390 = tpu.matmul %slice3A_387, %slice3A_388, %dot_general3A_389 {dimension_numbers = #tpu.dot_dimension_numbers<[1], [0], [0], [1], [0, 0, 1, 1], [], []>, transpose_lhs_hint = false} : vector<40x40xf32>, vector<40x9xf32>, vector<40x9xf32> -> vector<40x9xf32>
    %slice3A_391 = vector.extract_strided_slice %select_n3A_142 {offsets = [2480, 0], sizes = [40, 40], strides = [1, 1]} : vector<2560x40xf32> to vector<40x40xf32>
    %slice3A_392 = vector.extract_strided_slice %concatenate3A {offsets = [2480, 0], sizes = [40, 9], strides = [1, 1]} : vector<2560x9xf32> to vector<40x9xf32>
    %dot_general3A_393 = arith.constant dense<0.000000e+00> : vector<40x9xf32>
    %dot_general3A_394 = tpu.matmul %slice3A_391, %slice3A_392, %dot_general3A_393 {dimension_numbers = #tpu.dot_dimension_numbers<[1], [0], [0], [1], [0, 0, 1, 1], [], []>, transpose_lhs_hint = false} : vector<40x40xf32>, vector<40x9xf32>, vector<40x9xf32> -> vector<40x9xf32>
    %slice3A_395 = vector.extract_strided_slice %select_n3A_142 {offsets = [2520, 0], sizes = [40, 40], strides = [1, 1]} : vector<2560x40xf32> to vector<40x40xf32>
    %slice3A_396 = vector.extract_strided_slice %concatenate3A {offsets = [2520, 0], sizes = [40, 9], strides = [1, 1]} : vector<2560x9xf32> to vector<40x9xf32>
    %dot_general3A_397 = arith.constant dense<0.000000e+00> : vector<40x9xf32>
    %dot_general3A_398 = tpu.matmul %slice3A_395, %slice3A_396, %dot_general3A_397 {dimension_numbers = #tpu.dot_dimension_numbers<[1], [0], [0], [1], [0, 0, 1, 1], [], []>, transpose_lhs_hint = false} : vector<40x40xf32>, vector<40x9xf32>, vector<40x9xf32> -> vector<40x9xf32>
    %concatenate3A_399 = tpu.concatenate %dot_general3A_146, %dot_general3A_150, %dot_general3A_154, %dot_general3A_158, %dot_general3A_162, %dot_general3A_166, %dot_general3A_170, %dot_general3A_174, %dot_general3A_178, %dot_general3A_182, %dot_general3A_186, %dot_general3A_190, %dot_general3A_194, %dot_general3A_198, %dot_general3A_202, %dot_general3A_206, %dot_general3A_210, %dot_general3A_214, %dot_general3A_218, %dot_general3A_222, %dot_general3A_226, %dot_general3A_230, %dot_general3A_234, %dot_general3A_238, %dot_general3A_242, %dot_general3A_246, %dot_general3A_250, %dot_general3A_254, %dot_general3A_258, %dot_general3A_262, %dot_general3A_266, %dot_general3A_270, %dot_general3A_274, %dot_general3A_278, %dot_general3A_282, %dot_general3A_286, %dot_general3A_290, %dot_general3A_294, %dot_general3A_298, %dot_general3A_302, %dot_general3A_306, %dot_general3A_310, %dot_general3A_314, %dot_general3A_318, %dot_general3A_322, %dot_general3A_326, %dot_general3A_330, %dot_general3A_334, %dot_general3A_338, %dot_general3A_342, %dot_general3A_346, %dot_general3A_350, %dot_general3A_354, %dot_general3A_358, %dot_general3A_362, %dot_general3A_366, %dot_general3A_370, %dot_general3A_374, %dot_general3A_378, %dot_general3A_382, %dot_general3A_386, %dot_general3A_390, %dot_general3A_394, %dot_general3A_398 in 0 : vector<40x9xf32>, vector<40x9xf32>, vector<40x9xf32>, vector<40x9xf32>, vector<40x9xf32>, vector<40x9xf32>, vector<40x9xf32>, vector<40x9xf32>, vector<40x9xf32>, vector<40x9xf32>, vector<40x9xf32>, vector<40x9xf32>, vector<40x9xf32>, vector<40x9xf32>, vector<40x9xf32>, vector<40x9xf32>, vector<40x9xf32>, vector<40x9xf32>, vector<40x9xf32>, vector<40x9xf32>, vector<40x9xf32>, vector<40x9xf32>, vector<40x9xf32>, vector<40x9xf32>, vector<40x9xf32>, vector<40x9xf32>, vector<40x9xf32>, vector<40x9xf32>, vector<40x9xf32>, vector<40x9xf32>, vector<40x9xf32>, vector<40x9xf32>, vector<40x9xf32>, vector<40x9xf32>, vector<40x9xf32>, vector<40x9xf32>, vector<40x9xf32>, vector<40x9xf32>, vector<40x9xf32>, vector<40x9xf32>, vector<40x9xf32>, vector<40x9xf32>, vector<40x9xf32>, vector<40x9xf32>, vector<40x9xf32>, vector<40x9xf32>, vector<40x9xf32>, vector<40x9xf32>, vector<40x9xf32>, vector<40x9xf32>, vector<40x9xf32>, vector<40x9xf32>, vector<40x9xf32>, vector<40x9xf32>, vector<40x9xf32>, vector<40x9xf32>, vector<40x9xf32>, vector<40x9xf32>, vector<40x9xf32>, vector<40x9xf32>, vector<40x9xf32>, vector<40x9xf32>, vector<40x9xf32>, vector<40x9xf32> -> vector<2560x9xf32>
    %slice3A_400 = vector.extract_strided_slice %concatenate3A_399 {offsets = [0, 0], sizes = [2560, 8], strides = [1, 1]} : vector<2560x9xf32> to vector<2560x8xf32>
    %slice3A_401 = vector.extract_strided_slice %concatenate3A_399 {offsets = [0, 8], sizes = [2560, 1], strides = [1, 1]} : vector<2560x9xf32> to vector<2560x1xf32>
    %add3A_402 = arith.constant 1.000000e-16 : f32
    %add3A_403 = vector.broadcast %add3A_402 : f32 to vector<2560x1xf32>
    %add3A_404 = arith.addf %slice3A_401, %add3A_403 : vector<2560x1xf32>
    %div3A_405 = arith.constant 1.000000e+00 : f32
    %div3A_406 = vector.broadcast %div3A_405 : f32 to vector<2560x1xf32>
    %div3A_407 = arith.divf %div3A_406, %add3A_404 : vector<2560x1xf32>
    %mul3A_408 = vector.broadcast %div3A_407 : vector<2560x1xf32> to vector<2560x8xf32>
    %mul3A_409 = arith.mulf %slice3A_400, %mul3A_408 : vector<2560x8xf32>
    %get3A_410 = arith.constant 0 : index
    %get3A_411 = arith.constant 0 : index
    %get3A_412 = vector.load %arg4[%get3A_410, %get3A_411] : memref<1x8xf32, #tpu.memory_space<vmem>>, vector<1x8xf32>
    %add3A_413 = vector.broadcast %get3A_412 : vector<1x8xf32> to vector<2560x8xf32>
    %add3A_414 = arith.addf %mul3A_409, %add3A_413 : vector<2560x8xf32>
    %max3A_415 = arith.constant 0.000000e+00 : f32
    %max3A_416 = vector.broadcast %max3A_415 : f32 to vector<2560x8xf32>
    %max3A_417 = arith.maximumf %add3A_414, %max3A_416 : vector<2560x8xf32>
    %swap3A = arith.constant 0 : index
    %swap3A_418 = arith.constant 0 : index
    %swap3A_419 = vector.load %arg11[%swap3A, %swap3A_418] : memref<2560x8xf32, #tpu.memory_space<vmem>>, vector<2560x8xf32>
    tpu.vector_store %arg11[%swap3A, %swap3A_418], %max3A_417 {strides = array<i32>} : memref<2560x8xf32, #tpu.memory_space<vmem>>, vector<2560x8xf32>,
    %jit3A_420 = arith.constant -3.000000e+38 : f32
    %broadcast_in_dim3A_421 = vector.shape_cast %lt3A_16 : vector<2560x1xi1> to vector<2560x1xi1>
    %broadcast_in_dim3A_422 = vector.broadcast %broadcast_in_dim3A_421 : vector<2560x1xi1> to vector<2560x8xi1>
    %broadcast_in_dim3A_423 = vector.broadcast %jit3A_420 : f32 to vector<2560x8xf32>
    %select_n3A_424 = arith.select %broadcast_in_dim3A_422, %max3A_417, %broadcast_in_dim3A_423 : vector<2560x8xi1>, vector<2560x8xf32>
    %reshape3A_425 = vector.shape_cast %select_n3A_424 : vector<2560x8xf32> to vector<64x40x8xf32>
    %reduce_max3A_426 = arith.constant dense<0xFF800000> : vector<64x8xf32>
    %reduce_max3A_427 = vector.multi_reduction <maximumf>, %reshape3A_425, %reduce_max3A_426 [1] : vector<64x40x8xf32> to vector<64x8xf32>
    %get3A_428 = arith.constant 0 : index
    %get3A_429 = arith.constant 0 : index
    %get3A_430 = vector.load %arg5[%get3A_428, %get3A_429] : memref<8x66xf32, #tpu.memory_space<vmem>>, vector<8x66xf32>
    %dot_general3A_431 = arith.constant dense<0.000000e+00> : vector<2560x66xf32>
    %dot_general3A_432 = tpu.matmul %max3A_417, %get3A_430, %dot_general3A_431 {dimension_numbers = #tpu.dot_dimension_numbers<[1], [0], [0], [1], [0, 0, 1, 1], [], []>, transpose_lhs_hint = false} : vector<2560x8xf32>, vector<8x66xf32>, vector<2560x66xf32> -> vector<2560x66xf32>
    %slice3A_433 = vector.extract_strided_slice %dot_general3A_432 {offsets = [0, 0], sizes = [2560, 64], strides = [1, 1]} : vector<2560x66xf32> to vector<2560x64xf32>
    %slice3A_434 = vector.extract_strided_slice %dot_general3A_432 {offsets = [0, 64], sizes = [2560, 1], strides = [1, 1]} : vector<2560x66xf32> to vector<2560x1xf32>
    %slice3A_435 = vector.extract_strided_slice %dot_general3A_432 {offsets = [0, 65], sizes = [2560, 1], strides = [1, 1]} : vector<2560x66xf32> to vector<2560x1xf32>
    %mul3A_436 = vector.broadcast %slice3A_434 : vector<2560x1xf32> to vector<2560x40xf32>
    %mul3A_437 = arith.mulf %mul3A_436, %convert_element_type3A_20 : vector<2560x40xf32>
    %dot_general3A_438 = arith.constant dense<0.000000e+00> : vector<64x40xf32>
    %dot_general3A_439 = tpu.matmul %convert_element_type3A_66, %mul3A_437, %dot_general3A_438 {dimension_numbers = #tpu.dot_dimension_numbers<[1], [0], [0], [1], [0, 0, 1, 1], [], []>, transpose_lhs_hint = false} : vector<64x2560xf32>, vector<2560x40xf32>, vector<64x40xf32> -> vector<64x40xf32>
    %dot_general3A_440 = arith.constant dense<0.000000e+00> : vector<2560x40xf32>
    %dot_general3A_441 = tpu.matmul %convert_element_type3A_102, %dot_general3A_439, %dot_general3A_440 {dimension_numbers = #tpu.dot_dimension_numbers<[1], [0], [0], [1], [0, 0, 1, 1], [], []>, transpose_lhs_hint = false} : vector<2560x64xf32>, vector<64x40xf32>, vector<2560x40xf32> -> vector<2560x40xf32>
    %add3A_442 = vector.broadcast %slice3A_435 : vector<2560x1xf32> to vector<2560x40xf32>
    %add3A_443 = arith.addf %dot_general3A_441, %add3A_442 : vector<2560x40xf32>
    %ge3A_444 = arith.constant 0.000000e+00 : f32
    %ge3A_445 = vector.broadcast %ge3A_444 : f32 to vector<2560x40xf32>
    %ge3A_446 = arith.cmpf oge, %add3A_443, %ge3A_445 : vector<2560x40xf32>
    %mul3A_447 = arith.constant 2.000000e-01 : f32
    %mul3A_448 = vector.broadcast %mul3A_447 : f32 to vector<2560x40xf32>
    %mul3A_449 = arith.mulf %mul3A_448, %add3A_443 : vector<2560x40xf32>
    %select_n3A_450 = arith.select %ge3A_446, %add3A_443, %mul3A_449 : vector<2560x40xi1>, vector<2560x40xf32>
    %reduce_max3A_451 = arith.constant dense<0xFF800000> : vector<2560xf32>
    %reduce_max3A_452 = vector.multi_reduction <maximumf>, %select_n3A_450, %reduce_max3A_451 [1] : vector<2560x40xf32> to vector<2560xf32>
    %broadcast_in_dim3A_453 = vector.shape_cast %reduce_max3A_452 : vector<2560xf32> to vector<2560x1xf32>
    %max3A_454 = arith.constant 0.000000e+00 : f32
    %max3A_455 = vector.broadcast %max3A_454 : f32 to vector<2560x1xf32>
    %max3A_456 = arith.maximumf %broadcast_in_dim3A_453, %max3A_455 : vector<2560x1xf32>
    %sub3A_457 = vector.broadcast %max3A_456 : vector<2560x1xf32> to vector<2560x40xf32>
    %sub3A_458 = arith.subf %select_n3A_450, %sub3A_457 : vector<2560x40xf32>
    %exp3A_459 = math.exp %sub3A_458 : vector<2560x40xf32>
    %mul3A_460 = arith.mulf %add3A_31, %exp3A_459 : vector<2560x40xf32>
    %jit3A_461 = arith.constant 0.000000e+00 : f32
    %broadcast_in_dim3A_462 = vector.broadcast %jit3A_461 : f32 to vector<2560x40xf32>
    %select_n3A_463 = arith.select %gt3A_33, %mul3A_460, %broadcast_in_dim3A_462 : vector<2560x40xi1>, vector<2560x40xf32>
    %concatenate3A_464 = tpu.concatenate %slice3A_433, %broadcast_in_dim3A_104 in 1 : vector<2560x64xf32>, vector<2560x1xf32> -> vector<2560x65xf32>
    %slice3A_465 = vector.extract_strided_slice %select_n3A_463 {offsets = [0, 0], sizes = [40, 40], strides = [1, 1]} : vector<2560x40xf32> to vector<40x40xf32>
    %slice3A_466 = vector.extract_strided_slice %concatenate3A_464 {offsets = [0, 0], sizes = [40, 65], strides = [1, 1]} : vector<2560x65xf32> to vector<40x65xf32>
    %dot_general3A_467 = arith.constant dense<0.000000e+00> : vector<40x65xf32>
    %dot_general3A_468 = tpu.matmul %slice3A_465, %slice3A_466, %dot_general3A_467 {dimension_numbers = #tpu.dot_dimension_numbers<[1], [0], [0], [1], [0, 0, 1, 1], [], []>, transpose_lhs_hint = false} : vector<40x40xf32>, vector<40x65xf32>, vector<40x65xf32> -> vector<40x65xf32>
    %slice3A_469 = vector.extract_strided_slice %select_n3A_463 {offsets = [40, 0], sizes = [40, 40], strides = [1, 1]} : vector<2560x40xf32> to vector<40x40xf32>
    %slice3A_470 = vector.extract_strided_slice %concatenate3A_464 {offsets = [40, 0], sizes = [40, 65], strides = [1, 1]} : vector<2560x65xf32> to vector<40x65xf32>
    %dot_general3A_471 = arith.constant dense<0.000000e+00> : vector<40x65xf32>
    %dot_general3A_472 = tpu.matmul %slice3A_469, %slice3A_470, %dot_general3A_471 {dimension_numbers = #tpu.dot_dimension_numbers<[1], [0], [0], [1], [0, 0, 1, 1], [], []>, transpose_lhs_hint = false} : vector<40x40xf32>, vector<40x65xf32>, vector<40x65xf32> -> vector<40x65xf32>
    %slice3A_473 = vector.extract_strided_slice %select_n3A_463 {offsets = [80, 0], sizes = [40, 40], strides = [1, 1]} : vector<2560x40xf32> to vector<40x40xf32>
    %slice3A_474 = vector.extract_strided_slice %concatenate3A_464 {offsets = [80, 0], sizes = [40, 65], strides = [1, 1]} : vector<2560x65xf32> to vector<40x65xf32>
    %dot_general3A_475 = arith.constant dense<0.000000e+00> : vector<40x65xf32>
    %dot_general3A_476 = tpu.matmul %slice3A_473, %slice3A_474, %dot_general3A_475 {dimension_numbers = #tpu.dot_dimension_numbers<[1], [0], [0], [1], [0, 0, 1, 1], [], []>, transpose_lhs_hint = false} : vector<40x40xf32>, vector<40x65xf32>, vector<40x65xf32> -> vector<40x65xf32>
    %slice3A_477 = vector.extract_strided_slice %select_n3A_463 {offsets = [120, 0], sizes = [40, 40], strides = [1, 1]} : vector<2560x40xf32> to vector<40x40xf32>
    %slice3A_478 = vector.extract_strided_slice %concatenate3A_464 {offsets = [120, 0], sizes = [40, 65], strides = [1, 1]} : vector<2560x65xf32> to vector<40x65xf32>
    %dot_general3A_479 = arith.constant dense<0.000000e+00> : vector<40x65xf32>
    %dot_general3A_480 = tpu.matmul %slice3A_477, %slice3A_478, %dot_general3A_479 {dimension_numbers = #tpu.dot_dimension_numbers<[1], [0], [0], [1], [0, 0, 1, 1], [], []>, transpose_lhs_hint = false} : vector<40x40xf32>, vector<40x65xf32>, vector<40x65xf32> -> vector<40x65xf32>
    %slice3A_481 = vector.extract_strided_slice %select_n3A_463 {offsets = [160, 0], sizes = [40, 40], strides = [1, 1]} : vector<2560x40xf32> to vector<40x40xf32>
    %slice3A_482 = vector.extract_strided_slice %concatenate3A_464 {offsets = [160, 0], sizes = [40, 65], strides = [1, 1]} : vector<2560x65xf32> to vector<40x65xf32>
    %dot_general3A_483 = arith.constant dense<0.000000e+00> : vector<40x65xf32>
    %dot_general3A_484 = tpu.matmul %slice3A_481, %slice3A_482, %dot_general3A_483 {dimension_numbers = #tpu.dot_dimension_numbers<[1], [0], [0], [1], [0, 0, 1, 1], [], []>, transpose_lhs_hint = false} : vector<40x40xf32>, vector<40x65xf32>, vector<40x65xf32> -> vector<40x65xf32>
    %slice3A_485 = vector.extract_strided_slice %select_n3A_463 {offsets = [200, 0], sizes = [40, 40], strides = [1, 1]} : vector<2560x40xf32> to vector<40x40xf32>
    %slice3A_486 = vector.extract_strided_slice %concatenate3A_464 {offsets = [200, 0], sizes = [40, 65], strides = [1, 1]} : vector<2560x65xf32> to vector<40x65xf32>
    %dot_general3A_487 = arith.constant dense<0.000000e+00> : vector<40x65xf32>
    %dot_general3A_488 = tpu.matmul %slice3A_485, %slice3A_486, %dot_general3A_487 {dimension_numbers = #tpu.dot_dimension_numbers<[1], [0], [0], [1], [0, 0, 1, 1], [], []>, transpose_lhs_hint = false} : vector<40x40xf32>, vector<40x65xf32>, vector<40x65xf32> -> vector<40x65xf32>
    %slice3A_489 = vector.extract_strided_slice %select_n3A_463 {offsets = [240, 0], sizes = [40, 40], strides = [1, 1]} : vector<2560x40xf32> to vector<40x40xf32>
    %slice3A_490 = vector.extract_strided_slice %concatenate3A_464 {offsets = [240, 0], sizes = [40, 65], strides = [1, 1]} : vector<2560x65xf32> to vector<40x65xf32>
    %dot_general3A_491 = arith.constant dense<0.000000e+00> : vector<40x65xf32>
    %dot_general3A_492 = tpu.matmul %slice3A_489, %slice3A_490, %dot_general3A_491 {dimension_numbers = #tpu.dot_dimension_numbers<[1], [0], [0], [1], [0, 0, 1, 1], [], []>, transpose_lhs_hint = false} : vector<40x40xf32>, vector<40x65xf32>, vector<40x65xf32> -> vector<40x65xf32>
    %slice3A_493 = vector.extract_strided_slice %select_n3A_463 {offsets = [280, 0], sizes = [40, 40], strides = [1, 1]} : vector<2560x40xf32> to vector<40x40xf32>
    %slice3A_494 = vector.extract_strided_slice %concatenate3A_464 {offsets = [280, 0], sizes = [40, 65], strides = [1, 1]} : vector<2560x65xf32> to vector<40x65xf32>
    %dot_general3A_495 = arith.constant dense<0.000000e+00> : vector<40x65xf32>
    %dot_general3A_496 = tpu.matmul %slice3A_493, %slice3A_494, %dot_general3A_495 {dimension_numbers = #tpu.dot_dimension_numbers<[1], [0], [0], [1], [0, 0, 1, 1], [], []>, transpose_lhs_hint = false} : vector<40x40xf32>, vector<40x65xf32>, vector<40x65xf32> -> vector<40x65xf32>
    %slice3A_497 = vector.extract_strided_slice %select_n3A_463 {offsets = [320, 0], sizes = [40, 40], strides = [1, 1]} : vector<2560x40xf32> to vector<40x40xf32>
    %slice3A_498 = vector.extract_strided_slice %concatenate3A_464 {offsets = [320, 0], sizes = [40, 65], strides = [1, 1]} : vector<2560x65xf32> to vector<40x65xf32>
    %dot_general3A_499 = arith.constant dense<0.000000e+00> : vector<40x65xf32>
    %dot_general3A_500 = tpu.matmul %slice3A_497, %slice3A_498, %dot_general3A_499 {dimension_numbers = #tpu.dot_dimension_numbers<[1], [0], [0], [1], [0, 0, 1, 1], [], []>, transpose_lhs_hint = false} : vector<40x40xf32>, vector<40x65xf32>, vector<40x65xf32> -> vector<40x65xf32>
    %slice3A_501 = vector.extract_strided_slice %select_n3A_463 {offsets = [360, 0], sizes = [40, 40], strides = [1, 1]} : vector<2560x40xf32> to vector<40x40xf32>
    %slice3A_502 = vector.extract_strided_slice %concatenate3A_464 {offsets = [360, 0], sizes = [40, 65], strides = [1, 1]} : vector<2560x65xf32> to vector<40x65xf32>
    %dot_general3A_503 = arith.constant dense<0.000000e+00> : vector<40x65xf32>
    %dot_general3A_504 = tpu.matmul %slice3A_501, %slice3A_502, %dot_general3A_503 {dimension_numbers = #tpu.dot_dimension_numbers<[1], [0], [0], [1], [0, 0, 1, 1], [], []>, transpose_lhs_hint = false} : vector<40x40xf32>, vector<40x65xf32>, vector<40x65xf32> -> vector<40x65xf32>
    %slice3A_505 = vector.extract_strided_slice %select_n3A_463 {offsets = [400, 0], sizes = [40, 40], strides = [1, 1]} : vector<2560x40xf32> to vector<40x40xf32>
    %slice3A_506 = vector.extract_strided_slice %concatenate3A_464 {offsets = [400, 0], sizes = [40, 65], strides = [1, 1]} : vector<2560x65xf32> to vector<40x65xf32>
    %dot_general3A_507 = arith.constant dense<0.000000e+00> : vector<40x65xf32>
    %dot_general3A_508 = tpu.matmul %slice3A_505, %slice3A_506, %dot_general3A_507 {dimension_numbers = #tpu.dot_dimension_numbers<[1], [0], [0], [1], [0, 0, 1, 1], [], []>, transpose_lhs_hint = false} : vector<40x40xf32>, vector<40x65xf32>, vector<40x65xf32> -> vector<40x65xf32>
    %slice3A_509 = vector.extract_strided_slice %select_n3A_463 {offsets = [440, 0], sizes = [40, 40], strides = [1, 1]} : vector<2560x40xf32> to vector<40x40xf32>
    %slice3A_510 = vector.extract_strided_slice %concatenate3A_464 {offsets = [440, 0], sizes = [40, 65], strides = [1, 1]} : vector<2560x65xf32> to vector<40x65xf32>
    %dot_general3A_511 = arith.constant dense<0.000000e+00> : vector<40x65xf32>
    %dot_general3A_512 = tpu.matmul %slice3A_509, %slice3A_510, %dot_general3A_511 {dimension_numbers = #tpu.dot_dimension_numbers<[1], [0], [0], [1], [0, 0, 1, 1], [], []>, transpose_lhs_hint = false} : vector<40x40xf32>, vector<40x65xf32>, vector<40x65xf32> -> vector<40x65xf32>
    %slice3A_513 = vector.extract_strided_slice %select_n3A_463 {offsets = [480, 0], sizes = [40, 40], strides = [1, 1]} : vector<2560x40xf32> to vector<40x40xf32>
    %slice3A_514 = vector.extract_strided_slice %concatenate3A_464 {offsets = [480, 0], sizes = [40, 65], strides = [1, 1]} : vector<2560x65xf32> to vector<40x65xf32>
    %dot_general3A_515 = arith.constant dense<0.000000e+00> : vector<40x65xf32>
    %dot_general3A_516 = tpu.matmul %slice3A_513, %slice3A_514, %dot_general3A_515 {dimension_numbers = #tpu.dot_dimension_numbers<[1], [0], [0], [1], [0, 0, 1, 1], [], []>, transpose_lhs_hint = false} : vector<40x40xf32>, vector<40x65xf32>, vector<40x65xf32> -> vector<40x65xf32>
    %slice3A_517 = vector.extract_strided_slice %select_n3A_463 {offsets = [520, 0], sizes = [40, 40], strides = [1, 1]} : vector<2560x40xf32> to vector<40x40xf32>
    %slice3A_518 = vector.extract_strided_slice %concatenate3A_464 {offsets = [520, 0], sizes = [40, 65], strides = [1, 1]} : vector<2560x65xf32> to vector<40x65xf32>
    %dot_general3A_519 = arith.constant dense<0.000000e+00> : vector<40x65xf32>
    %dot_general3A_520 = tpu.matmul %slice3A_517, %slice3A_518, %dot_general3A_519 {dimension_numbers = #tpu.dot_dimension_numbers<[1], [0], [0], [1], [0, 0, 1, 1], [], []>, transpose_lhs_hint = false} : vector<40x40xf32>, vector<40x65xf32>, vector<40x65xf32> -> vector<40x65xf32>
    %slice3A_521 = vector.extract_strided_slice %select_n3A_463 {offsets = [560, 0], sizes = [40, 40], strides = [1, 1]} : vector<2560x40xf32> to vector<40x40xf32>
    %slice3A_522 = vector.extract_strided_slice %concatenate3A_464 {offsets = [560, 0], sizes = [40, 65], strides = [1, 1]} : vector<2560x65xf32> to vector<40x65xf32>
    %dot_general3A_523 = arith.constant dense<0.000000e+00> : vector<40x65xf32>
    %dot_general3A_524 = tpu.matmul %slice3A_521, %slice3A_522, %dot_general3A_523 {dimension_numbers = #tpu.dot_dimension_numbers<[1], [0], [0], [1], [0, 0, 1, 1], [], []>, transpose_lhs_hint = false} : vector<40x40xf32>, vector<40x65xf32>, vector<40x65xf32> -> vector<40x65xf32>
    %slice3A_525 = vector.extract_strided_slice %select_n3A_463 {offsets = [600, 0], sizes = [40, 40], strides = [1, 1]} : vector<2560x40xf32> to vector<40x40xf32>
    %slice3A_526 = vector.extract_strided_slice %concatenate3A_464 {offsets = [600, 0], sizes = [40, 65], strides = [1, 1]} : vector<2560x65xf32> to vector<40x65xf32>
    %dot_general3A_527 = arith.constant dense<0.000000e+00> : vector<40x65xf32>
    %dot_general3A_528 = tpu.matmul %slice3A_525, %slice3A_526, %dot_general3A_527 {dimension_numbers = #tpu.dot_dimension_numbers<[1], [0], [0], [1], [0, 0, 1, 1], [], []>, transpose_lhs_hint = false} : vector<40x40xf32>, vector<40x65xf32>, vector<40x65xf32> -> vector<40x65xf32>
    %slice3A_529 = vector.extract_strided_slice %select_n3A_463 {offsets = [640, 0], sizes = [40, 40], strides = [1, 1]} : vector<2560x40xf32> to vector<40x40xf32>
    %slice3A_530 = vector.extract_strided_slice %concatenate3A_464 {offsets = [640, 0], sizes = [40, 65], strides = [1, 1]} : vector<2560x65xf32> to vector<40x65xf32>
    %dot_general3A_531 = arith.constant dense<0.000000e+00> : vector<40x65xf32>
    %dot_general3A_532 = tpu.matmul %slice3A_529, %slice3A_530, %dot_general3A_531 {dimension_numbers = #tpu.dot_dimension_numbers<[1], [0], [0], [1], [0, 0, 1, 1], [], []>, transpose_lhs_hint = false} : vector<40x40xf32>, vector<40x65xf32>, vector<40x65xf32> -> vector<40x65xf32>
    %slice3A_533 = vector.extract_strided_slice %select_n3A_463 {offsets = [680, 0], sizes = [40, 40], strides = [1, 1]} : vector<2560x40xf32> to vector<40x40xf32>
    %slice3A_534 = vector.extract_strided_slice %concatenate3A_464 {offsets = [680, 0], sizes = [40, 65], strides = [1, 1]} : vector<2560x65xf32> to vector<40x65xf32>
    %dot_general3A_535 = arith.constant dense<0.000000e+00> : vector<40x65xf32>
    %dot_general3A_536 = tpu.matmul %slice3A_533, %slice3A_534, %dot_general3A_535 {dimension_numbers = #tpu.dot_dimension_numbers<[1], [0], [0], [1], [0, 0, 1, 1], [], []>, transpose_lhs_hint = false} : vector<40x40xf32>, vector<40x65xf32>, vector<40x65xf32> -> vector<40x65xf32>
    %slice3A_537 = vector.extract_strided_slice %select_n3A_463 {offsets = [720, 0], sizes = [40, 40], strides = [1, 1]} : vector<2560x40xf32> to vector<40x40xf32>
    %slice3A_538 = vector.extract_strided_slice %concatenate3A_464 {offsets = [720, 0], sizes = [40, 65], strides = [1, 1]} : vector<2560x65xf32> to vector<40x65xf32>
    %dot_general3A_539 = arith.constant dense<0.000000e+00> : vector<40x65xf32>
    %dot_general3A_540 = tpu.matmul %slice3A_537, %slice3A_538, %dot_general3A_539 {dimension_numbers = #tpu.dot_dimension_numbers<[1], [0], [0], [1], [0, 0, 1, 1], [], []>, transpose_lhs_hint = false} : vector<40x40xf32>, vector<40x65xf32>, vector<40x65xf32> -> vector<40x65xf32>
    %slice3A_541 = vector.extract_strided_slice %select_n3A_463 {offsets = [760, 0], sizes = [40, 40], strides = [1, 1]} : vector<2560x40xf32> to vector<40x40xf32>
    %slice3A_542 = vector.extract_strided_slice %concatenate3A_464 {offsets = [760, 0], sizes = [40, 65], strides = [1, 1]} : vector<2560x65xf32> to vector<40x65xf32>
    %dot_general3A_543 = arith.constant dense<0.000000e+00> : vector<40x65xf32>
    %dot_general3A_544 = tpu.matmul %slice3A_541, %slice3A_542, %dot_general3A_543 {dimension_numbers = #tpu.dot_dimension_numbers<[1], [0], [0], [1], [0, 0, 1, 1], [], []>, transpose_lhs_hint = false} : vector<40x40xf32>, vector<40x65xf32>, vector<40x65xf32> -> vector<40x65xf32>
    %slice3A_545 = vector.extract_strided_slice %select_n3A_463 {offsets = [800, 0], sizes = [40, 40], strides = [1, 1]} : vector<2560x40xf32> to vector<40x40xf32>
    %slice3A_546 = vector.extract_strided_slice %concatenate3A_464 {offsets = [800, 0], sizes = [40, 65], strides = [1, 1]} : vector<2560x65xf32> to vector<40x65xf32>
    %dot_general3A_547 = arith.constant dense<0.000000e+00> : vector<40x65xf32>
    %dot_general3A_548 = tpu.matmul %slice3A_545, %slice3A_546, %dot_general3A_547 {dimension_numbers = #tpu.dot_dimension_numbers<[1], [0], [0], [1], [0, 0, 1, 1], [], []>, transpose_lhs_hint = false} : vector<40x40xf32>, vector<40x65xf32>, vector<40x65xf32> -> vector<40x65xf32>
    %slice3A_549 = vector.extract_strided_slice %select_n3A_463 {offsets = [840, 0], sizes = [40, 40], strides = [1, 1]} : vector<2560x40xf32> to vector<40x40xf32>
    %slice3A_550 = vector.extract_strided_slice %concatenate3A_464 {offsets = [840, 0], sizes = [40, 65], strides = [1, 1]} : vector<2560x65xf32> to vector<40x65xf32>
    %dot_general3A_551 = arith.constant dense<0.000000e+00> : vector<40x65xf32>
    %dot_general3A_552 = tpu.matmul %slice3A_549, %slice3A_550, %dot_general3A_551 {dimension_numbers = #tpu.dot_dimension_numbers<[1], [0], [0], [1], [0, 0, 1, 1], [], []>, transpose_lhs_hint = false} : vector<40x40xf32>, vector<40x65xf32>, vector<40x65xf32> -> vector<40x65xf32>
    %slice3A_553 = vector.extract_strided_slice %select_n3A_463 {offsets = [880, 0], sizes = [40, 40], strides = [1, 1]} : vector<2560x40xf32> to vector<40x40xf32>
    %slice3A_554 = vector.extract_strided_slice %concatenate3A_464 {offsets = [880, 0], sizes = [40, 65], strides = [1, 1]} : vector<2560x65xf32> to vector<40x65xf32>
    %dot_general3A_555 = arith.constant dense<0.000000e+00> : vector<40x65xf32>
    %dot_general3A_556 = tpu.matmul %slice3A_553, %slice3A_554, %dot_general3A_555 {dimension_numbers = #tpu.dot_dimension_numbers<[1], [0], [0], [1], [0, 0, 1, 1], [], []>, transpose_lhs_hint = false} : vector<40x40xf32>, vector<40x65xf32>, vector<40x65xf32> -> vector<40x65xf32>
    %slice3A_557 = vector.extract_strided_slice %select_n3A_463 {offsets = [920, 0], sizes = [40, 40], strides = [1, 1]} : vector<2560x40xf32> to vector<40x40xf32>
    %slice3A_558 = vector.extract_strided_slice %concatenate3A_464 {offsets = [920, 0], sizes = [40, 65], strides = [1, 1]} : vector<2560x65xf32> to vector<40x65xf32>
    %dot_general3A_559 = arith.constant dense<0.000000e+00> : vector<40x65xf32>
    %dot_general3A_560 = tpu.matmul %slice3A_557, %slice3A_558, %dot_general3A_559 {dimension_numbers = #tpu.dot_dimension_numbers<[1], [0], [0], [1], [0, 0, 1, 1], [], []>, transpose_lhs_hint = false} : vector<40x40xf32>, vector<40x65xf32>, vector<40x65xf32> -> vector<40x65xf32>
    %slice3A_561 = vector.extract_strided_slice %select_n3A_463 {offsets = [960, 0], sizes = [40, 40], strides = [1, 1]} : vector<2560x40xf32> to vector<40x40xf32>
    %slice3A_562 = vector.extract_strided_slice %concatenate3A_464 {offsets = [960, 0], sizes = [40, 65], strides = [1, 1]} : vector<2560x65xf32> to vector<40x65xf32>
    %dot_general3A_563 = arith.constant dense<0.000000e+00> : vector<40x65xf32>
    %dot_general3A_564 = tpu.matmul %slice3A_561, %slice3A_562, %dot_general3A_563 {dimension_numbers = #tpu.dot_dimension_numbers<[1], [0], [0], [1], [0, 0, 1, 1], [], []>, transpose_lhs_hint = false} : vector<40x40xf32>, vector<40x65xf32>, vector<40x65xf32> -> vector<40x65xf32>
    %slice3A_565 = vector.extract_strided_slice %select_n3A_463 {offsets = [1000, 0], sizes = [40, 40], strides = [1, 1]} : vector<2560x40xf32> to vector<40x40xf32>
    %slice3A_566 = vector.extract_strided_slice %concatenate3A_464 {offsets = [1000, 0], sizes = [40, 65], strides = [1, 1]} : vector<2560x65xf32> to vector<40x65xf32>
    %dot_general3A_567 = arith.constant dense<0.000000e+00> : vector<40x65xf32>
    %dot_general3A_568 = tpu.matmul %slice3A_565, %slice3A_566, %dot_general3A_567 {dimension_numbers = #tpu.dot_dimension_numbers<[1], [0], [0], [1], [0, 0, 1, 1], [], []>, transpose_lhs_hint = false} : vector<40x40xf32>, vector<40x65xf32>, vector<40x65xf32> -> vector<40x65xf32>
    %slice3A_569 = vector.extract_strided_slice %select_n3A_463 {offsets = [1040, 0], sizes = [40, 40], strides = [1, 1]} : vector<2560x40xf32> to vector<40x40xf32>
    %slice3A_570 = vector.extract_strided_slice %concatenate3A_464 {offsets = [1040, 0], sizes = [40, 65], strides = [1, 1]} : vector<2560x65xf32> to vector<40x65xf32>
    %dot_general3A_571 = arith.constant dense<0.000000e+00> : vector<40x65xf32>
    %dot_general3A_572 = tpu.matmul %slice3A_569, %slice3A_570, %dot_general3A_571 {dimension_numbers = #tpu.dot_dimension_numbers<[1], [0], [0], [1], [0, 0, 1, 1], [], []>, transpose_lhs_hint = false} : vector<40x40xf32>, vector<40x65xf32>, vector<40x65xf32> -> vector<40x65xf32>
    %slice3A_573 = vector.extract_strided_slice %select_n3A_463 {offsets = [1080, 0], sizes = [40, 40], strides = [1, 1]} : vector<2560x40xf32> to vector<40x40xf32>
    %slice3A_574 = vector.extract_strided_slice %concatenate3A_464 {offsets = [1080, 0], sizes = [40, 65], strides = [1, 1]} : vector<2560x65xf32> to vector<40x65xf32>
    %dot_general3A_575 = arith.constant dense<0.000000e+00> : vector<40x65xf32>
    %dot_general3A_576 = tpu.matmul %slice3A_573, %slice3A_574, %dot_general3A_575 {dimension_numbers = #tpu.dot_dimension_numbers<[1], [0], [0], [1], [0, 0, 1, 1], [], []>, transpose_lhs_hint = false} : vector<40x40xf32>, vector<40x65xf32>, vector<40x65xf32> -> vector<40x65xf32>
    %slice3A_577 = vector.extract_strided_slice %select_n3A_463 {offsets = [1120, 0], sizes = [40, 40], strides = [1, 1]} : vector<2560x40xf32> to vector<40x40xf32>
    %slice3A_578 = vector.extract_strided_slice %concatenate3A_464 {offsets = [1120, 0], sizes = [40, 65], strides = [1, 1]} : vector<2560x65xf32> to vector<40x65xf32>
    %dot_general3A_579 = arith.constant dense<0.000000e+00> : vector<40x65xf32>
    %dot_general3A_580 = tpu.matmul %slice3A_577, %slice3A_578, %dot_general3A_579 {dimension_numbers = #tpu.dot_dimension_numbers<[1], [0], [0], [1], [0, 0, 1, 1], [], []>, transpose_lhs_hint = false} : vector<40x40xf32>, vector<40x65xf32>, vector<40x65xf32> -> vector<40x65xf32>
    %slice3A_581 = vector.extract_strided_slice %select_n3A_463 {offsets = [1160, 0], sizes = [40, 40], strides = [1, 1]} : vector<2560x40xf32> to vector<40x40xf32>
    %slice3A_582 = vector.extract_strided_slice %concatenate3A_464 {offsets = [1160, 0], sizes = [40, 65], strides = [1, 1]} : vector<2560x65xf32> to vector<40x65xf32>
    %dot_general3A_583 = arith.constant dense<0.000000e+00> : vector<40x65xf32>
    %dot_general3A_584 = tpu.matmul %slice3A_581, %slice3A_582, %dot_general3A_583 {dimension_numbers = #tpu.dot_dimension_numbers<[1], [0], [0], [1], [0, 0, 1, 1], [], []>, transpose_lhs_hint = false} : vector<40x40xf32>, vector<40x65xf32>, vector<40x65xf32> -> vector<40x65xf32>
    %slice3A_585 = vector.extract_strided_slice %select_n3A_463 {offsets = [1200, 0], sizes = [40, 40], strides = [1, 1]} : vector<2560x40xf32> to vector<40x40xf32>
    %slice3A_586 = vector.extract_strided_slice %concatenate3A_464 {offsets = [1200, 0], sizes = [40, 65], strides = [1, 1]} : vector<2560x65xf32> to vector<40x65xf32>
    %dot_general3A_587 = arith.constant dense<0.000000e+00> : vector<40x65xf32>
    %dot_general3A_588 = tpu.matmul %slice3A_585, %slice3A_586, %dot_general3A_587 {dimension_numbers = #tpu.dot_dimension_numbers<[1], [0], [0], [1], [0, 0, 1, 1], [], []>, transpose_lhs_hint = false} : vector<40x40xf32>, vector<40x65xf32>, vector<40x65xf32> -> vector<40x65xf32>
    %slice3A_589 = vector.extract_strided_slice %select_n3A_463 {offsets = [1240, 0], sizes = [40, 40], strides = [1, 1]} : vector<2560x40xf32> to vector<40x40xf32>
    %slice3A_590 = vector.extract_strided_slice %concatenate3A_464 {offsets = [1240, 0], sizes = [40, 65], strides = [1, 1]} : vector<2560x65xf32> to vector<40x65xf32>
    %dot_general3A_591 = arith.constant dense<0.000000e+00> : vector<40x65xf32>
    %dot_general3A_592 = tpu.matmul %slice3A_589, %slice3A_590, %dot_general3A_591 {dimension_numbers = #tpu.dot_dimension_numbers<[1], [0], [0], [1], [0, 0, 1, 1], [], []>, transpose_lhs_hint = false} : vector<40x40xf32>, vector<40x65xf32>, vector<40x65xf32> -> vector<40x65xf32>
    %slice3A_593 = vector.extract_strided_slice %select_n3A_463 {offsets = [1280, 0], sizes = [40, 40], strides = [1, 1]} : vector<2560x40xf32> to vector<40x40xf32>
    %slice3A_594 = vector.extract_strided_slice %concatenate3A_464 {offsets = [1280, 0], sizes = [40, 65], strides = [1, 1]} : vector<2560x65xf32> to vector<40x65xf32>
    %dot_general3A_595 = arith.constant dense<0.000000e+00> : vector<40x65xf32>
    %dot_general3A_596 = tpu.matmul %slice3A_593, %slice3A_594, %dot_general3A_595 {dimension_numbers = #tpu.dot_dimension_numbers<[1], [0], [0], [1], [0, 0, 1, 1], [], []>, transpose_lhs_hint = false} : vector<40x40xf32>, vector<40x65xf32>, vector<40x65xf32> -> vector<40x65xf32>
    %slice3A_597 = vector.extract_strided_slice %select_n3A_463 {offsets = [1320, 0], sizes = [40, 40], strides = [1, 1]} : vector<2560x40xf32> to vector<40x40xf32>
    %slice3A_598 = vector.extract_strided_slice %concatenate3A_464 {offsets = [1320, 0], sizes = [40, 65], strides = [1, 1]} : vector<2560x65xf32> to vector<40x65xf32>
    %dot_general3A_599 = arith.constant dense<0.000000e+00> : vector<40x65xf32>
    %dot_general3A_600 = tpu.matmul %slice3A_597, %slice3A_598, %dot_general3A_599 {dimension_numbers = #tpu.dot_dimension_numbers<[1], [0], [0], [1], [0, 0, 1, 1], [], []>, transpose_lhs_hint = false} : vector<40x40xf32>, vector<40x65xf32>, vector<40x65xf32> -> vector<40x65xf32>
    %slice3A_601 = vector.extract_strided_slice %select_n3A_463 {offsets = [1360, 0], sizes = [40, 40], strides = [1, 1]} : vector<2560x40xf32> to vector<40x40xf32>
    %slice3A_602 = vector.extract_strided_slice %concatenate3A_464 {offsets = [1360, 0], sizes = [40, 65], strides = [1, 1]} : vector<2560x65xf32> to vector<40x65xf32>
    %dot_general3A_603 = arith.constant dense<0.000000e+00> : vector<40x65xf32>
    %dot_general3A_604 = tpu.matmul %slice3A_601, %slice3A_602, %dot_general3A_603 {dimension_numbers = #tpu.dot_dimension_numbers<[1], [0], [0], [1], [0, 0, 1, 1], [], []>, transpose_lhs_hint = false} : vector<40x40xf32>, vector<40x65xf32>, vector<40x65xf32> -> vector<40x65xf32>
    %slice3A_605 = vector.extract_strided_slice %select_n3A_463 {offsets = [1400, 0], sizes = [40, 40], strides = [1, 1]} : vector<2560x40xf32> to vector<40x40xf32>
    %slice3A_606 = vector.extract_strided_slice %concatenate3A_464 {offsets = [1400, 0], sizes = [40, 65], strides = [1, 1]} : vector<2560x65xf32> to vector<40x65xf32>
    %dot_general3A_607 = arith.constant dense<0.000000e+00> : vector<40x65xf32>
    %dot_general3A_608 = tpu.matmul %slice3A_605, %slice3A_606, %dot_general3A_607 {dimension_numbers = #tpu.dot_dimension_numbers<[1], [0], [0], [1], [0, 0, 1, 1], [], []>, transpose_lhs_hint = false} : vector<40x40xf32>, vector<40x65xf32>, vector<40x65xf32> -> vector<40x65xf32>
    %slice3A_609 = vector.extract_strided_slice %select_n3A_463 {offsets = [1440, 0], sizes = [40, 40], strides = [1, 1]} : vector<2560x40xf32> to vector<40x40xf32>
    %slice3A_610 = vector.extract_strided_slice %concatenate3A_464 {offsets = [1440, 0], sizes = [40, 65], strides = [1, 1]} : vector<2560x65xf32> to vector<40x65xf32>
    %dot_general3A_611 = arith.constant dense<0.000000e+00> : vector<40x65xf32>
    %dot_general3A_612 = tpu.matmul %slice3A_609, %slice3A_610, %dot_general3A_611 {dimension_numbers = #tpu.dot_dimension_numbers<[1], [0], [0], [1], [0, 0, 1, 1], [], []>, transpose_lhs_hint = false} : vector<40x40xf32>, vector<40x65xf32>, vector<40x65xf32> -> vector<40x65xf32>
    %slice3A_613 = vector.extract_strided_slice %select_n3A_463 {offsets = [1480, 0], sizes = [40, 40], strides = [1, 1]} : vector<2560x40xf32> to vector<40x40xf32>
    %slice3A_614 = vector.extract_strided_slice %concatenate3A_464 {offsets = [1480, 0], sizes = [40, 65], strides = [1, 1]} : vector<2560x65xf32> to vector<40x65xf32>
    %dot_general3A_615 = arith.constant dense<0.000000e+00> : vector<40x65xf32>
    %dot_general3A_616 = tpu.matmul %slice3A_613, %slice3A_614, %dot_general3A_615 {dimension_numbers = #tpu.dot_dimension_numbers<[1], [0], [0], [1], [0, 0, 1, 1], [], []>, transpose_lhs_hint = false} : vector<40x40xf32>, vector<40x65xf32>, vector<40x65xf32> -> vector<40x65xf32>
    %slice3A_617 = vector.extract_strided_slice %select_n3A_463 {offsets = [1520, 0], sizes = [40, 40], strides = [1, 1]} : vector<2560x40xf32> to vector<40x40xf32>
    %slice3A_618 = vector.extract_strided_slice %concatenate3A_464 {offsets = [1520, 0], sizes = [40, 65], strides = [1, 1]} : vector<2560x65xf32> to vector<40x65xf32>
    %dot_general3A_619 = arith.constant dense<0.000000e+00> : vector<40x65xf32>
    %dot_general3A_620 = tpu.matmul %slice3A_617, %slice3A_618, %dot_general3A_619 {dimension_numbers = #tpu.dot_dimension_numbers<[1], [0], [0], [1], [0, 0, 1, 1], [], []>, transpose_lhs_hint = false} : vector<40x40xf32>, vector<40x65xf32>, vector<40x65xf32> -> vector<40x65xf32>
    %slice3A_621 = vector.extract_strided_slice %select_n3A_463 {offsets = [1560, 0], sizes = [40, 40], strides = [1, 1]} : vector<2560x40xf32> to vector<40x40xf32>
    %slice3A_622 = vector.extract_strided_slice %concatenate3A_464 {offsets = [1560, 0], sizes = [40, 65], strides = [1, 1]} : vector<2560x65xf32> to vector<40x65xf32>
    %dot_general3A_623 = arith.constant dense<0.000000e+00> : vector<40x65xf32>
    %dot_general3A_624 = tpu.matmul %slice3A_621, %slice3A_622, %dot_general3A_623 {dimension_numbers = #tpu.dot_dimension_numbers<[1], [0], [0], [1], [0, 0, 1, 1], [], []>, transpose_lhs_hint = false} : vector<40x40xf32>, vector<40x65xf32>, vector<40x65xf32> -> vector<40x65xf32>
    %slice3A_625 = vector.extract_strided_slice %select_n3A_463 {offsets = [1600, 0], sizes = [40, 40], strides = [1, 1]} : vector<2560x40xf32> to vector<40x40xf32>
    %slice3A_626 = vector.extract_strided_slice %concatenate3A_464 {offsets = [1600, 0], sizes = [40, 65], strides = [1, 1]} : vector<2560x65xf32> to vector<40x65xf32>
    %dot_general3A_627 = arith.constant dense<0.000000e+00> : vector<40x65xf32>
    %dot_general3A_628 = tpu.matmul %slice3A_625, %slice3A_626, %dot_general3A_627 {dimension_numbers = #tpu.dot_dimension_numbers<[1], [0], [0], [1], [0, 0, 1, 1], [], []>, transpose_lhs_hint = false} : vector<40x40xf32>, vector<40x65xf32>, vector<40x65xf32> -> vector<40x65xf32>
    %slice3A_629 = vector.extract_strided_slice %select_n3A_463 {offsets = [1640, 0], sizes = [40, 40], strides = [1, 1]} : vector<2560x40xf32> to vector<40x40xf32>
    %slice3A_630 = vector.extract_strided_slice %concatenate3A_464 {offsets = [1640, 0], sizes = [40, 65], strides = [1, 1]} : vector<2560x65xf32> to vector<40x65xf32>
    %dot_general3A_631 = arith.constant dense<0.000000e+00> : vector<40x65xf32>
    %dot_general3A_632 = tpu.matmul %slice3A_629, %slice3A_630, %dot_general3A_631 {dimension_numbers = #tpu.dot_dimension_numbers<[1], [0], [0], [1], [0, 0, 1, 1], [], []>, transpose_lhs_hint = false} : vector<40x40xf32>, vector<40x65xf32>, vector<40x65xf32> -> vector<40x65xf32>
    %slice3A_633 = vector.extract_strided_slice %select_n3A_463 {offsets = [1680, 0], sizes = [40, 40], strides = [1, 1]} : vector<2560x40xf32> to vector<40x40xf32>
    %slice3A_634 = vector.extract_strided_slice %concatenate3A_464 {offsets = [1680, 0], sizes = [40, 65], strides = [1, 1]} : vector<2560x65xf32> to vector<40x65xf32>
    %dot_general3A_635 = arith.constant dense<0.000000e+00> : vector<40x65xf32>
    %dot_general3A_636 = tpu.matmul %slice3A_633, %slice3A_634, %dot_general3A_635 {dimension_numbers = #tpu.dot_dimension_numbers<[1], [0], [0], [1], [0, 0, 1, 1], [], []>, transpose_lhs_hint = false} : vector<40x40xf32>, vector<40x65xf32>, vector<40x65xf32> -> vector<40x65xf32>
    %slice3A_637 = vector.extract_strided_slice %select_n3A_463 {offsets = [1720, 0], sizes = [40, 40], strides = [1, 1]} : vector<2560x40xf32> to vector<40x40xf32>
    %slice3A_638 = vector.extract_strided_slice %concatenate3A_464 {offsets = [1720, 0], sizes = [40, 65], strides = [1, 1]} : vector<2560x65xf32> to vector<40x65xf32>
    %dot_general3A_639 = arith.constant dense<0.000000e+00> : vector<40x65xf32>
    %dot_general3A_640 = tpu.matmul %slice3A_637, %slice3A_638, %dot_general3A_639 {dimension_numbers = #tpu.dot_dimension_numbers<[1], [0], [0], [1], [0, 0, 1, 1], [], []>, transpose_lhs_hint = false} : vector<40x40xf32>, vector<40x65xf32>, vector<40x65xf32> -> vector<40x65xf32>
    %slice3A_641 = vector.extract_strided_slice %select_n3A_463 {offsets = [1760, 0], sizes = [40, 40], strides = [1, 1]} : vector<2560x40xf32> to vector<40x40xf32>
    %slice3A_642 = vector.extract_strided_slice %concatenate3A_464 {offsets = [1760, 0], sizes = [40, 65], strides = [1, 1]} : vector<2560x65xf32> to vector<40x65xf32>
    %dot_general3A_643 = arith.constant dense<0.000000e+00> : vector<40x65xf32>
    %dot_general3A_644 = tpu.matmul %slice3A_641, %slice3A_642, %dot_general3A_643 {dimension_numbers = #tpu.dot_dimension_numbers<[1], [0], [0], [1], [0, 0, 1, 1], [], []>, transpose_lhs_hint = false} : vector<40x40xf32>, vector<40x65xf32>, vector<40x65xf32> -> vector<40x65xf32>
    %slice3A_645 = vector.extract_strided_slice %select_n3A_463 {offsets = [1800, 0], sizes = [40, 40], strides = [1, 1]} : vector<2560x40xf32> to vector<40x40xf32>
    %slice3A_646 = vector.extract_strided_slice %concatenate3A_464 {offsets = [1800, 0], sizes = [40, 65], strides = [1, 1]} : vector<2560x65xf32> to vector<40x65xf32>
    %dot_general3A_647 = arith.constant dense<0.000000e+00> : vector<40x65xf32>
    %dot_general3A_648 = tpu.matmul %slice3A_645, %slice3A_646, %dot_general3A_647 {dimension_numbers = #tpu.dot_dimension_numbers<[1], [0], [0], [1], [0, 0, 1, 1], [], []>, transpose_lhs_hint = false} : vector<40x40xf32>, vector<40x65xf32>, vector<40x65xf32> -> vector<40x65xf32>
    %slice3A_649 = vector.extract_strided_slice %select_n3A_463 {offsets = [1840, 0], sizes = [40, 40], strides = [1, 1]} : vector<2560x40xf32> to vector<40x40xf32>
    %slice3A_650 = vector.extract_strided_slice %concatenate3A_464 {offsets = [1840, 0], sizes = [40, 65], strides = [1, 1]} : vector<2560x65xf32> to vector<40x65xf32>
    %dot_general3A_651 = arith.constant dense<0.000000e+00> : vector<40x65xf32>
    %dot_general3A_652 = tpu.matmul %slice3A_649, %slice3A_650, %dot_general3A_651 {dimension_numbers = #tpu.dot_dimension_numbers<[1], [0], [0], [1], [0, 0, 1, 1], [], []>, transpose_lhs_hint = false} : vector<40x40xf32>, vector<40x65xf32>, vector<40x65xf32> -> vector<40x65xf32>
    %slice3A_653 = vector.extract_strided_slice %select_n3A_463 {offsets = [1880, 0], sizes = [40, 40], strides = [1, 1]} : vector<2560x40xf32> to vector<40x40xf32>
    %slice3A_654 = vector.extract_strided_slice %concatenate3A_464 {offsets = [1880, 0], sizes = [40, 65], strides = [1, 1]} : vector<2560x65xf32> to vector<40x65xf32>
    %dot_general3A_655 = arith.constant dense<0.000000e+00> : vector<40x65xf32>
    %dot_general3A_656 = tpu.matmul %slice3A_653, %slice3A_654, %dot_general3A_655 {dimension_numbers = #tpu.dot_dimension_numbers<[1], [0], [0], [1], [0, 0, 1, 1], [], []>, transpose_lhs_hint = false} : vector<40x40xf32>, vector<40x65xf32>, vector<40x65xf32> -> vector<40x65xf32>
    %slice3A_657 = vector.extract_strided_slice %select_n3A_463 {offsets = [1920, 0], sizes = [40, 40], strides = [1, 1]} : vector<2560x40xf32> to vector<40x40xf32>
    %slice3A_658 = vector.extract_strided_slice %concatenate3A_464 {offsets = [1920, 0], sizes = [40, 65], strides = [1, 1]} : vector<2560x65xf32> to vector<40x65xf32>
    %dot_general3A_659 = arith.constant dense<0.000000e+00> : vector<40x65xf32>
    %dot_general3A_660 = tpu.matmul %slice3A_657, %slice3A_658, %dot_general3A_659 {dimension_numbers = #tpu.dot_dimension_numbers<[1], [0], [0], [1], [0, 0, 1, 1], [], []>, transpose_lhs_hint = false} : vector<40x40xf32>, vector<40x65xf32>, vector<40x65xf32> -> vector<40x65xf32>
    %slice3A_661 = vector.extract_strided_slice %select_n3A_463 {offsets = [1960, 0], sizes = [40, 40], strides = [1, 1]} : vector<2560x40xf32> to vector<40x40xf32>
    %slice3A_662 = vector.extract_strided_slice %concatenate3A_464 {offsets = [1960, 0], sizes = [40, 65], strides = [1, 1]} : vector<2560x65xf32> to vector<40x65xf32>
    %dot_general3A_663 = arith.constant dense<0.000000e+00> : vector<40x65xf32>
    %dot_general3A_664 = tpu.matmul %slice3A_661, %slice3A_662, %dot_general3A_663 {dimension_numbers = #tpu.dot_dimension_numbers<[1], [0], [0], [1], [0, 0, 1, 1], [], []>, transpose_lhs_hint = false} : vector<40x40xf32>, vector<40x65xf32>, vector<40x65xf32> -> vector<40x65xf32>
    %slice3A_665 = vector.extract_strided_slice %select_n3A_463 {offsets = [2000, 0], sizes = [40, 40], strides = [1, 1]} : vector<2560x40xf32> to vector<40x40xf32>
    %slice3A_666 = vector.extract_strided_slice %concatenate3A_464 {offsets = [2000, 0], sizes = [40, 65], strides = [1, 1]} : vector<2560x65xf32> to vector<40x65xf32>
    %dot_general3A_667 = arith.constant dense<0.000000e+00> : vector<40x65xf32>
    %dot_general3A_668 = tpu.matmul %slice3A_665, %slice3A_666, %dot_general3A_667 {dimension_numbers = #tpu.dot_dimension_numbers<[1], [0], [0], [1], [0, 0, 1, 1], [], []>, transpose_lhs_hint = false} : vector<40x40xf32>, vector<40x65xf32>, vector<40x65xf32> -> vector<40x65xf32>
    %slice3A_669 = vector.extract_strided_slice %select_n3A_463 {offsets = [2040, 0], sizes = [40, 40], strides = [1, 1]} : vector<2560x40xf32> to vector<40x40xf32>
    %slice3A_670 = vector.extract_strided_slice %concatenate3A_464 {offsets = [2040, 0], sizes = [40, 65], strides = [1, 1]} : vector<2560x65xf32> to vector<40x65xf32>
    %dot_general3A_671 = arith.constant dense<0.000000e+00> : vector<40x65xf32>
    %dot_general3A_672 = tpu.matmul %slice3A_669, %slice3A_670, %dot_general3A_671 {dimension_numbers = #tpu.dot_dimension_numbers<[1], [0], [0], [1], [0, 0, 1, 1], [], []>, transpose_lhs_hint = false} : vector<40x40xf32>, vector<40x65xf32>, vector<40x65xf32> -> vector<40x65xf32>
    %slice3A_673 = vector.extract_strided_slice %select_n3A_463 {offsets = [2080, 0], sizes = [40, 40], strides = [1, 1]} : vector<2560x40xf32> to vector<40x40xf32>
    %slice3A_674 = vector.extract_strided_slice %concatenate3A_464 {offsets = [2080, 0], sizes = [40, 65], strides = [1, 1]} : vector<2560x65xf32> to vector<40x65xf32>
    %dot_general3A_675 = arith.constant dense<0.000000e+00> : vector<40x65xf32>
    %dot_general3A_676 = tpu.matmul %slice3A_673, %slice3A_674, %dot_general3A_675 {dimension_numbers = #tpu.dot_dimension_numbers<[1], [0], [0], [1], [0, 0, 1, 1], [], []>, transpose_lhs_hint = false} : vector<40x40xf32>, vector<40x65xf32>, vector<40x65xf32> -> vector<40x65xf32>
    %slice3A_677 = vector.extract_strided_slice %select_n3A_463 {offsets = [2120, 0], sizes = [40, 40], strides = [1, 1]} : vector<2560x40xf32> to vector<40x40xf32>
    %slice3A_678 = vector.extract_strided_slice %concatenate3A_464 {offsets = [2120, 0], sizes = [40, 65], strides = [1, 1]} : vector<2560x65xf32> to vector<40x65xf32>
    %dot_general3A_679 = arith.constant dense<0.000000e+00> : vector<40x65xf32>
    %dot_general3A_680 = tpu.matmul %slice3A_677, %slice3A_678, %dot_general3A_679 {dimension_numbers = #tpu.dot_dimension_numbers<[1], [0], [0], [1], [0, 0, 1, 1], [], []>, transpose_lhs_hint = false} : vector<40x40xf32>, vector<40x65xf32>, vector<40x65xf32> -> vector<40x65xf32>
    %slice3A_681 = vector.extract_strided_slice %select_n3A_463 {offsets = [2160, 0], sizes = [40, 40], strides = [1, 1]} : vector<2560x40xf32> to vector<40x40xf32>
    %slice3A_682 = vector.extract_strided_slice %concatenate3A_464 {offsets = [2160, 0], sizes = [40, 65], strides = [1, 1]} : vector<2560x65xf32> to vector<40x65xf32>
    %dot_general3A_683 = arith.constant dense<0.000000e+00> : vector<40x65xf32>
    %dot_general3A_684 = tpu.matmul %slice3A_681, %slice3A_682, %dot_general3A_683 {dimension_numbers = #tpu.dot_dimension_numbers<[1], [0], [0], [1], [0, 0, 1, 1], [], []>, transpose_lhs_hint = false} : vector<40x40xf32>, vector<40x65xf32>, vector<40x65xf32> -> vector<40x65xf32>
    %slice3A_685 = vector.extract_strided_slice %select_n3A_463 {offsets = [2200, 0], sizes = [40, 40], strides = [1, 1]} : vector<2560x40xf32> to vector<40x40xf32>
    %slice3A_686 = vector.extract_strided_slice %concatenate3A_464 {offsets = [2200, 0], sizes = [40, 65], strides = [1, 1]} : vector<2560x65xf32> to vector<40x65xf32>
    %dot_general3A_687 = arith.constant dense<0.000000e+00> : vector<40x65xf32>
    %dot_general3A_688 = tpu.matmul %slice3A_685, %slice3A_686, %dot_general3A_687 {dimension_numbers = #tpu.dot_dimension_numbers<[1], [0], [0], [1], [0, 0, 1, 1], [], []>, transpose_lhs_hint = false} : vector<40x40xf32>, vector<40x65xf32>, vector<40x65xf32> -> vector<40x65xf32>
    %slice3A_689 = vector.extract_strided_slice %select_n3A_463 {offsets = [2240, 0], sizes = [40, 40], strides = [1, 1]} : vector<2560x40xf32> to vector<40x40xf32>
    %slice3A_690 = vector.extract_strided_slice %concatenate3A_464 {offsets = [2240, 0], sizes = [40, 65], strides = [1, 1]} : vector<2560x65xf32> to vector<40x65xf32>
    %dot_general3A_691 = arith.constant dense<0.000000e+00> : vector<40x65xf32>
    %dot_general3A_692 = tpu.matmul %slice3A_689, %slice3A_690, %dot_general3A_691 {dimension_numbers = #tpu.dot_dimension_numbers<[1], [0], [0], [1], [0, 0, 1, 1], [], []>, transpose_lhs_hint = false} : vector<40x40xf32>, vector<40x65xf32>, vector<40x65xf32> -> vector<40x65xf32>
    %slice3A_693 = vector.extract_strided_slice %select_n3A_463 {offsets = [2280, 0], sizes = [40, 40], strides = [1, 1]} : vector<2560x40xf32> to vector<40x40xf32>
    %slice3A_694 = vector.extract_strided_slice %concatenate3A_464 {offsets = [2280, 0], sizes = [40, 65], strides = [1, 1]} : vector<2560x65xf32> to vector<40x65xf32>
    %dot_general3A_695 = arith.constant dense<0.000000e+00> : vector<40x65xf32>
    %dot_general3A_696 = tpu.matmul %slice3A_693, %slice3A_694, %dot_general3A_695 {dimension_numbers = #tpu.dot_dimension_numbers<[1], [0], [0], [1], [0, 0, 1, 1], [], []>, transpose_lhs_hint = false} : vector<40x40xf32>, vector<40x65xf32>, vector<40x65xf32> -> vector<40x65xf32>
    %slice3A_697 = vector.extract_strided_slice %select_n3A_463 {offsets = [2320, 0], sizes = [40, 40], strides = [1, 1]} : vector<2560x40xf32> to vector<40x40xf32>
    %slice3A_698 = vector.extract_strided_slice %concatenate3A_464 {offsets = [2320, 0], sizes = [40, 65], strides = [1, 1]} : vector<2560x65xf32> to vector<40x65xf32>
    %dot_general3A_699 = arith.constant dense<0.000000e+00> : vector<40x65xf32>
    %dot_general3A_700 = tpu.matmul %slice3A_697, %slice3A_698, %dot_general3A_699 {dimension_numbers = #tpu.dot_dimension_numbers<[1], [0], [0], [1], [0, 0, 1, 1], [], []>, transpose_lhs_hint = false} : vector<40x40xf32>, vector<40x65xf32>, vector<40x65xf32> -> vector<40x65xf32>
    %slice3A_701 = vector.extract_strided_slice %select_n3A_463 {offsets = [2360, 0], sizes = [40, 40], strides = [1, 1]} : vector<2560x40xf32> to vector<40x40xf32>
    %slice3A_702 = vector.extract_strided_slice %concatenate3A_464 {offsets = [2360, 0], sizes = [40, 65], strides = [1, 1]} : vector<2560x65xf32> to vector<40x65xf32>
    %dot_general3A_703 = arith.constant dense<0.000000e+00> : vector<40x65xf32>
    %dot_general3A_704 = tpu.matmul %slice3A_701, %slice3A_702, %dot_general3A_703 {dimension_numbers = #tpu.dot_dimension_numbers<[1], [0], [0], [1], [0, 0, 1, 1], [], []>, transpose_lhs_hint = false} : vector<40x40xf32>, vector<40x65xf32>, vector<40x65xf32> -> vector<40x65xf32>
    %slice3A_705 = vector.extract_strided_slice %select_n3A_463 {offsets = [2400, 0], sizes = [40, 40], strides = [1, 1]} : vector<2560x40xf32> to vector<40x40xf32>
    %slice3A_706 = vector.extract_strided_slice %concatenate3A_464 {offsets = [2400, 0], sizes = [40, 65], strides = [1, 1]} : vector<2560x65xf32> to vector<40x65xf32>
    %dot_general3A_707 = arith.constant dense<0.000000e+00> : vector<40x65xf32>
    %dot_general3A_708 = tpu.matmul %slice3A_705, %slice3A_706, %dot_general3A_707 {dimension_numbers = #tpu.dot_dimension_numbers<[1], [0], [0], [1], [0, 0, 1, 1], [], []>, transpose_lhs_hint = false} : vector<40x40xf32>, vector<40x65xf32>, vector<40x65xf32> -> vector<40x65xf32>
    %slice3A_709 = vector.extract_strided_slice %select_n3A_463 {offsets = [2440, 0], sizes = [40, 40], strides = [1, 1]} : vector<2560x40xf32> to vector<40x40xf32>
    %slice3A_710 = vector.extract_strided_slice %concatenate3A_464 {offsets = [2440, 0], sizes = [40, 65], strides = [1, 1]} : vector<2560x65xf32> to vector<40x65xf32>
    %dot_general3A_711 = arith.constant dense<0.000000e+00> : vector<40x65xf32>
    %dot_general3A_712 = tpu.matmul %slice3A_709, %slice3A_710, %dot_general3A_711 {dimension_numbers = #tpu.dot_dimension_numbers<[1], [0], [0], [1], [0, 0, 1, 1], [], []>, transpose_lhs_hint = false} : vector<40x40xf32>, vector<40x65xf32>, vector<40x65xf32> -> vector<40x65xf32>
    %slice3A_713 = vector.extract_strided_slice %select_n3A_463 {offsets = [2480, 0], sizes = [40, 40], strides = [1, 1]} : vector<2560x40xf32> to vector<40x40xf32>
    %slice3A_714 = vector.extract_strided_slice %concatenate3A_464 {offsets = [2480, 0], sizes = [40, 65], strides = [1, 1]} : vector<2560x65xf32> to vector<40x65xf32>
    %dot_general3A_715 = arith.constant dense<0.000000e+00> : vector<40x65xf32>
    %dot_general3A_716 = tpu.matmul %slice3A_713, %slice3A_714, %dot_general3A_715 {dimension_numbers = #tpu.dot_dimension_numbers<[1], [0], [0], [1], [0, 0, 1, 1], [], []>, transpose_lhs_hint = false} : vector<40x40xf32>, vector<40x65xf32>, vector<40x65xf32> -> vector<40x65xf32>
    %slice3A_717 = vector.extract_strided_slice %select_n3A_463 {offsets = [2520, 0], sizes = [40, 40], strides = [1, 1]} : vector<2560x40xf32> to vector<40x40xf32>
    %slice3A_718 = vector.extract_strided_slice %concatenate3A_464 {offsets = [2520, 0], sizes = [40, 65], strides = [1, 1]} : vector<2560x65xf32> to vector<40x65xf32>
    %dot_general3A_719 = arith.constant dense<0.000000e+00> : vector<40x65xf32>
    %dot_general3A_720 = tpu.matmul %slice3A_717, %slice3A_718, %dot_general3A_719 {dimension_numbers = #tpu.dot_dimension_numbers<[1], [0], [0], [1], [0, 0, 1, 1], [], []>, transpose_lhs_hint = false} : vector<40x40xf32>, vector<40x65xf32>, vector<40x65xf32> -> vector<40x65xf32>
    %concatenate3A_721 = tpu.concatenate %dot_general3A_468, %dot_general3A_472, %dot_general3A_476, %dot_general3A_480, %dot_general3A_484, %dot_general3A_488, %dot_general3A_492, %dot_general3A_496, %dot_general3A_500, %dot_general3A_504, %dot_general3A_508, %dot_general3A_512, %dot_general3A_516, %dot_general3A_520, %dot_general3A_524, %dot_general3A_528, %dot_general3A_532, %dot_general3A_536, %dot_general3A_540, %dot_general3A_544, %dot_general3A_548, %dot_general3A_552, %dot_general3A_556, %dot_general3A_560, %dot_general3A_564, %dot_general3A_568, %dot_general3A_572, %dot_general3A_576, %dot_general3A_580, %dot_general3A_584, %dot_general3A_588, %dot_general3A_592, %dot_general3A_596, %dot_general3A_600, %dot_general3A_604, %dot_general3A_608, %dot_general3A_612, %dot_general3A_616, %dot_general3A_620, %dot_general3A_624, %dot_general3A_628, %dot_general3A_632, %dot_general3A_636, %dot_general3A_640, %dot_general3A_644, %dot_general3A_648, %dot_general3A_652, %dot_general3A_656, %dot_general3A_660, %dot_general3A_664, %dot_general3A_668, %dot_general3A_672, %dot_general3A_676, %dot_general3A_680, %dot_general3A_684, %dot_general3A_688, %dot_general3A_692, %dot_general3A_696, %dot_general3A_700, %dot_general3A_704, %dot_general3A_708, %dot_general3A_712, %dot_general3A_716, %dot_general3A_720 in 0 : vector<40x65xf32>, vector<40x65xf32>, vector<40x65xf32>, vector<40x65xf32>, vector<40x65xf32>, vector<40x65xf32>, vector<40x65xf32>, vector<40x65xf32>, vector<40x65xf32>, vector<40x65xf32>, vector<40x65xf32>, vector<40x65xf32>, vector<40x65xf32>, vector<40x65xf32>, vector<40x65xf32>, vector<40x65xf32>, vector<40x65xf32>, vector<40x65xf32>, vector<40x65xf32>, vector<40x65xf32>, vector<40x65xf32>, vector<40x65xf32>, vector<40x65xf32>, vector<40x65xf32>, vector<40x65xf32>, vector<40x65xf32>, vector<40x65xf32>, vector<40x65xf32>, vector<40x65xf32>, vector<40x65xf32>, vector<40x65xf32>, vector<40x65xf32>, vector<40x65xf32>, vector<40x65xf32>, vector<40x65xf32>, vector<40x65xf32>, vector<40x65xf32>, vector<40x65xf32>, vector<40x65xf32>, vector<40x65xf32>, vector<40x65xf32>, vector<40x65xf32>, vector<40x65xf32>, vector<40x65xf32>, vector<40x65xf32>, vector<40x65xf32>, vector<40x65xf32>, vector<40x65xf32>, vector<40x65xf32>, vector<40x65xf32>, vector<40x65xf32>, vector<40x65xf32>, vector<40x65xf32>, vector<40x65xf32>, vector<40x65xf32>, vector<40x65xf32>, vector<40x65xf32>, vector<40x65xf32>, vector<40x65xf32>, vector<40x65xf32>, vector<40x65xf32>, vector<40x65xf32>, vector<40x65xf32>, vector<40x65xf32> -> vector<2560x65xf32>
    %slice3A_722 = vector.extract_strided_slice %concatenate3A_721 {offsets = [0, 0], sizes = [2560, 64], strides = [1, 1]} : vector<2560x65xf32> to vector<2560x64xf32>
    %slice3A_723 = vector.extract_strided_slice %concatenate3A_721 {offsets = [0, 64], sizes = [2560, 1], strides = [1, 1]} : vector<2560x65xf32> to vector<2560x1xf32>
    %add3A_724 = arith.constant 1.000000e-16 : f32
    %add3A_725 = vector.broadcast %add3A_724 : f32 to vector<2560x1xf32>
    %add3A_726 = arith.addf %slice3A_723, %add3A_725 : vector<2560x1xf32>
    %div3A_727 = arith.constant 1.000000e+00 : f32
    %div3A_728 = vector.broadcast %div3A_727 : f32 to vector<2560x1xf32>
    %div3A_729 = arith.divf %div3A_728, %add3A_726 : vector<2560x1xf32>
    %mul3A_730 = vector.broadcast %div3A_729 : vector<2560x1xf32> to vector<2560x64xf32>
    %mul3A_731 = arith.mulf %slice3A_722, %mul3A_730 : vector<2560x64xf32>
    %get3A_732 = arith.constant 0 : index
    %get3A_733 = arith.constant 0 : index
    %get3A_734 = vector.load %arg6[%get3A_732, %get3A_733] : memref<1x64xf32, #tpu.memory_space<vmem>>, vector<1x64xf32>
    %add3A_735 = vector.broadcast %get3A_734 : vector<1x64xf32> to vector<2560x64xf32>
    %add3A_736 = arith.addf %mul3A_731, %add3A_735 : vector<2560x64xf32>
    %max3A_737 = arith.constant 0.000000e+00 : f32
    %max3A_738 = vector.broadcast %max3A_737 : f32 to vector<2560x64xf32>
    %max3A_739 = arith.maximumf %add3A_736, %max3A_738 : vector<2560x64xf32>
    %swap3A_740 = arith.constant 0 : index
    %swap3A_741 = arith.constant 0 : index
    %swap3A_742 = vector.load %arg12[%swap3A_740, %swap3A_741] : memref<2560x64xf32, #tpu.memory_space<vmem>>, vector<2560x64xf32>
    tpu.vector_store %arg12[%swap3A_740, %swap3A_741], %max3A_739 {strides = array<i32>} : memref<2560x64xf32, #tpu.memory_space<vmem>>, vector<2560x64xf32>,
    %jit3A_743 = arith.constant -3.000000e+38 : f32
    %broadcast_in_dim3A_744 = vector.shape_cast %lt3A_16 : vector<2560x1xi1> to vector<2560x1xi1>
    %broadcast_in_dim3A_745 = vector.broadcast %broadcast_in_dim3A_744 : vector<2560x1xi1> to vector<2560x64xi1>
    %broadcast_in_dim3A_746 = vector.broadcast %jit3A_743 : f32 to vector<2560x64xf32>
    %select_n3A_747 = arith.select %broadcast_in_dim3A_745, %max3A_739, %broadcast_in_dim3A_746 : vector<2560x64xi1>, vector<2560x64xf32>
    %reshape3A_748 = vector.shape_cast %select_n3A_747 : vector<2560x64xf32> to vector<64x40x64xf32>
    %reduce_max3A_749 = arith.constant dense<0xFF800000> : vector<64x64xf32>
    %reduce_max3A_750 = vector.multi_reduction <maximumf>, %reshape3A_748, %reduce_max3A_749 [1] : vector<64x40x64xf32> to vector<64x64xf32>
    %get3A_751 = arith.constant 0 : index
    %get3A_752 = arith.constant 0 : index
    %get3A_753 = vector.load %arg7[%get3A_751, %get3A_752] : memref<64x34xf32, #tpu.memory_space<vmem>>, vector<64x34xf32>
    %dot_general3A_754 = arith.constant dense<0.000000e+00> : vector<2560x34xf32>
    %dot_general3A_755 = tpu.matmul %max3A_739, %get3A_753, %dot_general3A_754 {dimension_numbers = #tpu.dot_dimension_numbers<[1], [0], [0], [1], [0, 0, 1, 1], [], []>, transpose_lhs_hint = false} : vector<2560x64xf32>, vector<64x34xf32>, vector<2560x34xf32> -> vector<2560x34xf32>
    %slice3A_756 = vector.extract_strided_slice %dot_general3A_755 {offsets = [0, 0], sizes = [2560, 32], strides = [1, 1]} : vector<2560x34xf32> to vector<2560x32xf32>
    %slice3A_757 = vector.extract_strided_slice %dot_general3A_755 {offsets = [0, 32], sizes = [2560, 1], strides = [1, 1]} : vector<2560x34xf32> to vector<2560x1xf32>
    %slice3A_758 = vector.extract_strided_slice %dot_general3A_755 {offsets = [0, 33], sizes = [2560, 1], strides = [1, 1]} : vector<2560x34xf32> to vector<2560x1xf32>
    %mul3A_759 = vector.broadcast %slice3A_757 : vector<2560x1xf32> to vector<2560x40xf32>
    %mul3A_760 = arith.mulf %mul3A_759, %convert_element_type3A_20 : vector<2560x40xf32>
    %dot_general3A_761 = arith.constant dense<0.000000e+00> : vector<64x40xf32>
    %dot_general3A_762 = tpu.matmul %convert_element_type3A_66, %mul3A_760, %dot_general3A_761 {dimension_numbers = #tpu.dot_dimension_numbers<[1], [0], [0], [1], [0, 0, 1, 1], [], []>, transpose_lhs_hint = false} : vector<64x2560xf32>, vector<2560x40xf32>, vector<64x40xf32> -> vector<64x40xf32>
    %dot_general3A_763 = arith.constant dense<0.000000e+00> : vector<2560x40xf32>
    %dot_general3A_764 = tpu.matmul %convert_element_type3A_102, %dot_general3A_762, %dot_general3A_763 {dimension_numbers = #tpu.dot_dimension_numbers<[1], [0], [0], [1], [0, 0, 1, 1], [], []>, transpose_lhs_hint = false} : vector<2560x64xf32>, vector<64x40xf32>, vector<2560x40xf32> -> vector<2560x40xf32>
    %add3A_765 = vector.broadcast %slice3A_758 : vector<2560x1xf32> to vector<2560x40xf32>
    %add3A_766 = arith.addf %dot_general3A_764, %add3A_765 : vector<2560x40xf32>
    %ge3A_767 = arith.constant 0.000000e+00 : f32
    %ge3A_768 = vector.broadcast %ge3A_767 : f32 to vector<2560x40xf32>
    %ge3A_769 = arith.cmpf oge, %add3A_766, %ge3A_768 : vector<2560x40xf32>
    %mul3A_770 = arith.constant 2.000000e-01 : f32
    %mul3A_771 = vector.broadcast %mul3A_770 : f32 to vector<2560x40xf32>
    %mul3A_772 = arith.mulf %mul3A_771, %add3A_766 : vector<2560x40xf32>
    %select_n3A_773 = arith.select %ge3A_769, %add3A_766, %mul3A_772 : vector<2560x40xi1>, vector<2560x40xf32>
    %reduce_max3A_774 = arith.constant dense<0xFF800000> : vector<2560xf32>
    %reduce_max3A_775 = vector.multi_reduction <maximumf>, %select_n3A_773, %reduce_max3A_774 [1] : vector<2560x40xf32> to vector<2560xf32>
    %broadcast_in_dim3A_776 = vector.shape_cast %reduce_max3A_775 : vector<2560xf32> to vector<2560x1xf32>
    %max3A_777 = arith.constant 0.000000e+00 : f32
    %max3A_778 = vector.broadcast %max3A_777 : f32 to vector<2560x1xf32>
    %max3A_779 = arith.maximumf %broadcast_in_dim3A_776, %max3A_778 : vector<2560x1xf32>
    %sub3A_780 = vector.broadcast %max3A_779 : vector<2560x1xf32> to vector<2560x40xf32>
    %sub3A_781 = arith.subf %select_n3A_773, %sub3A_780 : vector<2560x40xf32>
    %exp3A_782 = math.exp %sub3A_781 : vector<2560x40xf32>
    %mul3A_783 = arith.mulf %add3A_31, %exp3A_782 : vector<2560x40xf32>
    %jit3A_784 = arith.constant 0.000000e+00 : f32
    %broadcast_in_dim3A_785 = vector.broadcast %jit3A_784 : f32 to vector<2560x40xf32>
    %select_n3A_786 = arith.select %gt3A_33, %mul3A_783, %broadcast_in_dim3A_785 : vector<2560x40xi1>, vector<2560x40xf32>
    %concatenate3A_787 = tpu.concatenate %slice3A_756, %broadcast_in_dim3A_104 in 1 : vector<2560x32xf32>, vector<2560x1xf32> -> vector<2560x33xf32>
    %slice3A_788 = vector.extract_strided_slice %select_n3A_786 {offsets = [0, 0], sizes = [40, 40], strides = [1, 1]} : vector<2560x40xf32> to vector<40x40xf32>
    %slice3A_789 = vector.extract_strided_slice %concatenate3A_787 {offsets = [0, 0], sizes = [40, 33], strides = [1, 1]} : vector<2560x33xf32> to vector<40x33xf32>
    %dot_general3A_790 = arith.constant dense<0.000000e+00> : vector<40x33xf32>
    %dot_general3A_791 = tpu.matmul %slice3A_788, %slice3A_789, %dot_general3A_790 {dimension_numbers = #tpu.dot_dimension_numbers<[1], [0], [0], [1], [0, 0, 1, 1], [], []>, transpose_lhs_hint = false} : vector<40x40xf32>, vector<40x33xf32>, vector<40x33xf32> -> vector<40x33xf32>
    %slice3A_792 = vector.extract_strided_slice %select_n3A_786 {offsets = [40, 0], sizes = [40, 40], strides = [1, 1]} : vector<2560x40xf32> to vector<40x40xf32>
    %slice3A_793 = vector.extract_strided_slice %concatenate3A_787 {offsets = [40, 0], sizes = [40, 33], strides = [1, 1]} : vector<2560x33xf32> to vector<40x33xf32>
    %dot_general3A_794 = arith.constant dense<0.000000e+00> : vector<40x33xf32>
    %dot_general3A_795 = tpu.matmul %slice3A_792, %slice3A_793, %dot_general3A_794 {dimension_numbers = #tpu.dot_dimension_numbers<[1], [0], [0], [1], [0, 0, 1, 1], [], []>, transpose_lhs_hint = false} : vector<40x40xf32>, vector<40x33xf32>, vector<40x33xf32> -> vector<40x33xf32>
    %slice3A_796 = vector.extract_strided_slice %select_n3A_786 {offsets = [80, 0], sizes = [40, 40], strides = [1, 1]} : vector<2560x40xf32> to vector<40x40xf32>
    %slice3A_797 = vector.extract_strided_slice %concatenate3A_787 {offsets = [80, 0], sizes = [40, 33], strides = [1, 1]} : vector<2560x33xf32> to vector<40x33xf32>
    %dot_general3A_798 = arith.constant dense<0.000000e+00> : vector<40x33xf32>
    %dot_general3A_799 = tpu.matmul %slice3A_796, %slice3A_797, %dot_general3A_798 {dimension_numbers = #tpu.dot_dimension_numbers<[1], [0], [0], [1], [0, 0, 1, 1], [], []>, transpose_lhs_hint = false} : vector<40x40xf32>, vector<40x33xf32>, vector<40x33xf32> -> vector<40x33xf32>
    %slice3A_800 = vector.extract_strided_slice %select_n3A_786 {offsets = [120, 0], sizes = [40, 40], strides = [1, 1]} : vector<2560x40xf32> to vector<40x40xf32>
    %slice3A_801 = vector.extract_strided_slice %concatenate3A_787 {offsets = [120, 0], sizes = [40, 33], strides = [1, 1]} : vector<2560x33xf32> to vector<40x33xf32>
    %dot_general3A_802 = arith.constant dense<0.000000e+00> : vector<40x33xf32>
    %dot_general3A_803 = tpu.matmul %slice3A_800, %slice3A_801, %dot_general3A_802 {dimension_numbers = #tpu.dot_dimension_numbers<[1], [0], [0], [1], [0, 0, 1, 1], [], []>, transpose_lhs_hint = false} : vector<40x40xf32>, vector<40x33xf32>, vector<40x33xf32> -> vector<40x33xf32>
    %slice3A_804 = vector.extract_strided_slice %select_n3A_786 {offsets = [160, 0], sizes = [40, 40], strides = [1, 1]} : vector<2560x40xf32> to vector<40x40xf32>
    %slice3A_805 = vector.extract_strided_slice %concatenate3A_787 {offsets = [160, 0], sizes = [40, 33], strides = [1, 1]} : vector<2560x33xf32> to vector<40x33xf32>
    %dot_general3A_806 = arith.constant dense<0.000000e+00> : vector<40x33xf32>
    %dot_general3A_807 = tpu.matmul %slice3A_804, %slice3A_805, %dot_general3A_806 {dimension_numbers = #tpu.dot_dimension_numbers<[1], [0], [0], [1], [0, 0, 1, 1], [], []>, transpose_lhs_hint = false} : vector<40x40xf32>, vector<40x33xf32>, vector<40x33xf32> -> vector<40x33xf32>
    %slice3A_808 = vector.extract_strided_slice %select_n3A_786 {offsets = [200, 0], sizes = [40, 40], strides = [1, 1]} : vector<2560x40xf32> to vector<40x40xf32>
    %slice3A_809 = vector.extract_strided_slice %concatenate3A_787 {offsets = [200, 0], sizes = [40, 33], strides = [1, 1]} : vector<2560x33xf32> to vector<40x33xf32>
    %dot_general3A_810 = arith.constant dense<0.000000e+00> : vector<40x33xf32>
    %dot_general3A_811 = tpu.matmul %slice3A_808, %slice3A_809, %dot_general3A_810 {dimension_numbers = #tpu.dot_dimension_numbers<[1], [0], [0], [1], [0, 0, 1, 1], [], []>, transpose_lhs_hint = false} : vector<40x40xf32>, vector<40x33xf32>, vector<40x33xf32> -> vector<40x33xf32>
    %slice3A_812 = vector.extract_strided_slice %select_n3A_786 {offsets = [240, 0], sizes = [40, 40], strides = [1, 1]} : vector<2560x40xf32> to vector<40x40xf32>
    %slice3A_813 = vector.extract_strided_slice %concatenate3A_787 {offsets = [240, 0], sizes = [40, 33], strides = [1, 1]} : vector<2560x33xf32> to vector<40x33xf32>
    %dot_general3A_814 = arith.constant dense<0.000000e+00> : vector<40x33xf32>
    %dot_general3A_815 = tpu.matmul %slice3A_812, %slice3A_813, %dot_general3A_814 {dimension_numbers = #tpu.dot_dimension_numbers<[1], [0], [0], [1], [0, 0, 1, 1], [], []>, transpose_lhs_hint = false} : vector<40x40xf32>, vector<40x33xf32>, vector<40x33xf32> -> vector<40x33xf32>
    %slice3A_816 = vector.extract_strided_slice %select_n3A_786 {offsets = [280, 0], sizes = [40, 40], strides = [1, 1]} : vector<2560x40xf32> to vector<40x40xf32>
    %slice3A_817 = vector.extract_strided_slice %concatenate3A_787 {offsets = [280, 0], sizes = [40, 33], strides = [1, 1]} : vector<2560x33xf32> to vector<40x33xf32>
    %dot_general3A_818 = arith.constant dense<0.000000e+00> : vector<40x33xf32>
    %dot_general3A_819 = tpu.matmul %slice3A_816, %slice3A_817, %dot_general3A_818 {dimension_numbers = #tpu.dot_dimension_numbers<[1], [0], [0], [1], [0, 0, 1, 1], [], []>, transpose_lhs_hint = false} : vector<40x40xf32>, vector<40x33xf32>, vector<40x33xf32> -> vector<40x33xf32>
    %slice3A_820 = vector.extract_strided_slice %select_n3A_786 {offsets = [320, 0], sizes = [40, 40], strides = [1, 1]} : vector<2560x40xf32> to vector<40x40xf32>
    %slice3A_821 = vector.extract_strided_slice %concatenate3A_787 {offsets = [320, 0], sizes = [40, 33], strides = [1, 1]} : vector<2560x33xf32> to vector<40x33xf32>
    %dot_general3A_822 = arith.constant dense<0.000000e+00> : vector<40x33xf32>
    %dot_general3A_823 = tpu.matmul %slice3A_820, %slice3A_821, %dot_general3A_822 {dimension_numbers = #tpu.dot_dimension_numbers<[1], [0], [0], [1], [0, 0, 1, 1], [], []>, transpose_lhs_hint = false} : vector<40x40xf32>, vector<40x33xf32>, vector<40x33xf32> -> vector<40x33xf32>
    %slice3A_824 = vector.extract_strided_slice %select_n3A_786 {offsets = [360, 0], sizes = [40, 40], strides = [1, 1]} : vector<2560x40xf32> to vector<40x40xf32>
    %slice3A_825 = vector.extract_strided_slice %concatenate3A_787 {offsets = [360, 0], sizes = [40, 33], strides = [1, 1]} : vector<2560x33xf32> to vector<40x33xf32>
    %dot_general3A_826 = arith.constant dense<0.000000e+00> : vector<40x33xf32>
    %dot_general3A_827 = tpu.matmul %slice3A_824, %slice3A_825, %dot_general3A_826 {dimension_numbers = #tpu.dot_dimension_numbers<[1], [0], [0], [1], [0, 0, 1, 1], [], []>, transpose_lhs_hint = false} : vector<40x40xf32>, vector<40x33xf32>, vector<40x33xf32> -> vector<40x33xf32>
    %slice3A_828 = vector.extract_strided_slice %select_n3A_786 {offsets = [400, 0], sizes = [40, 40], strides = [1, 1]} : vector<2560x40xf32> to vector<40x40xf32>
    %slice3A_829 = vector.extract_strided_slice %concatenate3A_787 {offsets = [400, 0], sizes = [40, 33], strides = [1, 1]} : vector<2560x33xf32> to vector<40x33xf32>
    %dot_general3A_830 = arith.constant dense<0.000000e+00> : vector<40x33xf32>
    %dot_general3A_831 = tpu.matmul %slice3A_828, %slice3A_829, %dot_general3A_830 {dimension_numbers = #tpu.dot_dimension_numbers<[1], [0], [0], [1], [0, 0, 1, 1], [], []>, transpose_lhs_hint = false} : vector<40x40xf32>, vector<40x33xf32>, vector<40x33xf32> -> vector<40x33xf32>
    %slice3A_832 = vector.extract_strided_slice %select_n3A_786 {offsets = [440, 0], sizes = [40, 40], strides = [1, 1]} : vector<2560x40xf32> to vector<40x40xf32>
    %slice3A_833 = vector.extract_strided_slice %concatenate3A_787 {offsets = [440, 0], sizes = [40, 33], strides = [1, 1]} : vector<2560x33xf32> to vector<40x33xf32>
    %dot_general3A_834 = arith.constant dense<0.000000e+00> : vector<40x33xf32>
    %dot_general3A_835 = tpu.matmul %slice3A_832, %slice3A_833, %dot_general3A_834 {dimension_numbers = #tpu.dot_dimension_numbers<[1], [0], [0], [1], [0, 0, 1, 1], [], []>, transpose_lhs_hint = false} : vector<40x40xf32>, vector<40x33xf32>, vector<40x33xf32> -> vector<40x33xf32>
    %slice3A_836 = vector.extract_strided_slice %select_n3A_786 {offsets = [480, 0], sizes = [40, 40], strides = [1, 1]} : vector<2560x40xf32> to vector<40x40xf32>
    %slice3A_837 = vector.extract_strided_slice %concatenate3A_787 {offsets = [480, 0], sizes = [40, 33], strides = [1, 1]} : vector<2560x33xf32> to vector<40x33xf32>
    %dot_general3A_838 = arith.constant dense<0.000000e+00> : vector<40x33xf32>
    %dot_general3A_839 = tpu.matmul %slice3A_836, %slice3A_837, %dot_general3A_838 {dimension_numbers = #tpu.dot_dimension_numbers<[1], [0], [0], [1], [0, 0, 1, 1], [], []>, transpose_lhs_hint = false} : vector<40x40xf32>, vector<40x33xf32>, vector<40x33xf32> -> vector<40x33xf32>
    %slice3A_840 = vector.extract_strided_slice %select_n3A_786 {offsets = [520, 0], sizes = [40, 40], strides = [1, 1]} : vector<2560x40xf32> to vector<40x40xf32>
    %slice3A_841 = vector.extract_strided_slice %concatenate3A_787 {offsets = [520, 0], sizes = [40, 33], strides = [1, 1]} : vector<2560x33xf32> to vector<40x33xf32>
    %dot_general3A_842 = arith.constant dense<0.000000e+00> : vector<40x33xf32>
    %dot_general3A_843 = tpu.matmul %slice3A_840, %slice3A_841, %dot_general3A_842 {dimension_numbers = #tpu.dot_dimension_numbers<[1], [0], [0], [1], [0, 0, 1, 1], [], []>, transpose_lhs_hint = false} : vector<40x40xf32>, vector<40x33xf32>, vector<40x33xf32> -> vector<40x33xf32>
    %slice3A_844 = vector.extract_strided_slice %select_n3A_786 {offsets = [560, 0], sizes = [40, 40], strides = [1, 1]} : vector<2560x40xf32> to vector<40x40xf32>
    %slice3A_845 = vector.extract_strided_slice %concatenate3A_787 {offsets = [560, 0], sizes = [40, 33], strides = [1, 1]} : vector<2560x33xf32> to vector<40x33xf32>
    %dot_general3A_846 = arith.constant dense<0.000000e+00> : vector<40x33xf32>
    %dot_general3A_847 = tpu.matmul %slice3A_844, %slice3A_845, %dot_general3A_846 {dimension_numbers = #tpu.dot_dimension_numbers<[1], [0], [0], [1], [0, 0, 1, 1], [], []>, transpose_lhs_hint = false} : vector<40x40xf32>, vector<40x33xf32>, vector<40x33xf32> -> vector<40x33xf32>
    %slice3A_848 = vector.extract_strided_slice %select_n3A_786 {offsets = [600, 0], sizes = [40, 40], strides = [1, 1]} : vector<2560x40xf32> to vector<40x40xf32>
    %slice3A_849 = vector.extract_strided_slice %concatenate3A_787 {offsets = [600, 0], sizes = [40, 33], strides = [1, 1]} : vector<2560x33xf32> to vector<40x33xf32>
    %dot_general3A_850 = arith.constant dense<0.000000e+00> : vector<40x33xf32>
    %dot_general3A_851 = tpu.matmul %slice3A_848, %slice3A_849, %dot_general3A_850 {dimension_numbers = #tpu.dot_dimension_numbers<[1], [0], [0], [1], [0, 0, 1, 1], [], []>, transpose_lhs_hint = false} : vector<40x40xf32>, vector<40x33xf32>, vector<40x33xf32> -> vector<40x33xf32>
    %slice3A_852 = vector.extract_strided_slice %select_n3A_786 {offsets = [640, 0], sizes = [40, 40], strides = [1, 1]} : vector<2560x40xf32> to vector<40x40xf32>
    %slice3A_853 = vector.extract_strided_slice %concatenate3A_787 {offsets = [640, 0], sizes = [40, 33], strides = [1, 1]} : vector<2560x33xf32> to vector<40x33xf32>
    %dot_general3A_854 = arith.constant dense<0.000000e+00> : vector<40x33xf32>
    %dot_general3A_855 = tpu.matmul %slice3A_852, %slice3A_853, %dot_general3A_854 {dimension_numbers = #tpu.dot_dimension_numbers<[1], [0], [0], [1], [0, 0, 1, 1], [], []>, transpose_lhs_hint = false} : vector<40x40xf32>, vector<40x33xf32>, vector<40x33xf32> -> vector<40x33xf32>
    %slice3A_856 = vector.extract_strided_slice %select_n3A_786 {offsets = [680, 0], sizes = [40, 40], strides = [1, 1]} : vector<2560x40xf32> to vector<40x40xf32>
    %slice3A_857 = vector.extract_strided_slice %concatenate3A_787 {offsets = [680, 0], sizes = [40, 33], strides = [1, 1]} : vector<2560x33xf32> to vector<40x33xf32>
    %dot_general3A_858 = arith.constant dense<0.000000e+00> : vector<40x33xf32>
    %dot_general3A_859 = tpu.matmul %slice3A_856, %slice3A_857, %dot_general3A_858 {dimension_numbers = #tpu.dot_dimension_numbers<[1], [0], [0], [1], [0, 0, 1, 1], [], []>, transpose_lhs_hint = false} : vector<40x40xf32>, vector<40x33xf32>, vector<40x33xf32> -> vector<40x33xf32>
    %slice3A_860 = vector.extract_strided_slice %select_n3A_786 {offsets = [720, 0], sizes = [40, 40], strides = [1, 1]} : vector<2560x40xf32> to vector<40x40xf32>
    %slice3A_861 = vector.extract_strided_slice %concatenate3A_787 {offsets = [720, 0], sizes = [40, 33], strides = [1, 1]} : vector<2560x33xf32> to vector<40x33xf32>
    %dot_general3A_862 = arith.constant dense<0.000000e+00> : vector<40x33xf32>
    %dot_general3A_863 = tpu.matmul %slice3A_860, %slice3A_861, %dot_general3A_862 {dimension_numbers = #tpu.dot_dimension_numbers<[1], [0], [0], [1], [0, 0, 1, 1], [], []>, transpose_lhs_hint = false} : vector<40x40xf32>, vector<40x33xf32>, vector<40x33xf32> -> vector<40x33xf32>
    %slice3A_864 = vector.extract_strided_slice %select_n3A_786 {offsets = [760, 0], sizes = [40, 40], strides = [1, 1]} : vector<2560x40xf32> to vector<40x40xf32>
    %slice3A_865 = vector.extract_strided_slice %concatenate3A_787 {offsets = [760, 0], sizes = [40, 33], strides = [1, 1]} : vector<2560x33xf32> to vector<40x33xf32>
    %dot_general3A_866 = arith.constant dense<0.000000e+00> : vector<40x33xf32>
    %dot_general3A_867 = tpu.matmul %slice3A_864, %slice3A_865, %dot_general3A_866 {dimension_numbers = #tpu.dot_dimension_numbers<[1], [0], [0], [1], [0, 0, 1, 1], [], []>, transpose_lhs_hint = false} : vector<40x40xf32>, vector<40x33xf32>, vector<40x33xf32> -> vector<40x33xf32>
    %slice3A_868 = vector.extract_strided_slice %select_n3A_786 {offsets = [800, 0], sizes = [40, 40], strides = [1, 1]} : vector<2560x40xf32> to vector<40x40xf32>
    %slice3A_869 = vector.extract_strided_slice %concatenate3A_787 {offsets = [800, 0], sizes = [40, 33], strides = [1, 1]} : vector<2560x33xf32> to vector<40x33xf32>
    %dot_general3A_870 = arith.constant dense<0.000000e+00> : vector<40x33xf32>
    %dot_general3A_871 = tpu.matmul %slice3A_868, %slice3A_869, %dot_general3A_870 {dimension_numbers = #tpu.dot_dimension_numbers<[1], [0], [0], [1], [0, 0, 1, 1], [], []>, transpose_lhs_hint = false} : vector<40x40xf32>, vector<40x33xf32>, vector<40x33xf32> -> vector<40x33xf32>
    %slice3A_872 = vector.extract_strided_slice %select_n3A_786 {offsets = [840, 0], sizes = [40, 40], strides = [1, 1]} : vector<2560x40xf32> to vector<40x40xf32>
    %slice3A_873 = vector.extract_strided_slice %concatenate3A_787 {offsets = [840, 0], sizes = [40, 33], strides = [1, 1]} : vector<2560x33xf32> to vector<40x33xf32>
    %dot_general3A_874 = arith.constant dense<0.000000e+00> : vector<40x33xf32>
    %dot_general3A_875 = tpu.matmul %slice3A_872, %slice3A_873, %dot_general3A_874 {dimension_numbers = #tpu.dot_dimension_numbers<[1], [0], [0], [1], [0, 0, 1, 1], [], []>, transpose_lhs_hint = false} : vector<40x40xf32>, vector<40x33xf32>, vector<40x33xf32> -> vector<40x33xf32>
    %slice3A_876 = vector.extract_strided_slice %select_n3A_786 {offsets = [880, 0], sizes = [40, 40], strides = [1, 1]} : vector<2560x40xf32> to vector<40x40xf32>
    %slice3A_877 = vector.extract_strided_slice %concatenate3A_787 {offsets = [880, 0], sizes = [40, 33], strides = [1, 1]} : vector<2560x33xf32> to vector<40x33xf32>
    %dot_general3A_878 = arith.constant dense<0.000000e+00> : vector<40x33xf32>
    %dot_general3A_879 = tpu.matmul %slice3A_876, %slice3A_877, %dot_general3A_878 {dimension_numbers = #tpu.dot_dimension_numbers<[1], [0], [0], [1], [0, 0, 1, 1], [], []>, transpose_lhs_hint = false} : vector<40x40xf32>, vector<40x33xf32>, vector<40x33xf32> -> vector<40x33xf32>
    %slice3A_880 = vector.extract_strided_slice %select_n3A_786 {offsets = [920, 0], sizes = [40, 40], strides = [1, 1]} : vector<2560x40xf32> to vector<40x40xf32>
    %slice3A_881 = vector.extract_strided_slice %concatenate3A_787 {offsets = [920, 0], sizes = [40, 33], strides = [1, 1]} : vector<2560x33xf32> to vector<40x33xf32>
    %dot_general3A_882 = arith.constant dense<0.000000e+00> : vector<40x33xf32>
    %dot_general3A_883 = tpu.matmul %slice3A_880, %slice3A_881, %dot_general3A_882 {dimension_numbers = #tpu.dot_dimension_numbers<[1], [0], [0], [1], [0, 0, 1, 1], [], []>, transpose_lhs_hint = false} : vector<40x40xf32>, vector<40x33xf32>, vector<40x33xf32> -> vector<40x33xf32>
    %slice3A_884 = vector.extract_strided_slice %select_n3A_786 {offsets = [960, 0], sizes = [40, 40], strides = [1, 1]} : vector<2560x40xf32> to vector<40x40xf32>
    %slice3A_885 = vector.extract_strided_slice %concatenate3A_787 {offsets = [960, 0], sizes = [40, 33], strides = [1, 1]} : vector<2560x33xf32> to vector<40x33xf32>
    %dot_general3A_886 = arith.constant dense<0.000000e+00> : vector<40x33xf32>
    %dot_general3A_887 = tpu.matmul %slice3A_884, %slice3A_885, %dot_general3A_886 {dimension_numbers = #tpu.dot_dimension_numbers<[1], [0], [0], [1], [0, 0, 1, 1], [], []>, transpose_lhs_hint = false} : vector<40x40xf32>, vector<40x33xf32>, vector<40x33xf32> -> vector<40x33xf32>
    %slice3A_888 = vector.extract_strided_slice %select_n3A_786 {offsets = [1000, 0], sizes = [40, 40], strides = [1, 1]} : vector<2560x40xf32> to vector<40x40xf32>
    %slice3A_889 = vector.extract_strided_slice %concatenate3A_787 {offsets = [1000, 0], sizes = [40, 33], strides = [1, 1]} : vector<2560x33xf32> to vector<40x33xf32>
    %dot_general3A_890 = arith.constant dense<0.000000e+00> : vector<40x33xf32>
    %dot_general3A_891 = tpu.matmul %slice3A_888, %slice3A_889, %dot_general3A_890 {dimension_numbers = #tpu.dot_dimension_numbers<[1], [0], [0], [1], [0, 0, 1, 1], [], []>, transpose_lhs_hint = false} : vector<40x40xf32>, vector<40x33xf32>, vector<40x33xf32> -> vector<40x33xf32>
    %slice3A_892 = vector.extract_strided_slice %select_n3A_786 {offsets = [1040, 0], sizes = [40, 40], strides = [1, 1]} : vector<2560x40xf32> to vector<40x40xf32>
    %slice3A_893 = vector.extract_strided_slice %concatenate3A_787 {offsets = [1040, 0], sizes = [40, 33], strides = [1, 1]} : vector<2560x33xf32> to vector<40x33xf32>
    %dot_general3A_894 = arith.constant dense<0.000000e+00> : vector<40x33xf32>
    %dot_general3A_895 = tpu.matmul %slice3A_892, %slice3A_893, %dot_general3A_894 {dimension_numbers = #tpu.dot_dimension_numbers<[1], [0], [0], [1], [0, 0, 1, 1], [], []>, transpose_lhs_hint = false} : vector<40x40xf32>, vector<40x33xf32>, vector<40x33xf32> -> vector<40x33xf32>
    %slice3A_896 = vector.extract_strided_slice %select_n3A_786 {offsets = [1080, 0], sizes = [40, 40], strides = [1, 1]} : vector<2560x40xf32> to vector<40x40xf32>
    %slice3A_897 = vector.extract_strided_slice %concatenate3A_787 {offsets = [1080, 0], sizes = [40, 33], strides = [1, 1]} : vector<2560x33xf32> to vector<40x33xf32>
    %dot_general3A_898 = arith.constant dense<0.000000e+00> : vector<40x33xf32>
    %dot_general3A_899 = tpu.matmul %slice3A_896, %slice3A_897, %dot_general3A_898 {dimension_numbers = #tpu.dot_dimension_numbers<[1], [0], [0], [1], [0, 0, 1, 1], [], []>, transpose_lhs_hint = false} : vector<40x40xf32>, vector<40x33xf32>, vector<40x33xf32> -> vector<40x33xf32>
    %slice3A_900 = vector.extract_strided_slice %select_n3A_786 {offsets = [1120, 0], sizes = [40, 40], strides = [1, 1]} : vector<2560x40xf32> to vector<40x40xf32>
    %slice3A_901 = vector.extract_strided_slice %concatenate3A_787 {offsets = [1120, 0], sizes = [40, 33], strides = [1, 1]} : vector<2560x33xf32> to vector<40x33xf32>
    %dot_general3A_902 = arith.constant dense<0.000000e+00> : vector<40x33xf32>
    %dot_general3A_903 = tpu.matmul %slice3A_900, %slice3A_901, %dot_general3A_902 {dimension_numbers = #tpu.dot_dimension_numbers<[1], [0], [0], [1], [0, 0, 1, 1], [], []>, transpose_lhs_hint = false} : vector<40x40xf32>, vector<40x33xf32>, vector<40x33xf32> -> vector<40x33xf32>
    %slice3A_904 = vector.extract_strided_slice %select_n3A_786 {offsets = [1160, 0], sizes = [40, 40], strides = [1, 1]} : vector<2560x40xf32> to vector<40x40xf32>
    %slice3A_905 = vector.extract_strided_slice %concatenate3A_787 {offsets = [1160, 0], sizes = [40, 33], strides = [1, 1]} : vector<2560x33xf32> to vector<40x33xf32>
    %dot_general3A_906 = arith.constant dense<0.000000e+00> : vector<40x33xf32>
    %dot_general3A_907 = tpu.matmul %slice3A_904, %slice3A_905, %dot_general3A_906 {dimension_numbers = #tpu.dot_dimension_numbers<[1], [0], [0], [1], [0, 0, 1, 1], [], []>, transpose_lhs_hint = false} : vector<40x40xf32>, vector<40x33xf32>, vector<40x33xf32> -> vector<40x33xf32>
    %slice3A_908 = vector.extract_strided_slice %select_n3A_786 {offsets = [1200, 0], sizes = [40, 40], strides = [1, 1]} : vector<2560x40xf32> to vector<40x40xf32>
    %slice3A_909 = vector.extract_strided_slice %concatenate3A_787 {offsets = [1200, 0], sizes = [40, 33], strides = [1, 1]} : vector<2560x33xf32> to vector<40x33xf32>
    %dot_general3A_910 = arith.constant dense<0.000000e+00> : vector<40x33xf32>
    %dot_general3A_911 = tpu.matmul %slice3A_908, %slice3A_909, %dot_general3A_910 {dimension_numbers = #tpu.dot_dimension_numbers<[1], [0], [0], [1], [0, 0, 1, 1], [], []>, transpose_lhs_hint = false} : vector<40x40xf32>, vector<40x33xf32>, vector<40x33xf32> -> vector<40x33xf32>
    %slice3A_912 = vector.extract_strided_slice %select_n3A_786 {offsets = [1240, 0], sizes = [40, 40], strides = [1, 1]} : vector<2560x40xf32> to vector<40x40xf32>
    %slice3A_913 = vector.extract_strided_slice %concatenate3A_787 {offsets = [1240, 0], sizes = [40, 33], strides = [1, 1]} : vector<2560x33xf32> to vector<40x33xf32>
    %dot_general3A_914 = arith.constant dense<0.000000e+00> : vector<40x33xf32>
    %dot_general3A_915 = tpu.matmul %slice3A_912, %slice3A_913, %dot_general3A_914 {dimension_numbers = #tpu.dot_dimension_numbers<[1], [0], [0], [1], [0, 0, 1, 1], [], []>, transpose_lhs_hint = false} : vector<40x40xf32>, vector<40x33xf32>, vector<40x33xf32> -> vector<40x33xf32>
    %slice3A_916 = vector.extract_strided_slice %select_n3A_786 {offsets = [1280, 0], sizes = [40, 40], strides = [1, 1]} : vector<2560x40xf32> to vector<40x40xf32>
    %slice3A_917 = vector.extract_strided_slice %concatenate3A_787 {offsets = [1280, 0], sizes = [40, 33], strides = [1, 1]} : vector<2560x33xf32> to vector<40x33xf32>
    %dot_general3A_918 = arith.constant dense<0.000000e+00> : vector<40x33xf32>
    %dot_general3A_919 = tpu.matmul %slice3A_916, %slice3A_917, %dot_general3A_918 {dimension_numbers = #tpu.dot_dimension_numbers<[1], [0], [0], [1], [0, 0, 1, 1], [], []>, transpose_lhs_hint = false} : vector<40x40xf32>, vector<40x33xf32>, vector<40x33xf32> -> vector<40x33xf32>
    %slice3A_920 = vector.extract_strided_slice %select_n3A_786 {offsets = [1320, 0], sizes = [40, 40], strides = [1, 1]} : vector<2560x40xf32> to vector<40x40xf32>
    %slice3A_921 = vector.extract_strided_slice %concatenate3A_787 {offsets = [1320, 0], sizes = [40, 33], strides = [1, 1]} : vector<2560x33xf32> to vector<40x33xf32>
    %dot_general3A_922 = arith.constant dense<0.000000e+00> : vector<40x33xf32>
    %dot_general3A_923 = tpu.matmul %slice3A_920, %slice3A_921, %dot_general3A_922 {dimension_numbers = #tpu.dot_dimension_numbers<[1], [0], [0], [1], [0, 0, 1, 1], [], []>, transpose_lhs_hint = false} : vector<40x40xf32>, vector<40x33xf32>, vector<40x33xf32> -> vector<40x33xf32>
    %slice3A_924 = vector.extract_strided_slice %select_n3A_786 {offsets = [1360, 0], sizes = [40, 40], strides = [1, 1]} : vector<2560x40xf32> to vector<40x40xf32>
    %slice3A_925 = vector.extract_strided_slice %concatenate3A_787 {offsets = [1360, 0], sizes = [40, 33], strides = [1, 1]} : vector<2560x33xf32> to vector<40x33xf32>
    %dot_general3A_926 = arith.constant dense<0.000000e+00> : vector<40x33xf32>
    %dot_general3A_927 = tpu.matmul %slice3A_924, %slice3A_925, %dot_general3A_926 {dimension_numbers = #tpu.dot_dimension_numbers<[1], [0], [0], [1], [0, 0, 1, 1], [], []>, transpose_lhs_hint = false} : vector<40x40xf32>, vector<40x33xf32>, vector<40x33xf32> -> vector<40x33xf32>
    %slice3A_928 = vector.extract_strided_slice %select_n3A_786 {offsets = [1400, 0], sizes = [40, 40], strides = [1, 1]} : vector<2560x40xf32> to vector<40x40xf32>
    %slice3A_929 = vector.extract_strided_slice %concatenate3A_787 {offsets = [1400, 0], sizes = [40, 33], strides = [1, 1]} : vector<2560x33xf32> to vector<40x33xf32>
    %dot_general3A_930 = arith.constant dense<0.000000e+00> : vector<40x33xf32>
    %dot_general3A_931 = tpu.matmul %slice3A_928, %slice3A_929, %dot_general3A_930 {dimension_numbers = #tpu.dot_dimension_numbers<[1], [0], [0], [1], [0, 0, 1, 1], [], []>, transpose_lhs_hint = false} : vector<40x40xf32>, vector<40x33xf32>, vector<40x33xf32> -> vector<40x33xf32>
    %slice3A_932 = vector.extract_strided_slice %select_n3A_786 {offsets = [1440, 0], sizes = [40, 40], strides = [1, 1]} : vector<2560x40xf32> to vector<40x40xf32>
    %slice3A_933 = vector.extract_strided_slice %concatenate3A_787 {offsets = [1440, 0], sizes = [40, 33], strides = [1, 1]} : vector<2560x33xf32> to vector<40x33xf32>
    %dot_general3A_934 = arith.constant dense<0.000000e+00> : vector<40x33xf32>
    %dot_general3A_935 = tpu.matmul %slice3A_932, %slice3A_933, %dot_general3A_934 {dimension_numbers = #tpu.dot_dimension_numbers<[1], [0], [0], [1], [0, 0, 1, 1], [], []>, transpose_lhs_hint = false} : vector<40x40xf32>, vector<40x33xf32>, vector<40x33xf32> -> vector<40x33xf32>
    %slice3A_936 = vector.extract_strided_slice %select_n3A_786 {offsets = [1480, 0], sizes = [40, 40], strides = [1, 1]} : vector<2560x40xf32> to vector<40x40xf32>
    %slice3A_937 = vector.extract_strided_slice %concatenate3A_787 {offsets = [1480, 0], sizes = [40, 33], strides = [1, 1]} : vector<2560x33xf32> to vector<40x33xf32>
    %dot_general3A_938 = arith.constant dense<0.000000e+00> : vector<40x33xf32>
    %dot_general3A_939 = tpu.matmul %slice3A_936, %slice3A_937, %dot_general3A_938 {dimension_numbers = #tpu.dot_dimension_numbers<[1], [0], [0], [1], [0, 0, 1, 1], [], []>, transpose_lhs_hint = false} : vector<40x40xf32>, vector<40x33xf32>, vector<40x33xf32> -> vector<40x33xf32>
    %slice3A_940 = vector.extract_strided_slice %select_n3A_786 {offsets = [1520, 0], sizes = [40, 40], strides = [1, 1]} : vector<2560x40xf32> to vector<40x40xf32>
    %slice3A_941 = vector.extract_strided_slice %concatenate3A_787 {offsets = [1520, 0], sizes = [40, 33], strides = [1, 1]} : vector<2560x33xf32> to vector<40x33xf32>
    %dot_general3A_942 = arith.constant dense<0.000000e+00> : vector<40x33xf32>
    %dot_general3A_943 = tpu.matmul %slice3A_940, %slice3A_941, %dot_general3A_942 {dimension_numbers = #tpu.dot_dimension_numbers<[1], [0], [0], [1], [0, 0, 1, 1], [], []>, transpose_lhs_hint = false} : vector<40x40xf32>, vector<40x33xf32>, vector<40x33xf32> -> vector<40x33xf32>
    %slice3A_944 = vector.extract_strided_slice %select_n3A_786 {offsets = [1560, 0], sizes = [40, 40], strides = [1, 1]} : vector<2560x40xf32> to vector<40x40xf32>
    %slice3A_945 = vector.extract_strided_slice %concatenate3A_787 {offsets = [1560, 0], sizes = [40, 33], strides = [1, 1]} : vector<2560x33xf32> to vector<40x33xf32>
    %dot_general3A_946 = arith.constant dense<0.000000e+00> : vector<40x33xf32>
    %dot_general3A_947 = tpu.matmul %slice3A_944, %slice3A_945, %dot_general3A_946 {dimension_numbers = #tpu.dot_dimension_numbers<[1], [0], [0], [1], [0, 0, 1, 1], [], []>, transpose_lhs_hint = false} : vector<40x40xf32>, vector<40x33xf32>, vector<40x33xf32> -> vector<40x33xf32>
    %slice3A_948 = vector.extract_strided_slice %select_n3A_786 {offsets = [1600, 0], sizes = [40, 40], strides = [1, 1]} : vector<2560x40xf32> to vector<40x40xf32>
    %slice3A_949 = vector.extract_strided_slice %concatenate3A_787 {offsets = [1600, 0], sizes = [40, 33], strides = [1, 1]} : vector<2560x33xf32> to vector<40x33xf32>
    %dot_general3A_950 = arith.constant dense<0.000000e+00> : vector<40x33xf32>
    %dot_general3A_951 = tpu.matmul %slice3A_948, %slice3A_949, %dot_general3A_950 {dimension_numbers = #tpu.dot_dimension_numbers<[1], [0], [0], [1], [0, 0, 1, 1], [], []>, transpose_lhs_hint = false} : vector<40x40xf32>, vector<40x33xf32>, vector<40x33xf32> -> vector<40x33xf32>
    %slice3A_952 = vector.extract_strided_slice %select_n3A_786 {offsets = [1640, 0], sizes = [40, 40], strides = [1, 1]} : vector<2560x40xf32> to vector<40x40xf32>
    %slice3A_953 = vector.extract_strided_slice %concatenate3A_787 {offsets = [1640, 0], sizes = [40, 33], strides = [1, 1]} : vector<2560x33xf32> to vector<40x33xf32>
    %dot_general3A_954 = arith.constant dense<0.000000e+00> : vector<40x33xf32>
    %dot_general3A_955 = tpu.matmul %slice3A_952, %slice3A_953, %dot_general3A_954 {dimension_numbers = #tpu.dot_dimension_numbers<[1], [0], [0], [1], [0, 0, 1, 1], [], []>, transpose_lhs_hint = false} : vector<40x40xf32>, vector<40x33xf32>, vector<40x33xf32> -> vector<40x33xf32>
    %slice3A_956 = vector.extract_strided_slice %select_n3A_786 {offsets = [1680, 0], sizes = [40, 40], strides = [1, 1]} : vector<2560x40xf32> to vector<40x40xf32>
    %slice3A_957 = vector.extract_strided_slice %concatenate3A_787 {offsets = [1680, 0], sizes = [40, 33], strides = [1, 1]} : vector<2560x33xf32> to vector<40x33xf32>
    %dot_general3A_958 = arith.constant dense<0.000000e+00> : vector<40x33xf32>
    %dot_general3A_959 = tpu.matmul %slice3A_956, %slice3A_957, %dot_general3A_958 {dimension_numbers = #tpu.dot_dimension_numbers<[1], [0], [0], [1], [0, 0, 1, 1], [], []>, transpose_lhs_hint = false} : vector<40x40xf32>, vector<40x33xf32>, vector<40x33xf32> -> vector<40x33xf32>
    %slice3A_960 = vector.extract_strided_slice %select_n3A_786 {offsets = [1720, 0], sizes = [40, 40], strides = [1, 1]} : vector<2560x40xf32> to vector<40x40xf32>
    %slice3A_961 = vector.extract_strided_slice %concatenate3A_787 {offsets = [1720, 0], sizes = [40, 33], strides = [1, 1]} : vector<2560x33xf32> to vector<40x33xf32>
    %dot_general3A_962 = arith.constant dense<0.000000e+00> : vector<40x33xf32>
    %dot_general3A_963 = tpu.matmul %slice3A_960, %slice3A_961, %dot_general3A_962 {dimension_numbers = #tpu.dot_dimension_numbers<[1], [0], [0], [1], [0, 0, 1, 1], [], []>, transpose_lhs_hint = false} : vector<40x40xf32>, vector<40x33xf32>, vector<40x33xf32> -> vector<40x33xf32>
    %slice3A_964 = vector.extract_strided_slice %select_n3A_786 {offsets = [1760, 0], sizes = [40, 40], strides = [1, 1]} : vector<2560x40xf32> to vector<40x40xf32>
    %slice3A_965 = vector.extract_strided_slice %concatenate3A_787 {offsets = [1760, 0], sizes = [40, 33], strides = [1, 1]} : vector<2560x33xf32> to vector<40x33xf32>
    %dot_general3A_966 = arith.constant dense<0.000000e+00> : vector<40x33xf32>
    %dot_general3A_967 = tpu.matmul %slice3A_964, %slice3A_965, %dot_general3A_966 {dimension_numbers = #tpu.dot_dimension_numbers<[1], [0], [0], [1], [0, 0, 1, 1], [], []>, transpose_lhs_hint = false} : vector<40x40xf32>, vector<40x33xf32>, vector<40x33xf32> -> vector<40x33xf32>
    %slice3A_968 = vector.extract_strided_slice %select_n3A_786 {offsets = [1800, 0], sizes = [40, 40], strides = [1, 1]} : vector<2560x40xf32> to vector<40x40xf32>
    %slice3A_969 = vector.extract_strided_slice %concatenate3A_787 {offsets = [1800, 0], sizes = [40, 33], strides = [1, 1]} : vector<2560x33xf32> to vector<40x33xf32>
    %dot_general3A_970 = arith.constant dense<0.000000e+00> : vector<40x33xf32>
    %dot_general3A_971 = tpu.matmul %slice3A_968, %slice3A_969, %dot_general3A_970 {dimension_numbers = #tpu.dot_dimension_numbers<[1], [0], [0], [1], [0, 0, 1, 1], [], []>, transpose_lhs_hint = false} : vector<40x40xf32>, vector<40x33xf32>, vector<40x33xf32> -> vector<40x33xf32>
    %slice3A_972 = vector.extract_strided_slice %select_n3A_786 {offsets = [1840, 0], sizes = [40, 40], strides = [1, 1]} : vector<2560x40xf32> to vector<40x40xf32>
    %slice3A_973 = vector.extract_strided_slice %concatenate3A_787 {offsets = [1840, 0], sizes = [40, 33], strides = [1, 1]} : vector<2560x33xf32> to vector<40x33xf32>
    %dot_general3A_974 = arith.constant dense<0.000000e+00> : vector<40x33xf32>
    %dot_general3A_975 = tpu.matmul %slice3A_972, %slice3A_973, %dot_general3A_974 {dimension_numbers = #tpu.dot_dimension_numbers<[1], [0], [0], [1], [0, 0, 1, 1], [], []>, transpose_lhs_hint = false} : vector<40x40xf32>, vector<40x33xf32>, vector<40x33xf32> -> vector<40x33xf32>
    %slice3A_976 = vector.extract_strided_slice %select_n3A_786 {offsets = [1880, 0], sizes = [40, 40], strides = [1, 1]} : vector<2560x40xf32> to vector<40x40xf32>
    %slice3A_977 = vector.extract_strided_slice %concatenate3A_787 {offsets = [1880, 0], sizes = [40, 33], strides = [1, 1]} : vector<2560x33xf32> to vector<40x33xf32>
    %dot_general3A_978 = arith.constant dense<0.000000e+00> : vector<40x33xf32>
    %dot_general3A_979 = tpu.matmul %slice3A_976, %slice3A_977, %dot_general3A_978 {dimension_numbers = #tpu.dot_dimension_numbers<[1], [0], [0], [1], [0, 0, 1, 1], [], []>, transpose_lhs_hint = false} : vector<40x40xf32>, vector<40x33xf32>, vector<40x33xf32> -> vector<40x33xf32>
    %slice3A_980 = vector.extract_strided_slice %select_n3A_786 {offsets = [1920, 0], sizes = [40, 40], strides = [1, 1]} : vector<2560x40xf32> to vector<40x40xf32>
    %slice3A_981 = vector.extract_strided_slice %concatenate3A_787 {offsets = [1920, 0], sizes = [40, 33], strides = [1, 1]} : vector<2560x33xf32> to vector<40x33xf32>
    %dot_general3A_982 = arith.constant dense<0.000000e+00> : vector<40x33xf32>
    %dot_general3A_983 = tpu.matmul %slice3A_980, %slice3A_981, %dot_general3A_982 {dimension_numbers = #tpu.dot_dimension_numbers<[1], [0], [0], [1], [0, 0, 1, 1], [], []>, transpose_lhs_hint = false} : vector<40x40xf32>, vector<40x33xf32>, vector<40x33xf32> -> vector<40x33xf32>
    %slice3A_984 = vector.extract_strided_slice %select_n3A_786 {offsets = [1960, 0], sizes = [40, 40], strides = [1, 1]} : vector<2560x40xf32> to vector<40x40xf32>
    %slice3A_985 = vector.extract_strided_slice %concatenate3A_787 {offsets = [1960, 0], sizes = [40, 33], strides = [1, 1]} : vector<2560x33xf32> to vector<40x33xf32>
    %dot_general3A_986 = arith.constant dense<0.000000e+00> : vector<40x33xf32>
    %dot_general3A_987 = tpu.matmul %slice3A_984, %slice3A_985, %dot_general3A_986 {dimension_numbers = #tpu.dot_dimension_numbers<[1], [0], [0], [1], [0, 0, 1, 1], [], []>, transpose_lhs_hint = false} : vector<40x40xf32>, vector<40x33xf32>, vector<40x33xf32> -> vector<40x33xf32>
    %slice3A_988 = vector.extract_strided_slice %select_n3A_786 {offsets = [2000, 0], sizes = [40, 40], strides = [1, 1]} : vector<2560x40xf32> to vector<40x40xf32>
    %slice3A_989 = vector.extract_strided_slice %concatenate3A_787 {offsets = [2000, 0], sizes = [40, 33], strides = [1, 1]} : vector<2560x33xf32> to vector<40x33xf32>
    %dot_general3A_990 = arith.constant dense<0.000000e+00> : vector<40x33xf32>
    %dot_general3A_991 = tpu.matmul %slice3A_988, %slice3A_989, %dot_general3A_990 {dimension_numbers = #tpu.dot_dimension_numbers<[1], [0], [0], [1], [0, 0, 1, 1], [], []>, transpose_lhs_hint = false} : vector<40x40xf32>, vector<40x33xf32>, vector<40x33xf32> -> vector<40x33xf32>
    %slice3A_992 = vector.extract_strided_slice %select_n3A_786 {offsets = [2040, 0], sizes = [40, 40], strides = [1, 1]} : vector<2560x40xf32> to vector<40x40xf32>
    %slice3A_993 = vector.extract_strided_slice %concatenate3A_787 {offsets = [2040, 0], sizes = [40, 33], strides = [1, 1]} : vector<2560x33xf32> to vector<40x33xf32>
    %dot_general3A_994 = arith.constant dense<0.000000e+00> : vector<40x33xf32>
    %dot_general3A_995 = tpu.matmul %slice3A_992, %slice3A_993, %dot_general3A_994 {dimension_numbers = #tpu.dot_dimension_numbers<[1], [0], [0], [1], [0, 0, 1, 1], [], []>, transpose_lhs_hint = false} : vector<40x40xf32>, vector<40x33xf32>, vector<40x33xf32> -> vector<40x33xf32>
    %slice3A_996 = vector.extract_strided_slice %select_n3A_786 {offsets = [2080, 0], sizes = [40, 40], strides = [1, 1]} : vector<2560x40xf32> to vector<40x40xf32>
    %slice3A_997 = vector.extract_strided_slice %concatenate3A_787 {offsets = [2080, 0], sizes = [40, 33], strides = [1, 1]} : vector<2560x33xf32> to vector<40x33xf32>
    %dot_general3A_998 = arith.constant dense<0.000000e+00> : vector<40x33xf32>
    %dot_general3A_999 = tpu.matmul %slice3A_996, %slice3A_997, %dot_general3A_998 {dimension_numbers = #tpu.dot_dimension_numbers<[1], [0], [0], [1], [0, 0, 1, 1], [], []>, transpose_lhs_hint = false} : vector<40x40xf32>, vector<40x33xf32>, vector<40x33xf32> -> vector<40x33xf32>
    %slice3A_1000 = vector.extract_strided_slice %select_n3A_786 {offsets = [2120, 0], sizes = [40, 40], strides = [1, 1]} : vector<2560x40xf32> to vector<40x40xf32>
    %slice3A_1001 = vector.extract_strided_slice %concatenate3A_787 {offsets = [2120, 0], sizes = [40, 33], strides = [1, 1]} : vector<2560x33xf32> to vector<40x33xf32>
    %dot_general3A_1002 = arith.constant dense<0.000000e+00> : vector<40x33xf32>
    %dot_general3A_1003 = tpu.matmul %slice3A_1000, %slice3A_1001, %dot_general3A_1002 {dimension_numbers = #tpu.dot_dimension_numbers<[1], [0], [0], [1], [0, 0, 1, 1], [], []>, transpose_lhs_hint = false} : vector<40x40xf32>, vector<40x33xf32>, vector<40x33xf32> -> vector<40x33xf32>
    %slice3A_1004 = vector.extract_strided_slice %select_n3A_786 {offsets = [2160, 0], sizes = [40, 40], strides = [1, 1]} : vector<2560x40xf32> to vector<40x40xf32>
    %slice3A_1005 = vector.extract_strided_slice %concatenate3A_787 {offsets = [2160, 0], sizes = [40, 33], strides = [1, 1]} : vector<2560x33xf32> to vector<40x33xf32>
    %dot_general3A_1006 = arith.constant dense<0.000000e+00> : vector<40x33xf32>
    %dot_general3A_1007 = tpu.matmul %slice3A_1004, %slice3A_1005, %dot_general3A_1006 {dimension_numbers = #tpu.dot_dimension_numbers<[1], [0], [0], [1], [0, 0, 1, 1], [], []>, transpose_lhs_hint = false} : vector<40x40xf32>, vector<40x33xf32>, vector<40x33xf32> -> vector<40x33xf32>
    %slice3A_1008 = vector.extract_strided_slice %select_n3A_786 {offsets = [2200, 0], sizes = [40, 40], strides = [1, 1]} : vector<2560x40xf32> to vector<40x40xf32>
    %slice3A_1009 = vector.extract_strided_slice %concatenate3A_787 {offsets = [2200, 0], sizes = [40, 33], strides = [1, 1]} : vector<2560x33xf32> to vector<40x33xf32>
    %dot_general3A_1010 = arith.constant dense<0.000000e+00> : vector<40x33xf32>
    %dot_general3A_1011 = tpu.matmul %slice3A_1008, %slice3A_1009, %dot_general3A_1010 {dimension_numbers = #tpu.dot_dimension_numbers<[1], [0], [0], [1], [0, 0, 1, 1], [], []>, transpose_lhs_hint = false} : vector<40x40xf32>, vector<40x33xf32>, vector<40x33xf32> -> vector<40x33xf32>
    %slice3A_1012 = vector.extract_strided_slice %select_n3A_786 {offsets = [2240, 0], sizes = [40, 40], strides = [1, 1]} : vector<2560x40xf32> to vector<40x40xf32>
    %slice3A_1013 = vector.extract_strided_slice %concatenate3A_787 {offsets = [2240, 0], sizes = [40, 33], strides = [1, 1]} : vector<2560x33xf32> to vector<40x33xf32>
    %dot_general3A_1014 = arith.constant dense<0.000000e+00> : vector<40x33xf32>
    %dot_general3A_1015 = tpu.matmul %slice3A_1012, %slice3A_1013, %dot_general3A_1014 {dimension_numbers = #tpu.dot_dimension_numbers<[1], [0], [0], [1], [0, 0, 1, 1], [], []>, transpose_lhs_hint = false} : vector<40x40xf32>, vector<40x33xf32>, vector<40x33xf32> -> vector<40x33xf32>
    %slice3A_1016 = vector.extract_strided_slice %select_n3A_786 {offsets = [2280, 0], sizes = [40, 40], strides = [1, 1]} : vector<2560x40xf32> to vector<40x40xf32>
    %slice3A_1017 = vector.extract_strided_slice %concatenate3A_787 {offsets = [2280, 0], sizes = [40, 33], strides = [1, 1]} : vector<2560x33xf32> to vector<40x33xf32>
    %dot_general3A_1018 = arith.constant dense<0.000000e+00> : vector<40x33xf32>
    %dot_general3A_1019 = tpu.matmul %slice3A_1016, %slice3A_1017, %dot_general3A_1018 {dimension_numbers = #tpu.dot_dimension_numbers<[1], [0], [0], [1], [0, 0, 1, 1], [], []>, transpose_lhs_hint = false} : vector<40x40xf32>, vector<40x33xf32>, vector<40x33xf32> -> vector<40x33xf32>
    %slice3A_1020 = vector.extract_strided_slice %select_n3A_786 {offsets = [2320, 0], sizes = [40, 40], strides = [1, 1]} : vector<2560x40xf32> to vector<40x40xf32>
    %slice3A_1021 = vector.extract_strided_slice %concatenate3A_787 {offsets = [2320, 0], sizes = [40, 33], strides = [1, 1]} : vector<2560x33xf32> to vector<40x33xf32>
    %dot_general3A_1022 = arith.constant dense<0.000000e+00> : vector<40x33xf32>
    %dot_general3A_1023 = tpu.matmul %slice3A_1020, %slice3A_1021, %dot_general3A_1022 {dimension_numbers = #tpu.dot_dimension_numbers<[1], [0], [0], [1], [0, 0, 1, 1], [], []>, transpose_lhs_hint = false} : vector<40x40xf32>, vector<40x33xf32>, vector<40x33xf32> -> vector<40x33xf32>
    %slice3A_1024 = vector.extract_strided_slice %select_n3A_786 {offsets = [2360, 0], sizes = [40, 40], strides = [1, 1]} : vector<2560x40xf32> to vector<40x40xf32>
    %slice3A_1025 = vector.extract_strided_slice %concatenate3A_787 {offsets = [2360, 0], sizes = [40, 33], strides = [1, 1]} : vector<2560x33xf32> to vector<40x33xf32>
    %dot_general3A_1026 = arith.constant dense<0.000000e+00> : vector<40x33xf32>
    %dot_general3A_1027 = tpu.matmul %slice3A_1024, %slice3A_1025, %dot_general3A_1026 {dimension_numbers = #tpu.dot_dimension_numbers<[1], [0], [0], [1], [0, 0, 1, 1], [], []>, transpose_lhs_hint = false} : vector<40x40xf32>, vector<40x33xf32>, vector<40x33xf32> -> vector<40x33xf32>
    %slice3A_1028 = vector.extract_strided_slice %select_n3A_786 {offsets = [2400, 0], sizes = [40, 40], strides = [1, 1]} : vector<2560x40xf32> to vector<40x40xf32>
    %slice3A_1029 = vector.extract_strided_slice %concatenate3A_787 {offsets = [2400, 0], sizes = [40, 33], strides = [1, 1]} : vector<2560x33xf32> to vector<40x33xf32>
    %dot_general3A_1030 = arith.constant dense<0.000000e+00> : vector<40x33xf32>
    %dot_general3A_1031 = tpu.matmul %slice3A_1028, %slice3A_1029, %dot_general3A_1030 {dimension_numbers = #tpu.dot_dimension_numbers<[1], [0], [0], [1], [0, 0, 1, 1], [], []>, transpose_lhs_hint = false} : vector<40x40xf32>, vector<40x33xf32>, vector<40x33xf32> -> vector<40x33xf32>
    %slice3A_1032 = vector.extract_strided_slice %select_n3A_786 {offsets = [2440, 0], sizes = [40, 40], strides = [1, 1]} : vector<2560x40xf32> to vector<40x40xf32>
    %slice3A_1033 = vector.extract_strided_slice %concatenate3A_787 {offsets = [2440, 0], sizes = [40, 33], strides = [1, 1]} : vector<2560x33xf32> to vector<40x33xf32>
    %dot_general3A_1034 = arith.constant dense<0.000000e+00> : vector<40x33xf32>
    %dot_general3A_1035 = tpu.matmul %slice3A_1032, %slice3A_1033, %dot_general3A_1034 {dimension_numbers = #tpu.dot_dimension_numbers<[1], [0], [0], [1], [0, 0, 1, 1], [], []>, transpose_lhs_hint = false} : vector<40x40xf32>, vector<40x33xf32>, vector<40x33xf32> -> vector<40x33xf32>
    %slice3A_1036 = vector.extract_strided_slice %select_n3A_786 {offsets = [2480, 0], sizes = [40, 40], strides = [1, 1]} : vector<2560x40xf32> to vector<40x40xf32>
    %slice3A_1037 = vector.extract_strided_slice %concatenate3A_787 {offsets = [2480, 0], sizes = [40, 33], strides = [1, 1]} : vector<2560x33xf32> to vector<40x33xf32>
    %dot_general3A_1038 = arith.constant dense<0.000000e+00> : vector<40x33xf32>
    %dot_general3A_1039 = tpu.matmul %slice3A_1036, %slice3A_1037, %dot_general3A_1038 {dimension_numbers = #tpu.dot_dimension_numbers<[1], [0], [0], [1], [0, 0, 1, 1], [], []>, transpose_lhs_hint = false} : vector<40x40xf32>, vector<40x33xf32>, vector<40x33xf32> -> vector<40x33xf32>
    %slice3A_1040 = vector.extract_strided_slice %select_n3A_786 {offsets = [2520, 0], sizes = [40, 40], strides = [1, 1]} : vector<2560x40xf32> to vector<40x40xf32>
    %slice3A_1041 = vector.extract_strided_slice %concatenate3A_787 {offsets = [2520, 0], sizes = [40, 33], strides = [1, 1]} : vector<2560x33xf32> to vector<40x33xf32>
    %dot_general3A_1042 = arith.constant dense<0.000000e+00> : vector<40x33xf32>
    %dot_general3A_1043 = tpu.matmul %slice3A_1040, %slice3A_1041, %dot_general3A_1042 {dimension_numbers = #tpu.dot_dimension_numbers<[1], [0], [0], [1], [0, 0, 1, 1], [], []>, transpose_lhs_hint = false} : vector<40x40xf32>, vector<40x33xf32>, vector<40x33xf32> -> vector<40x33xf32>
    %concatenate3A_1044 = tpu.concatenate %dot_general3A_791, %dot_general3A_795, %dot_general3A_799, %dot_general3A_803, %dot_general3A_807, %dot_general3A_811, %dot_general3A_815, %dot_general3A_819, %dot_general3A_823, %dot_general3A_827, %dot_general3A_831, %dot_general3A_835, %dot_general3A_839, %dot_general3A_843, %dot_general3A_847, %dot_general3A_851, %dot_general3A_855, %dot_general3A_859, %dot_general3A_863, %dot_general3A_867, %dot_general3A_871, %dot_general3A_875, %dot_general3A_879, %dot_general3A_883, %dot_general3A_887, %dot_general3A_891, %dot_general3A_895, %dot_general3A_899, %dot_general3A_903, %dot_general3A_907, %dot_general3A_911, %dot_general3A_915, %dot_general3A_919, %dot_general3A_923, %dot_general3A_927, %dot_general3A_931, %dot_general3A_935, %dot_general3A_939, %dot_general3A_943, %dot_general3A_947, %dot_general3A_951, %dot_general3A_955, %dot_general3A_959, %dot_general3A_963, %dot_general3A_967, %dot_general3A_971, %dot_general3A_975, %dot_general3A_979, %dot_general3A_983, %dot_general3A_987, %dot_general3A_991, %dot_general3A_995, %dot_general3A_999, %dot_general3A_1003, %dot_general3A_1007, %dot_general3A_1011, %dot_general3A_1015, %dot_general3A_1019, %dot_general3A_1023, %dot_general3A_1027, %dot_general3A_1031, %dot_general3A_1035, %dot_general3A_1039, %dot_general3A_1043 in 0 : vector<40x33xf32>, vector<40x33xf32>, vector<40x33xf32>, vector<40x33xf32>, vector<40x33xf32>, vector<40x33xf32>, vector<40x33xf32>, vector<40x33xf32>, vector<40x33xf32>, vector<40x33xf32>, vector<40x33xf32>, vector<40x33xf32>, vector<40x33xf32>, vector<40x33xf32>, vector<40x33xf32>, vector<40x33xf32>, vector<40x33xf32>, vector<40x33xf32>, vector<40x33xf32>, vector<40x33xf32>, vector<40x33xf32>, vector<40x33xf32>, vector<40x33xf32>, vector<40x33xf32>, vector<40x33xf32>, vector<40x33xf32>, vector<40x33xf32>, vector<40x33xf32>, vector<40x33xf32>, vector<40x33xf32>, vector<40x33xf32>, vector<40x33xf32>, vector<40x33xf32>, vector<40x33xf32>, vector<40x33xf32>, vector<40x33xf32>, vector<40x33xf32>, vector<40x33xf32>, vector<40x33xf32>, vector<40x33xf32>, vector<40x33xf32>, vector<40x33xf32>, vector<40x33xf32>, vector<40x33xf32>, vector<40x33xf32>, vector<40x33xf32>, vector<40x33xf32>, vector<40x33xf32>, vector<40x33xf32>, vector<40x33xf32>, vector<40x33xf32>, vector<40x33xf32>, vector<40x33xf32>, vector<40x33xf32>, vector<40x33xf32>, vector<40x33xf32>, vector<40x33xf32>, vector<40x33xf32>, vector<40x33xf32>, vector<40x33xf32>, vector<40x33xf32>, vector<40x33xf32>, vector<40x33xf32>, vector<40x33xf32> -> vector<2560x33xf32>
    %slice3A_1045 = vector.extract_strided_slice %concatenate3A_1044 {offsets = [0, 0], sizes = [2560, 32], strides = [1, 1]} : vector<2560x33xf32> to vector<2560x32xf32>
    %slice3A_1046 = vector.extract_strided_slice %concatenate3A_1044 {offsets = [0, 32], sizes = [2560, 1], strides = [1, 1]} : vector<2560x33xf32> to vector<2560x1xf32>
    %add3A_1047 = arith.constant 1.000000e-16 : f32
    %add3A_1048 = vector.broadcast %add3A_1047 : f32 to vector<2560x1xf32>
    %add3A_1049 = arith.addf %slice3A_1046, %add3A_1048 : vector<2560x1xf32>
    %div3A_1050 = arith.constant 1.000000e+00 : f32
    %div3A_1051 = vector.broadcast %div3A_1050 : f32 to vector<2560x1xf32>
    %div3A_1052 = arith.divf %div3A_1051, %add3A_1049 : vector<2560x1xf32>
    %mul3A_1053 = vector.broadcast %div3A_1052 : vector<2560x1xf32> to vector<2560x32xf32>
    %mul3A_1054 = arith.mulf %slice3A_1045, %mul3A_1053 : vector<2560x32xf32>
    %get3A_1055 = arith.constant 0 : index
    %get3A_1056 = arith.constant 0 : index
    %get3A_1057 = vector.load %arg8[%get3A_1055, %get3A_1056] : memref<1x32xf32, #tpu.memory_space<vmem>>, vector<1x32xf32>
    %add3A_1058 = vector.broadcast %get3A_1057 : vector<1x32xf32> to vector<2560x32xf32>
    %add3A_1059 = arith.addf %mul3A_1054, %add3A_1058 : vector<2560x32xf32>
    %max3A_1060 = arith.constant 0.000000e+00 : f32
    %max3A_1061 = vector.broadcast %max3A_1060 : f32 to vector<2560x32xf32>
    %max3A_1062 = arith.maximumf %add3A_1059, %max3A_1061 : vector<2560x32xf32>
    %swap3A_1063 = arith.constant 0 : index
    %swap3A_1064 = arith.constant 0 : index
    %swap3A_1065 = vector.load %arg13[%swap3A_1063, %swap3A_1064] : memref<2560x32xf32, #tpu.memory_space<vmem>>, vector<2560x32xf32>
    tpu.vector_store %arg13[%swap3A_1063, %swap3A_1064], %max3A_1062 {strides = array<i32>} : memref<2560x32xf32, #tpu.memory_space<vmem>>, vector<2560x32xf32>,
    %jit3A_1066 = arith.constant -3.000000e+38 : f32
    %broadcast_in_dim3A_1067 = vector.shape_cast %lt3A_16 : vector<2560x1xi1> to vector<2560x1xi1>
    %broadcast_in_dim3A_1068 = vector.broadcast %broadcast_in_dim3A_1067 : vector<2560x1xi1> to vector<2560x32xi1>
    %broadcast_in_dim3A_1069 = vector.broadcast %jit3A_1066 : f32 to vector<2560x32xf32>
    %select_n3A_1070 = arith.select %broadcast_in_dim3A_1068, %max3A_1062, %broadcast_in_dim3A_1069 : vector<2560x32xi1>, vector<2560x32xf32>
    %reshape3A_1071 = vector.shape_cast %select_n3A_1070 : vector<2560x32xf32> to vector<64x40x32xf32>
    %reduce_max3A_1072 = arith.constant dense<0xFF800000> : vector<64x32xf32>
    %reduce_max3A_1073 = vector.multi_reduction <maximumf>, %reshape3A_1071, %reduce_max3A_1072 [1] : vector<64x40x32xf32> to vector<64x32xf32>
    %get3A_1074 = arith.constant 0 : index
    %get3A_1075 = arith.constant 0 : index
    %get3A_1076 = vector.load %arg9[%get3A_1074, %get3A_1075] : memref<32x11xf32, #tpu.memory_space<vmem>>, vector<32x11xf32>
    %dot_general3A_1077 = arith.constant dense<0.000000e+00> : vector<2560x11xf32>
    %dot_general3A_1078 = tpu.matmul %max3A_1062, %get3A_1076, %dot_general3A_1077 {dimension_numbers = #tpu.dot_dimension_numbers<[1], [0], [0], [1], [0, 0, 1, 1], [], []>, transpose_lhs_hint = false} : vector<2560x32xf32>, vector<32x11xf32>, vector<2560x11xf32> -> vector<2560x11xf32>
    %slice3A_1079 = vector.extract_strided_slice %dot_general3A_1078 {offsets = [0, 0], sizes = [2560, 9], strides = [1, 1]} : vector<2560x11xf32> to vector<2560x9xf32>
    %slice3A_1080 = vector.extract_strided_slice %dot_general3A_1078 {offsets = [0, 9], sizes = [2560, 1], strides = [1, 1]} : vector<2560x11xf32> to vector<2560x1xf32>
    %slice3A_1081 = vector.extract_strided_slice %dot_general3A_1078 {offsets = [0, 10], sizes = [2560, 1], strides = [1, 1]} : vector<2560x11xf32> to vector<2560x1xf32>
    %mul3A_1082 = vector.broadcast %slice3A_1080 : vector<2560x1xf32> to vector<2560x40xf32>
    %mul3A_1083 = arith.mulf %mul3A_1082, %convert_element_type3A_20 : vector<2560x40xf32>
    %dot_general3A_1084 = arith.constant dense<0.000000e+00> : vector<64x40xf32>
    %dot_general3A_1085 = tpu.matmul %convert_element_type3A_66, %mul3A_1083, %dot_general3A_1084 {dimension_numbers = #tpu.dot_dimension_numbers<[1], [0], [0], [1], [0, 0, 1, 1], [], []>, transpose_lhs_hint = false} : vector<64x2560xf32>, vector<2560x40xf32>, vector<64x40xf32> -> vector<64x40xf32>
    %dot_general3A_1086 = arith.constant dense<0.000000e+00> : vector<2560x40xf32>
    %dot_general3A_1087 = tpu.matmul %convert_element_type3A_102, %dot_general3A_1085, %dot_general3A_1086 {dimension_numbers = #tpu.dot_dimension_numbers<[1], [0], [0], [1], [0, 0, 1, 1], [], []>, transpose_lhs_hint = false} : vector<2560x64xf32>, vector<64x40xf32>, vector<2560x40xf32> -> vector<2560x40xf32>
    %add3A_1088 = vector.broadcast %slice3A_1081 : vector<2560x1xf32> to vector<2560x40xf32>
    %add3A_1089 = arith.addf %dot_general3A_1087, %add3A_1088 : vector<2560x40xf32>
    %ge3A_1090 = arith.constant 0.000000e+00 : f32
    %ge3A_1091 = vector.broadcast %ge3A_1090 : f32 to vector<2560x40xf32>
    %ge3A_1092 = arith.cmpf oge, %add3A_1089, %ge3A_1091 : vector<2560x40xf32>
    %mul3A_1093 = arith.constant 2.000000e-01 : f32
    %mul3A_1094 = vector.broadcast %mul3A_1093 : f32 to vector<2560x40xf32>
    %mul3A_1095 = arith.mulf %mul3A_1094, %add3A_1089 : vector<2560x40xf32>
    %select_n3A_1096 = arith.select %ge3A_1092, %add3A_1089, %mul3A_1095 : vector<2560x40xi1>, vector<2560x40xf32>
    %reduce_max3A_1097 = arith.constant dense<0xFF800000> : vector<2560xf32>
    %reduce_max3A_1098 = vector.multi_reduction <maximumf>, %select_n3A_1096, %reduce_max3A_1097 [1] : vector<2560x40xf32> to vector<2560xf32>
    %broadcast_in_dim3A_1099 = vector.shape_cast %reduce_max3A_1098 : vector<2560xf32> to vector<2560x1xf32>
    %max3A_1100 = arith.constant 0.000000e+00 : f32
    %max3A_1101 = vector.broadcast %max3A_1100 : f32 to vector<2560x1xf32>
    %max3A_1102 = arith.maximumf %broadcast_in_dim3A_1099, %max3A_1101 : vector<2560x1xf32>
    %sub3A_1103 = vector.broadcast %max3A_1102 : vector<2560x1xf32> to vector<2560x40xf32>
    %sub3A_1104 = arith.subf %select_n3A_1096, %sub3A_1103 : vector<2560x40xf32>
    %exp3A_1105 = math.exp %sub3A_1104 : vector<2560x40xf32>
    %mul3A_1106 = arith.mulf %add3A_31, %exp3A_1105 : vector<2560x40xf32>
    %jit3A_1107 = arith.constant 0.000000e+00 : f32
    %broadcast_in_dim3A_1108 = vector.broadcast %jit3A_1107 : f32 to vector<2560x40xf32>
    %select_n3A_1109 = arith.select %gt3A_33, %mul3A_1106, %broadcast_in_dim3A_1108 : vector<2560x40xi1>, vector<2560x40xf32>
    %concatenate3A_1110 = tpu.concatenate %slice3A_1079, %broadcast_in_dim3A_104 in 1 : vector<2560x9xf32>, vector<2560x1xf32> -> vector<2560x10xf32>
    %slice3A_1111 = vector.extract_strided_slice %select_n3A_1109 {offsets = [0, 0], sizes = [40, 40], strides = [1, 1]} : vector<2560x40xf32> to vector<40x40xf32>
    %slice3A_1112 = vector.extract_strided_slice %concatenate3A_1110 {offsets = [0, 0], sizes = [40, 10], strides = [1, 1]} : vector<2560x10xf32> to vector<40x10xf32>
    %dot_general3A_1113 = arith.constant dense<0.000000e+00> : vector<40x10xf32>
    %dot_general3A_1114 = tpu.matmul %slice3A_1111, %slice3A_1112, %dot_general3A_1113 {dimension_numbers = #tpu.dot_dimension_numbers<[1], [0], [0], [1], [0, 0, 1, 1], [], []>, transpose_lhs_hint = false} : vector<40x40xf32>, vector<40x10xf32>, vector<40x10xf32> -> vector<40x10xf32>
    %slice3A_1115 = vector.extract_strided_slice %select_n3A_1109 {offsets = [40, 0], sizes = [40, 40], strides = [1, 1]} : vector<2560x40xf32> to vector<40x40xf32>
    %slice3A_1116 = vector.extract_strided_slice %concatenate3A_1110 {offsets = [40, 0], sizes = [40, 10], strides = [1, 1]} : vector<2560x10xf32> to vector<40x10xf32>
    %dot_general3A_1117 = arith.constant dense<0.000000e+00> : vector<40x10xf32>
    %dot_general3A_1118 = tpu.matmul %slice3A_1115, %slice3A_1116, %dot_general3A_1117 {dimension_numbers = #tpu.dot_dimension_numbers<[1], [0], [0], [1], [0, 0, 1, 1], [], []>, transpose_lhs_hint = false} : vector<40x40xf32>, vector<40x10xf32>, vector<40x10xf32> -> vector<40x10xf32>
    %slice3A_1119 = vector.extract_strided_slice %select_n3A_1109 {offsets = [80, 0], sizes = [40, 40], strides = [1, 1]} : vector<2560x40xf32> to vector<40x40xf32>
    %slice3A_1120 = vector.extract_strided_slice %concatenate3A_1110 {offsets = [80, 0], sizes = [40, 10], strides = [1, 1]} : vector<2560x10xf32> to vector<40x10xf32>
    %dot_general3A_1121 = arith.constant dense<0.000000e+00> : vector<40x10xf32>
    %dot_general3A_1122 = tpu.matmul %slice3A_1119, %slice3A_1120, %dot_general3A_1121 {dimension_numbers = #tpu.dot_dimension_numbers<[1], [0], [0], [1], [0, 0, 1, 1], [], []>, transpose_lhs_hint = false} : vector<40x40xf32>, vector<40x10xf32>, vector<40x10xf32> -> vector<40x10xf32>
    %slice3A_1123 = vector.extract_strided_slice %select_n3A_1109 {offsets = [120, 0], sizes = [40, 40], strides = [1, 1]} : vector<2560x40xf32> to vector<40x40xf32>
    %slice3A_1124 = vector.extract_strided_slice %concatenate3A_1110 {offsets = [120, 0], sizes = [40, 10], strides = [1, 1]} : vector<2560x10xf32> to vector<40x10xf32>
    %dot_general3A_1125 = arith.constant dense<0.000000e+00> : vector<40x10xf32>
    %dot_general3A_1126 = tpu.matmul %slice3A_1123, %slice3A_1124, %dot_general3A_1125 {dimension_numbers = #tpu.dot_dimension_numbers<[1], [0], [0], [1], [0, 0, 1, 1], [], []>, transpose_lhs_hint = false} : vector<40x40xf32>, vector<40x10xf32>, vector<40x10xf32> -> vector<40x10xf32>
    %slice3A_1127 = vector.extract_strided_slice %select_n3A_1109 {offsets = [160, 0], sizes = [40, 40], strides = [1, 1]} : vector<2560x40xf32> to vector<40x40xf32>
    %slice3A_1128 = vector.extract_strided_slice %concatenate3A_1110 {offsets = [160, 0], sizes = [40, 10], strides = [1, 1]} : vector<2560x10xf32> to vector<40x10xf32>
    %dot_general3A_1129 = arith.constant dense<0.000000e+00> : vector<40x10xf32>
    %dot_general3A_1130 = tpu.matmul %slice3A_1127, %slice3A_1128, %dot_general3A_1129 {dimension_numbers = #tpu.dot_dimension_numbers<[1], [0], [0], [1], [0, 0, 1, 1], [], []>, transpose_lhs_hint = false} : vector<40x40xf32>, vector<40x10xf32>, vector<40x10xf32> -> vector<40x10xf32>
    %slice3A_1131 = vector.extract_strided_slice %select_n3A_1109 {offsets = [200, 0], sizes = [40, 40], strides = [1, 1]} : vector<2560x40xf32> to vector<40x40xf32>
    %slice3A_1132 = vector.extract_strided_slice %concatenate3A_1110 {offsets = [200, 0], sizes = [40, 10], strides = [1, 1]} : vector<2560x10xf32> to vector<40x10xf32>
    %dot_general3A_1133 = arith.constant dense<0.000000e+00> : vector<40x10xf32>
    %dot_general3A_1134 = tpu.matmul %slice3A_1131, %slice3A_1132, %dot_general3A_1133 {dimension_numbers = #tpu.dot_dimension_numbers<[1], [0], [0], [1], [0, 0, 1, 1], [], []>, transpose_lhs_hint = false} : vector<40x40xf32>, vector<40x10xf32>, vector<40x10xf32> -> vector<40x10xf32>
    %slice3A_1135 = vector.extract_strided_slice %select_n3A_1109 {offsets = [240, 0], sizes = [40, 40], strides = [1, 1]} : vector<2560x40xf32> to vector<40x40xf32>
    %slice3A_1136 = vector.extract_strided_slice %concatenate3A_1110 {offsets = [240, 0], sizes = [40, 10], strides = [1, 1]} : vector<2560x10xf32> to vector<40x10xf32>
    %dot_general3A_1137 = arith.constant dense<0.000000e+00> : vector<40x10xf32>
    %dot_general3A_1138 = tpu.matmul %slice3A_1135, %slice3A_1136, %dot_general3A_1137 {dimension_numbers = #tpu.dot_dimension_numbers<[1], [0], [0], [1], [0, 0, 1, 1], [], []>, transpose_lhs_hint = false} : vector<40x40xf32>, vector<40x10xf32>, vector<40x10xf32> -> vector<40x10xf32>
    %slice3A_1139 = vector.extract_strided_slice %select_n3A_1109 {offsets = [280, 0], sizes = [40, 40], strides = [1, 1]} : vector<2560x40xf32> to vector<40x40xf32>
    %slice3A_1140 = vector.extract_strided_slice %concatenate3A_1110 {offsets = [280, 0], sizes = [40, 10], strides = [1, 1]} : vector<2560x10xf32> to vector<40x10xf32>
    %dot_general3A_1141 = arith.constant dense<0.000000e+00> : vector<40x10xf32>
    %dot_general3A_1142 = tpu.matmul %slice3A_1139, %slice3A_1140, %dot_general3A_1141 {dimension_numbers = #tpu.dot_dimension_numbers<[1], [0], [0], [1], [0, 0, 1, 1], [], []>, transpose_lhs_hint = false} : vector<40x40xf32>, vector<40x10xf32>, vector<40x10xf32> -> vector<40x10xf32>
    %slice3A_1143 = vector.extract_strided_slice %select_n3A_1109 {offsets = [320, 0], sizes = [40, 40], strides = [1, 1]} : vector<2560x40xf32> to vector<40x40xf32>
    %slice3A_1144 = vector.extract_strided_slice %concatenate3A_1110 {offsets = [320, 0], sizes = [40, 10], strides = [1, 1]} : vector<2560x10xf32> to vector<40x10xf32>
    %dot_general3A_1145 = arith.constant dense<0.000000e+00> : vector<40x10xf32>
    %dot_general3A_1146 = tpu.matmul %slice3A_1143, %slice3A_1144, %dot_general3A_1145 {dimension_numbers = #tpu.dot_dimension_numbers<[1], [0], [0], [1], [0, 0, 1, 1], [], []>, transpose_lhs_hint = false} : vector<40x40xf32>, vector<40x10xf32>, vector<40x10xf32> -> vector<40x10xf32>
    %slice3A_1147 = vector.extract_strided_slice %select_n3A_1109 {offsets = [360, 0], sizes = [40, 40], strides = [1, 1]} : vector<2560x40xf32> to vector<40x40xf32>
    %slice3A_1148 = vector.extract_strided_slice %concatenate3A_1110 {offsets = [360, 0], sizes = [40, 10], strides = [1, 1]} : vector<2560x10xf32> to vector<40x10xf32>
    %dot_general3A_1149 = arith.constant dense<0.000000e+00> : vector<40x10xf32>
    %dot_general3A_1150 = tpu.matmul %slice3A_1147, %slice3A_1148, %dot_general3A_1149 {dimension_numbers = #tpu.dot_dimension_numbers<[1], [0], [0], [1], [0, 0, 1, 1], [], []>, transpose_lhs_hint = false} : vector<40x40xf32>, vector<40x10xf32>, vector<40x10xf32> -> vector<40x10xf32>
    %slice3A_1151 = vector.extract_strided_slice %select_n3A_1109 {offsets = [400, 0], sizes = [40, 40], strides = [1, 1]} : vector<2560x40xf32> to vector<40x40xf32>
    %slice3A_1152 = vector.extract_strided_slice %concatenate3A_1110 {offsets = [400, 0], sizes = [40, 10], strides = [1, 1]} : vector<2560x10xf32> to vector<40x10xf32>
    %dot_general3A_1153 = arith.constant dense<0.000000e+00> : vector<40x10xf32>
    %dot_general3A_1154 = tpu.matmul %slice3A_1151, %slice3A_1152, %dot_general3A_1153 {dimension_numbers = #tpu.dot_dimension_numbers<[1], [0], [0], [1], [0, 0, 1, 1], [], []>, transpose_lhs_hint = false} : vector<40x40xf32>, vector<40x10xf32>, vector<40x10xf32> -> vector<40x10xf32>
    %slice3A_1155 = vector.extract_strided_slice %select_n3A_1109 {offsets = [440, 0], sizes = [40, 40], strides = [1, 1]} : vector<2560x40xf32> to vector<40x40xf32>
    %slice3A_1156 = vector.extract_strided_slice %concatenate3A_1110 {offsets = [440, 0], sizes = [40, 10], strides = [1, 1]} : vector<2560x10xf32> to vector<40x10xf32>
    %dot_general3A_1157 = arith.constant dense<0.000000e+00> : vector<40x10xf32>
    %dot_general3A_1158 = tpu.matmul %slice3A_1155, %slice3A_1156, %dot_general3A_1157 {dimension_numbers = #tpu.dot_dimension_numbers<[1], [0], [0], [1], [0, 0, 1, 1], [], []>, transpose_lhs_hint = false} : vector<40x40xf32>, vector<40x10xf32>, vector<40x10xf32> -> vector<40x10xf32>
    %slice3A_1159 = vector.extract_strided_slice %select_n3A_1109 {offsets = [480, 0], sizes = [40, 40], strides = [1, 1]} : vector<2560x40xf32> to vector<40x40xf32>
    %slice3A_1160 = vector.extract_strided_slice %concatenate3A_1110 {offsets = [480, 0], sizes = [40, 10], strides = [1, 1]} : vector<2560x10xf32> to vector<40x10xf32>
    %dot_general3A_1161 = arith.constant dense<0.000000e+00> : vector<40x10xf32>
    %dot_general3A_1162 = tpu.matmul %slice3A_1159, %slice3A_1160, %dot_general3A_1161 {dimension_numbers = #tpu.dot_dimension_numbers<[1], [0], [0], [1], [0, 0, 1, 1], [], []>, transpose_lhs_hint = false} : vector<40x40xf32>, vector<40x10xf32>, vector<40x10xf32> -> vector<40x10xf32>
    %slice3A_1163 = vector.extract_strided_slice %select_n3A_1109 {offsets = [520, 0], sizes = [40, 40], strides = [1, 1]} : vector<2560x40xf32> to vector<40x40xf32>
    %slice3A_1164 = vector.extract_strided_slice %concatenate3A_1110 {offsets = [520, 0], sizes = [40, 10], strides = [1, 1]} : vector<2560x10xf32> to vector<40x10xf32>
    %dot_general3A_1165 = arith.constant dense<0.000000e+00> : vector<40x10xf32>
    %dot_general3A_1166 = tpu.matmul %slice3A_1163, %slice3A_1164, %dot_general3A_1165 {dimension_numbers = #tpu.dot_dimension_numbers<[1], [0], [0], [1], [0, 0, 1, 1], [], []>, transpose_lhs_hint = false} : vector<40x40xf32>, vector<40x10xf32>, vector<40x10xf32> -> vector<40x10xf32>
    %slice3A_1167 = vector.extract_strided_slice %select_n3A_1109 {offsets = [560, 0], sizes = [40, 40], strides = [1, 1]} : vector<2560x40xf32> to vector<40x40xf32>
    %slice3A_1168 = vector.extract_strided_slice %concatenate3A_1110 {offsets = [560, 0], sizes = [40, 10], strides = [1, 1]} : vector<2560x10xf32> to vector<40x10xf32>
    %dot_general3A_1169 = arith.constant dense<0.000000e+00> : vector<40x10xf32>
    %dot_general3A_1170 = tpu.matmul %slice3A_1167, %slice3A_1168, %dot_general3A_1169 {dimension_numbers = #tpu.dot_dimension_numbers<[1], [0], [0], [1], [0, 0, 1, 1], [], []>, transpose_lhs_hint = false} : vector<40x40xf32>, vector<40x10xf32>, vector<40x10xf32> -> vector<40x10xf32>
    %slice3A_1171 = vector.extract_strided_slice %select_n3A_1109 {offsets = [600, 0], sizes = [40, 40], strides = [1, 1]} : vector<2560x40xf32> to vector<40x40xf32>
    %slice3A_1172 = vector.extract_strided_slice %concatenate3A_1110 {offsets = [600, 0], sizes = [40, 10], strides = [1, 1]} : vector<2560x10xf32> to vector<40x10xf32>
    %dot_general3A_1173 = arith.constant dense<0.000000e+00> : vector<40x10xf32>
    %dot_general3A_1174 = tpu.matmul %slice3A_1171, %slice3A_1172, %dot_general3A_1173 {dimension_numbers = #tpu.dot_dimension_numbers<[1], [0], [0], [1], [0, 0, 1, 1], [], []>, transpose_lhs_hint = false} : vector<40x40xf32>, vector<40x10xf32>, vector<40x10xf32> -> vector<40x10xf32>
    %slice3A_1175 = vector.extract_strided_slice %select_n3A_1109 {offsets = [640, 0], sizes = [40, 40], strides = [1, 1]} : vector<2560x40xf32> to vector<40x40xf32>
    %slice3A_1176 = vector.extract_strided_slice %concatenate3A_1110 {offsets = [640, 0], sizes = [40, 10], strides = [1, 1]} : vector<2560x10xf32> to vector<40x10xf32>
    %dot_general3A_1177 = arith.constant dense<0.000000e+00> : vector<40x10xf32>
    %dot_general3A_1178 = tpu.matmul %slice3A_1175, %slice3A_1176, %dot_general3A_1177 {dimension_numbers = #tpu.dot_dimension_numbers<[1], [0], [0], [1], [0, 0, 1, 1], [], []>, transpose_lhs_hint = false} : vector<40x40xf32>, vector<40x10xf32>, vector<40x10xf32> -> vector<40x10xf32>
    %slice3A_1179 = vector.extract_strided_slice %select_n3A_1109 {offsets = [680, 0], sizes = [40, 40], strides = [1, 1]} : vector<2560x40xf32> to vector<40x40xf32>
    %slice3A_1180 = vector.extract_strided_slice %concatenate3A_1110 {offsets = [680, 0], sizes = [40, 10], strides = [1, 1]} : vector<2560x10xf32> to vector<40x10xf32>
    %dot_general3A_1181 = arith.constant dense<0.000000e+00> : vector<40x10xf32>
    %dot_general3A_1182 = tpu.matmul %slice3A_1179, %slice3A_1180, %dot_general3A_1181 {dimension_numbers = #tpu.dot_dimension_numbers<[1], [0], [0], [1], [0, 0, 1, 1], [], []>, transpose_lhs_hint = false} : vector<40x40xf32>, vector<40x10xf32>, vector<40x10xf32> -> vector<40x10xf32>
    %slice3A_1183 = vector.extract_strided_slice %select_n3A_1109 {offsets = [720, 0], sizes = [40, 40], strides = [1, 1]} : vector<2560x40xf32> to vector<40x40xf32>
    %slice3A_1184 = vector.extract_strided_slice %concatenate3A_1110 {offsets = [720, 0], sizes = [40, 10], strides = [1, 1]} : vector<2560x10xf32> to vector<40x10xf32>
    %dot_general3A_1185 = arith.constant dense<0.000000e+00> : vector<40x10xf32>
    %dot_general3A_1186 = tpu.matmul %slice3A_1183, %slice3A_1184, %dot_general3A_1185 {dimension_numbers = #tpu.dot_dimension_numbers<[1], [0], [0], [1], [0, 0, 1, 1], [], []>, transpose_lhs_hint = false} : vector<40x40xf32>, vector<40x10xf32>, vector<40x10xf32> -> vector<40x10xf32>
    %slice3A_1187 = vector.extract_strided_slice %select_n3A_1109 {offsets = [760, 0], sizes = [40, 40], strides = [1, 1]} : vector<2560x40xf32> to vector<40x40xf32>
    %slice3A_1188 = vector.extract_strided_slice %concatenate3A_1110 {offsets = [760, 0], sizes = [40, 10], strides = [1, 1]} : vector<2560x10xf32> to vector<40x10xf32>
    %dot_general3A_1189 = arith.constant dense<0.000000e+00> : vector<40x10xf32>
    %dot_general3A_1190 = tpu.matmul %slice3A_1187, %slice3A_1188, %dot_general3A_1189 {dimension_numbers = #tpu.dot_dimension_numbers<[1], [0], [0], [1], [0, 0, 1, 1], [], []>, transpose_lhs_hint = false} : vector<40x40xf32>, vector<40x10xf32>, vector<40x10xf32> -> vector<40x10xf32>
    %slice3A_1191 = vector.extract_strided_slice %select_n3A_1109 {offsets = [800, 0], sizes = [40, 40], strides = [1, 1]} : vector<2560x40xf32> to vector<40x40xf32>
    %slice3A_1192 = vector.extract_strided_slice %concatenate3A_1110 {offsets = [800, 0], sizes = [40, 10], strides = [1, 1]} : vector<2560x10xf32> to vector<40x10xf32>
    %dot_general3A_1193 = arith.constant dense<0.000000e+00> : vector<40x10xf32>
    %dot_general3A_1194 = tpu.matmul %slice3A_1191, %slice3A_1192, %dot_general3A_1193 {dimension_numbers = #tpu.dot_dimension_numbers<[1], [0], [0], [1], [0, 0, 1, 1], [], []>, transpose_lhs_hint = false} : vector<40x40xf32>, vector<40x10xf32>, vector<40x10xf32> -> vector<40x10xf32>
    %slice3A_1195 = vector.extract_strided_slice %select_n3A_1109 {offsets = [840, 0], sizes = [40, 40], strides = [1, 1]} : vector<2560x40xf32> to vector<40x40xf32>
    %slice3A_1196 = vector.extract_strided_slice %concatenate3A_1110 {offsets = [840, 0], sizes = [40, 10], strides = [1, 1]} : vector<2560x10xf32> to vector<40x10xf32>
    %dot_general3A_1197 = arith.constant dense<0.000000e+00> : vector<40x10xf32>
    %dot_general3A_1198 = tpu.matmul %slice3A_1195, %slice3A_1196, %dot_general3A_1197 {dimension_numbers = #tpu.dot_dimension_numbers<[1], [0], [0], [1], [0, 0, 1, 1], [], []>, transpose_lhs_hint = false} : vector<40x40xf32>, vector<40x10xf32>, vector<40x10xf32> -> vector<40x10xf32>
    %slice3A_1199 = vector.extract_strided_slice %select_n3A_1109 {offsets = [880, 0], sizes = [40, 40], strides = [1, 1]} : vector<2560x40xf32> to vector<40x40xf32>
    %slice3A_1200 = vector.extract_strided_slice %concatenate3A_1110 {offsets = [880, 0], sizes = [40, 10], strides = [1, 1]} : vector<2560x10xf32> to vector<40x10xf32>
    %dot_general3A_1201 = arith.constant dense<0.000000e+00> : vector<40x10xf32>
    %dot_general3A_1202 = tpu.matmul %slice3A_1199, %slice3A_1200, %dot_general3A_1201 {dimension_numbers = #tpu.dot_dimension_numbers<[1], [0], [0], [1], [0, 0, 1, 1], [], []>, transpose_lhs_hint = false} : vector<40x40xf32>, vector<40x10xf32>, vector<40x10xf32> -> vector<40x10xf32>
    %slice3A_1203 = vector.extract_strided_slice %select_n3A_1109 {offsets = [920, 0], sizes = [40, 40], strides = [1, 1]} : vector<2560x40xf32> to vector<40x40xf32>
    %slice3A_1204 = vector.extract_strided_slice %concatenate3A_1110 {offsets = [920, 0], sizes = [40, 10], strides = [1, 1]} : vector<2560x10xf32> to vector<40x10xf32>
    %dot_general3A_1205 = arith.constant dense<0.000000e+00> : vector<40x10xf32>
    %dot_general3A_1206 = tpu.matmul %slice3A_1203, %slice3A_1204, %dot_general3A_1205 {dimension_numbers = #tpu.dot_dimension_numbers<[1], [0], [0], [1], [0, 0, 1, 1], [], []>, transpose_lhs_hint = false} : vector<40x40xf32>, vector<40x10xf32>, vector<40x10xf32> -> vector<40x10xf32>
    %slice3A_1207 = vector.extract_strided_slice %select_n3A_1109 {offsets = [960, 0], sizes = [40, 40], strides = [1, 1]} : vector<2560x40xf32> to vector<40x40xf32>
    %slice3A_1208 = vector.extract_strided_slice %concatenate3A_1110 {offsets = [960, 0], sizes = [40, 10], strides = [1, 1]} : vector<2560x10xf32> to vector<40x10xf32>
    %dot_general3A_1209 = arith.constant dense<0.000000e+00> : vector<40x10xf32>
    %dot_general3A_1210 = tpu.matmul %slice3A_1207, %slice3A_1208, %dot_general3A_1209 {dimension_numbers = #tpu.dot_dimension_numbers<[1], [0], [0], [1], [0, 0, 1, 1], [], []>, transpose_lhs_hint = false} : vector<40x40xf32>, vector<40x10xf32>, vector<40x10xf32> -> vector<40x10xf32>
    %slice3A_1211 = vector.extract_strided_slice %select_n3A_1109 {offsets = [1000, 0], sizes = [40, 40], strides = [1, 1]} : vector<2560x40xf32> to vector<40x40xf32>
    %slice3A_1212 = vector.extract_strided_slice %concatenate3A_1110 {offsets = [1000, 0], sizes = [40, 10], strides = [1, 1]} : vector<2560x10xf32> to vector<40x10xf32>
    %dot_general3A_1213 = arith.constant dense<0.000000e+00> : vector<40x10xf32>
    %dot_general3A_1214 = tpu.matmul %slice3A_1211, %slice3A_1212, %dot_general3A_1213 {dimension_numbers = #tpu.dot_dimension_numbers<[1], [0], [0], [1], [0, 0, 1, 1], [], []>, transpose_lhs_hint = false} : vector<40x40xf32>, vector<40x10xf32>, vector<40x10xf32> -> vector<40x10xf32>
    %slice3A_1215 = vector.extract_strided_slice %select_n3A_1109 {offsets = [1040, 0], sizes = [40, 40], strides = [1, 1]} : vector<2560x40xf32> to vector<40x40xf32>
    %slice3A_1216 = vector.extract_strided_slice %concatenate3A_1110 {offsets = [1040, 0], sizes = [40, 10], strides = [1, 1]} : vector<2560x10xf32> to vector<40x10xf32>
    %dot_general3A_1217 = arith.constant dense<0.000000e+00> : vector<40x10xf32>
    %dot_general3A_1218 = tpu.matmul %slice3A_1215, %slice3A_1216, %dot_general3A_1217 {dimension_numbers = #tpu.dot_dimension_numbers<[1], [0], [0], [1], [0, 0, 1, 1], [], []>, transpose_lhs_hint = false} : vector<40x40xf32>, vector<40x10xf32>, vector<40x10xf32> -> vector<40x10xf32>
    %slice3A_1219 = vector.extract_strided_slice %select_n3A_1109 {offsets = [1080, 0], sizes = [40, 40], strides = [1, 1]} : vector<2560x40xf32> to vector<40x40xf32>
    %slice3A_1220 = vector.extract_strided_slice %concatenate3A_1110 {offsets = [1080, 0], sizes = [40, 10], strides = [1, 1]} : vector<2560x10xf32> to vector<40x10xf32>
    %dot_general3A_1221 = arith.constant dense<0.000000e+00> : vector<40x10xf32>
    %dot_general3A_1222 = tpu.matmul %slice3A_1219, %slice3A_1220, %dot_general3A_1221 {dimension_numbers = #tpu.dot_dimension_numbers<[1], [0], [0], [1], [0, 0, 1, 1], [], []>, transpose_lhs_hint = false} : vector<40x40xf32>, vector<40x10xf32>, vector<40x10xf32> -> vector<40x10xf32>
    %slice3A_1223 = vector.extract_strided_slice %select_n3A_1109 {offsets = [1120, 0], sizes = [40, 40], strides = [1, 1]} : vector<2560x40xf32> to vector<40x40xf32>
    %slice3A_1224 = vector.extract_strided_slice %concatenate3A_1110 {offsets = [1120, 0], sizes = [40, 10], strides = [1, 1]} : vector<2560x10xf32> to vector<40x10xf32>
    %dot_general3A_1225 = arith.constant dense<0.000000e+00> : vector<40x10xf32>
    %dot_general3A_1226 = tpu.matmul %slice3A_1223, %slice3A_1224, %dot_general3A_1225 {dimension_numbers = #tpu.dot_dimension_numbers<[1], [0], [0], [1], [0, 0, 1, 1], [], []>, transpose_lhs_hint = false} : vector<40x40xf32>, vector<40x10xf32>, vector<40x10xf32> -> vector<40x10xf32>
    %slice3A_1227 = vector.extract_strided_slice %select_n3A_1109 {offsets = [1160, 0], sizes = [40, 40], strides = [1, 1]} : vector<2560x40xf32> to vector<40x40xf32>
    %slice3A_1228 = vector.extract_strided_slice %concatenate3A_1110 {offsets = [1160, 0], sizes = [40, 10], strides = [1, 1]} : vector<2560x10xf32> to vector<40x10xf32>
    %dot_general3A_1229 = arith.constant dense<0.000000e+00> : vector<40x10xf32>
    %dot_general3A_1230 = tpu.matmul %slice3A_1227, %slice3A_1228, %dot_general3A_1229 {dimension_numbers = #tpu.dot_dimension_numbers<[1], [0], [0], [1], [0, 0, 1, 1], [], []>, transpose_lhs_hint = false} : vector<40x40xf32>, vector<40x10xf32>, vector<40x10xf32> -> vector<40x10xf32>
    %slice3A_1231 = vector.extract_strided_slice %select_n3A_1109 {offsets = [1200, 0], sizes = [40, 40], strides = [1, 1]} : vector<2560x40xf32> to vector<40x40xf32>
    %slice3A_1232 = vector.extract_strided_slice %concatenate3A_1110 {offsets = [1200, 0], sizes = [40, 10], strides = [1, 1]} : vector<2560x10xf32> to vector<40x10xf32>
    %dot_general3A_1233 = arith.constant dense<0.000000e+00> : vector<40x10xf32>
    %dot_general3A_1234 = tpu.matmul %slice3A_1231, %slice3A_1232, %dot_general3A_1233 {dimension_numbers = #tpu.dot_dimension_numbers<[1], [0], [0], [1], [0, 0, 1, 1], [], []>, transpose_lhs_hint = false} : vector<40x40xf32>, vector<40x10xf32>, vector<40x10xf32> -> vector<40x10xf32>
    %slice3A_1235 = vector.extract_strided_slice %select_n3A_1109 {offsets = [1240, 0], sizes = [40, 40], strides = [1, 1]} : vector<2560x40xf32> to vector<40x40xf32>
    %slice3A_1236 = vector.extract_strided_slice %concatenate3A_1110 {offsets = [1240, 0], sizes = [40, 10], strides = [1, 1]} : vector<2560x10xf32> to vector<40x10xf32>
    %dot_general3A_1237 = arith.constant dense<0.000000e+00> : vector<40x10xf32>
    %dot_general3A_1238 = tpu.matmul %slice3A_1235, %slice3A_1236, %dot_general3A_1237 {dimension_numbers = #tpu.dot_dimension_numbers<[1], [0], [0], [1], [0, 0, 1, 1], [], []>, transpose_lhs_hint = false} : vector<40x40xf32>, vector<40x10xf32>, vector<40x10xf32> -> vector<40x10xf32>
    %slice3A_1239 = vector.extract_strided_slice %select_n3A_1109 {offsets = [1280, 0], sizes = [40, 40], strides = [1, 1]} : vector<2560x40xf32> to vector<40x40xf32>
    %slice3A_1240 = vector.extract_strided_slice %concatenate3A_1110 {offsets = [1280, 0], sizes = [40, 10], strides = [1, 1]} : vector<2560x10xf32> to vector<40x10xf32>
    %dot_general3A_1241 = arith.constant dense<0.000000e+00> : vector<40x10xf32>
    %dot_general3A_1242 = tpu.matmul %slice3A_1239, %slice3A_1240, %dot_general3A_1241 {dimension_numbers = #tpu.dot_dimension_numbers<[1], [0], [0], [1], [0, 0, 1, 1], [], []>, transpose_lhs_hint = false} : vector<40x40xf32>, vector<40x10xf32>, vector<40x10xf32> -> vector<40x10xf32>
    %slice3A_1243 = vector.extract_strided_slice %select_n3A_1109 {offsets = [1320, 0], sizes = [40, 40], strides = [1, 1]} : vector<2560x40xf32> to vector<40x40xf32>
    %slice3A_1244 = vector.extract_strided_slice %concatenate3A_1110 {offsets = [1320, 0], sizes = [40, 10], strides = [1, 1]} : vector<2560x10xf32> to vector<40x10xf32>
    %dot_general3A_1245 = arith.constant dense<0.000000e+00> : vector<40x10xf32>
    %dot_general3A_1246 = tpu.matmul %slice3A_1243, %slice3A_1244, %dot_general3A_1245 {dimension_numbers = #tpu.dot_dimension_numbers<[1], [0], [0], [1], [0, 0, 1, 1], [], []>, transpose_lhs_hint = false} : vector<40x40xf32>, vector<40x10xf32>, vector<40x10xf32> -> vector<40x10xf32>
    %slice3A_1247 = vector.extract_strided_slice %select_n3A_1109 {offsets = [1360, 0], sizes = [40, 40], strides = [1, 1]} : vector<2560x40xf32> to vector<40x40xf32>
    %slice3A_1248 = vector.extract_strided_slice %concatenate3A_1110 {offsets = [1360, 0], sizes = [40, 10], strides = [1, 1]} : vector<2560x10xf32> to vector<40x10xf32>
    %dot_general3A_1249 = arith.constant dense<0.000000e+00> : vector<40x10xf32>
    %dot_general3A_1250 = tpu.matmul %slice3A_1247, %slice3A_1248, %dot_general3A_1249 {dimension_numbers = #tpu.dot_dimension_numbers<[1], [0], [0], [1], [0, 0, 1, 1], [], []>, transpose_lhs_hint = false} : vector<40x40xf32>, vector<40x10xf32>, vector<40x10xf32> -> vector<40x10xf32>
    %slice3A_1251 = vector.extract_strided_slice %select_n3A_1109 {offsets = [1400, 0], sizes = [40, 40], strides = [1, 1]} : vector<2560x40xf32> to vector<40x40xf32>
    %slice3A_1252 = vector.extract_strided_slice %concatenate3A_1110 {offsets = [1400, 0], sizes = [40, 10], strides = [1, 1]} : vector<2560x10xf32> to vector<40x10xf32>
    %dot_general3A_1253 = arith.constant dense<0.000000e+00> : vector<40x10xf32>
    %dot_general3A_1254 = tpu.matmul %slice3A_1251, %slice3A_1252, %dot_general3A_1253 {dimension_numbers = #tpu.dot_dimension_numbers<[1], [0], [0], [1], [0, 0, 1, 1], [], []>, transpose_lhs_hint = false} : vector<40x40xf32>, vector<40x10xf32>, vector<40x10xf32> -> vector<40x10xf32>
    %slice3A_1255 = vector.extract_strided_slice %select_n3A_1109 {offsets = [1440, 0], sizes = [40, 40], strides = [1, 1]} : vector<2560x40xf32> to vector<40x40xf32>
    %slice3A_1256 = vector.extract_strided_slice %concatenate3A_1110 {offsets = [1440, 0], sizes = [40, 10], strides = [1, 1]} : vector<2560x10xf32> to vector<40x10xf32>
    %dot_general3A_1257 = arith.constant dense<0.000000e+00> : vector<40x10xf32>
    %dot_general3A_1258 = tpu.matmul %slice3A_1255, %slice3A_1256, %dot_general3A_1257 {dimension_numbers = #tpu.dot_dimension_numbers<[1], [0], [0], [1], [0, 0, 1, 1], [], []>, transpose_lhs_hint = false} : vector<40x40xf32>, vector<40x10xf32>, vector<40x10xf32> -> vector<40x10xf32>
    %slice3A_1259 = vector.extract_strided_slice %select_n3A_1109 {offsets = [1480, 0], sizes = [40, 40], strides = [1, 1]} : vector<2560x40xf32> to vector<40x40xf32>
    %slice3A_1260 = vector.extract_strided_slice %concatenate3A_1110 {offsets = [1480, 0], sizes = [40, 10], strides = [1, 1]} : vector<2560x10xf32> to vector<40x10xf32>
    %dot_general3A_1261 = arith.constant dense<0.000000e+00> : vector<40x10xf32>
    %dot_general3A_1262 = tpu.matmul %slice3A_1259, %slice3A_1260, %dot_general3A_1261 {dimension_numbers = #tpu.dot_dimension_numbers<[1], [0], [0], [1], [0, 0, 1, 1], [], []>, transpose_lhs_hint = false} : vector<40x40xf32>, vector<40x10xf32>, vector<40x10xf32> -> vector<40x10xf32>
    %slice3A_1263 = vector.extract_strided_slice %select_n3A_1109 {offsets = [1520, 0], sizes = [40, 40], strides = [1, 1]} : vector<2560x40xf32> to vector<40x40xf32>
    %slice3A_1264 = vector.extract_strided_slice %concatenate3A_1110 {offsets = [1520, 0], sizes = [40, 10], strides = [1, 1]} : vector<2560x10xf32> to vector<40x10xf32>
    %dot_general3A_1265 = arith.constant dense<0.000000e+00> : vector<40x10xf32>
    %dot_general3A_1266 = tpu.matmul %slice3A_1263, %slice3A_1264, %dot_general3A_1265 {dimension_numbers = #tpu.dot_dimension_numbers<[1], [0], [0], [1], [0, 0, 1, 1], [], []>, transpose_lhs_hint = false} : vector<40x40xf32>, vector<40x10xf32>, vector<40x10xf32> -> vector<40x10xf32>
    %slice3A_1267 = vector.extract_strided_slice %select_n3A_1109 {offsets = [1560, 0], sizes = [40, 40], strides = [1, 1]} : vector<2560x40xf32> to vector<40x40xf32>
    %slice3A_1268 = vector.extract_strided_slice %concatenate3A_1110 {offsets = [1560, 0], sizes = [40, 10], strides = [1, 1]} : vector<2560x10xf32> to vector<40x10xf32>
    %dot_general3A_1269 = arith.constant dense<0.000000e+00> : vector<40x10xf32>
    %dot_general3A_1270 = tpu.matmul %slice3A_1267, %slice3A_1268, %dot_general3A_1269 {dimension_numbers = #tpu.dot_dimension_numbers<[1], [0], [0], [1], [0, 0, 1, 1], [], []>, transpose_lhs_hint = false} : vector<40x40xf32>, vector<40x10xf32>, vector<40x10xf32> -> vector<40x10xf32>
    %slice3A_1271 = vector.extract_strided_slice %select_n3A_1109 {offsets = [1600, 0], sizes = [40, 40], strides = [1, 1]} : vector<2560x40xf32> to vector<40x40xf32>
    %slice3A_1272 = vector.extract_strided_slice %concatenate3A_1110 {offsets = [1600, 0], sizes = [40, 10], strides = [1, 1]} : vector<2560x10xf32> to vector<40x10xf32>
    %dot_general3A_1273 = arith.constant dense<0.000000e+00> : vector<40x10xf32>
    %dot_general3A_1274 = tpu.matmul %slice3A_1271, %slice3A_1272, %dot_general3A_1273 {dimension_numbers = #tpu.dot_dimension_numbers<[1], [0], [0], [1], [0, 0, 1, 1], [], []>, transpose_lhs_hint = false} : vector<40x40xf32>, vector<40x10xf32>, vector<40x10xf32> -> vector<40x10xf32>
    %slice3A_1275 = vector.extract_strided_slice %select_n3A_1109 {offsets = [1640, 0], sizes = [40, 40], strides = [1, 1]} : vector<2560x40xf32> to vector<40x40xf32>
    %slice3A_1276 = vector.extract_strided_slice %concatenate3A_1110 {offsets = [1640, 0], sizes = [40, 10], strides = [1, 1]} : vector<2560x10xf32> to vector<40x10xf32>
    %dot_general3A_1277 = arith.constant dense<0.000000e+00> : vector<40x10xf32>
    %dot_general3A_1278 = tpu.matmul %slice3A_1275, %slice3A_1276, %dot_general3A_1277 {dimension_numbers = #tpu.dot_dimension_numbers<[1], [0], [0], [1], [0, 0, 1, 1], [], []>, transpose_lhs_hint = false} : vector<40x40xf32>, vector<40x10xf32>, vector<40x10xf32> -> vector<40x10xf32>
    %slice3A_1279 = vector.extract_strided_slice %select_n3A_1109 {offsets = [1680, 0], sizes = [40, 40], strides = [1, 1]} : vector<2560x40xf32> to vector<40x40xf32>
    %slice3A_1280 = vector.extract_strided_slice %concatenate3A_1110 {offsets = [1680, 0], sizes = [40, 10], strides = [1, 1]} : vector<2560x10xf32> to vector<40x10xf32>
    %dot_general3A_1281 = arith.constant dense<0.000000e+00> : vector<40x10xf32>
    %dot_general3A_1282 = tpu.matmul %slice3A_1279, %slice3A_1280, %dot_general3A_1281 {dimension_numbers = #tpu.dot_dimension_numbers<[1], [0], [0], [1], [0, 0, 1, 1], [], []>, transpose_lhs_hint = false} : vector<40x40xf32>, vector<40x10xf32>, vector<40x10xf32> -> vector<40x10xf32>
    %slice3A_1283 = vector.extract_strided_slice %select_n3A_1109 {offsets = [1720, 0], sizes = [40, 40], strides = [1, 1]} : vector<2560x40xf32> to vector<40x40xf32>
    %slice3A_1284 = vector.extract_strided_slice %concatenate3A_1110 {offsets = [1720, 0], sizes = [40, 10], strides = [1, 1]} : vector<2560x10xf32> to vector<40x10xf32>
    %dot_general3A_1285 = arith.constant dense<0.000000e+00> : vector<40x10xf32>
    %dot_general3A_1286 = tpu.matmul %slice3A_1283, %slice3A_1284, %dot_general3A_1285 {dimension_numbers = #tpu.dot_dimension_numbers<[1], [0], [0], [1], [0, 0, 1, 1], [], []>, transpose_lhs_hint = false} : vector<40x40xf32>, vector<40x10xf32>, vector<40x10xf32> -> vector<40x10xf32>
    %slice3A_1287 = vector.extract_strided_slice %select_n3A_1109 {offsets = [1760, 0], sizes = [40, 40], strides = [1, 1]} : vector<2560x40xf32> to vector<40x40xf32>
    %slice3A_1288 = vector.extract_strided_slice %concatenate3A_1110 {offsets = [1760, 0], sizes = [40, 10], strides = [1, 1]} : vector<2560x10xf32> to vector<40x10xf32>
    %dot_general3A_1289 = arith.constant dense<0.000000e+00> : vector<40x10xf32>
    %dot_general3A_1290 = tpu.matmul %slice3A_1287, %slice3A_1288, %dot_general3A_1289 {dimension_numbers = #tpu.dot_dimension_numbers<[1], [0], [0], [1], [0, 0, 1, 1], [], []>, transpose_lhs_hint = false} : vector<40x40xf32>, vector<40x10xf32>, vector<40x10xf32> -> vector<40x10xf32>
    %slice3A_1291 = vector.extract_strided_slice %select_n3A_1109 {offsets = [1800, 0], sizes = [40, 40], strides = [1, 1]} : vector<2560x40xf32> to vector<40x40xf32>
    %slice3A_1292 = vector.extract_strided_slice %concatenate3A_1110 {offsets = [1800, 0], sizes = [40, 10], strides = [1, 1]} : vector<2560x10xf32> to vector<40x10xf32>
    %dot_general3A_1293 = arith.constant dense<0.000000e+00> : vector<40x10xf32>
    %dot_general3A_1294 = tpu.matmul %slice3A_1291, %slice3A_1292, %dot_general3A_1293 {dimension_numbers = #tpu.dot_dimension_numbers<[1], [0], [0], [1], [0, 0, 1, 1], [], []>, transpose_lhs_hint = false} : vector<40x40xf32>, vector<40x10xf32>, vector<40x10xf32> -> vector<40x10xf32>
    %slice3A_1295 = vector.extract_strided_slice %select_n3A_1109 {offsets = [1840, 0], sizes = [40, 40], strides = [1, 1]} : vector<2560x40xf32> to vector<40x40xf32>
    %slice3A_1296 = vector.extract_strided_slice %concatenate3A_1110 {offsets = [1840, 0], sizes = [40, 10], strides = [1, 1]} : vector<2560x10xf32> to vector<40x10xf32>
    %dot_general3A_1297 = arith.constant dense<0.000000e+00> : vector<40x10xf32>
    %dot_general3A_1298 = tpu.matmul %slice3A_1295, %slice3A_1296, %dot_general3A_1297 {dimension_numbers = #tpu.dot_dimension_numbers<[1], [0], [0], [1], [0, 0, 1, 1], [], []>, transpose_lhs_hint = false} : vector<40x40xf32>, vector<40x10xf32>, vector<40x10xf32> -> vector<40x10xf32>
    %slice3A_1299 = vector.extract_strided_slice %select_n3A_1109 {offsets = [1880, 0], sizes = [40, 40], strides = [1, 1]} : vector<2560x40xf32> to vector<40x40xf32>
    %slice3A_1300 = vector.extract_strided_slice %concatenate3A_1110 {offsets = [1880, 0], sizes = [40, 10], strides = [1, 1]} : vector<2560x10xf32> to vector<40x10xf32>
    %dot_general3A_1301 = arith.constant dense<0.000000e+00> : vector<40x10xf32>
    %dot_general3A_1302 = tpu.matmul %slice3A_1299, %slice3A_1300, %dot_general3A_1301 {dimension_numbers = #tpu.dot_dimension_numbers<[1], [0], [0], [1], [0, 0, 1, 1], [], []>, transpose_lhs_hint = false} : vector<40x40xf32>, vector<40x10xf32>, vector<40x10xf32> -> vector<40x10xf32>
    %slice3A_1303 = vector.extract_strided_slice %select_n3A_1109 {offsets = [1920, 0], sizes = [40, 40], strides = [1, 1]} : vector<2560x40xf32> to vector<40x40xf32>
    %slice3A_1304 = vector.extract_strided_slice %concatenate3A_1110 {offsets = [1920, 0], sizes = [40, 10], strides = [1, 1]} : vector<2560x10xf32> to vector<40x10xf32>
    %dot_general3A_1305 = arith.constant dense<0.000000e+00> : vector<40x10xf32>
    %dot_general3A_1306 = tpu.matmul %slice3A_1303, %slice3A_1304, %dot_general3A_1305 {dimension_numbers = #tpu.dot_dimension_numbers<[1], [0], [0], [1], [0, 0, 1, 1], [], []>, transpose_lhs_hint = false} : vector<40x40xf32>, vector<40x10xf32>, vector<40x10xf32> -> vector<40x10xf32>
    %slice3A_1307 = vector.extract_strided_slice %select_n3A_1109 {offsets = [1960, 0], sizes = [40, 40], strides = [1, 1]} : vector<2560x40xf32> to vector<40x40xf32>
    %slice3A_1308 = vector.extract_strided_slice %concatenate3A_1110 {offsets = [1960, 0], sizes = [40, 10], strides = [1, 1]} : vector<2560x10xf32> to vector<40x10xf32>
    %dot_general3A_1309 = arith.constant dense<0.000000e+00> : vector<40x10xf32>
    %dot_general3A_1310 = tpu.matmul %slice3A_1307, %slice3A_1308, %dot_general3A_1309 {dimension_numbers = #tpu.dot_dimension_numbers<[1], [0], [0], [1], [0, 0, 1, 1], [], []>, transpose_lhs_hint = false} : vector<40x40xf32>, vector<40x10xf32>, vector<40x10xf32> -> vector<40x10xf32>
    %slice3A_1311 = vector.extract_strided_slice %select_n3A_1109 {offsets = [2000, 0], sizes = [40, 40], strides = [1, 1]} : vector<2560x40xf32> to vector<40x40xf32>
    %slice3A_1312 = vector.extract_strided_slice %concatenate3A_1110 {offsets = [2000, 0], sizes = [40, 10], strides = [1, 1]} : vector<2560x10xf32> to vector<40x10xf32>
    %dot_general3A_1313 = arith.constant dense<0.000000e+00> : vector<40x10xf32>
    %dot_general3A_1314 = tpu.matmul %slice3A_1311, %slice3A_1312, %dot_general3A_1313 {dimension_numbers = #tpu.dot_dimension_numbers<[1], [0], [0], [1], [0, 0, 1, 1], [], []>, transpose_lhs_hint = false} : vector<40x40xf32>, vector<40x10xf32>, vector<40x10xf32> -> vector<40x10xf32>
    %slice3A_1315 = vector.extract_strided_slice %select_n3A_1109 {offsets = [2040, 0], sizes = [40, 40], strides = [1, 1]} : vector<2560x40xf32> to vector<40x40xf32>
    %slice3A_1316 = vector.extract_strided_slice %concatenate3A_1110 {offsets = [2040, 0], sizes = [40, 10], strides = [1, 1]} : vector<2560x10xf32> to vector<40x10xf32>
    %dot_general3A_1317 = arith.constant dense<0.000000e+00> : vector<40x10xf32>
    %dot_general3A_1318 = tpu.matmul %slice3A_1315, %slice3A_1316, %dot_general3A_1317 {dimension_numbers = #tpu.dot_dimension_numbers<[1], [0], [0], [1], [0, 0, 1, 1], [], []>, transpose_lhs_hint = false} : vector<40x40xf32>, vector<40x10xf32>, vector<40x10xf32> -> vector<40x10xf32>
    %slice3A_1319 = vector.extract_strided_slice %select_n3A_1109 {offsets = [2080, 0], sizes = [40, 40], strides = [1, 1]} : vector<2560x40xf32> to vector<40x40xf32>
    %slice3A_1320 = vector.extract_strided_slice %concatenate3A_1110 {offsets = [2080, 0], sizes = [40, 10], strides = [1, 1]} : vector<2560x10xf32> to vector<40x10xf32>
    %dot_general3A_1321 = arith.constant dense<0.000000e+00> : vector<40x10xf32>
    %dot_general3A_1322 = tpu.matmul %slice3A_1319, %slice3A_1320, %dot_general3A_1321 {dimension_numbers = #tpu.dot_dimension_numbers<[1], [0], [0], [1], [0, 0, 1, 1], [], []>, transpose_lhs_hint = false} : vector<40x40xf32>, vector<40x10xf32>, vector<40x10xf32> -> vector<40x10xf32>
    %slice3A_1323 = vector.extract_strided_slice %select_n3A_1109 {offsets = [2120, 0], sizes = [40, 40], strides = [1, 1]} : vector<2560x40xf32> to vector<40x40xf32>
    %slice3A_1324 = vector.extract_strided_slice %concatenate3A_1110 {offsets = [2120, 0], sizes = [40, 10], strides = [1, 1]} : vector<2560x10xf32> to vector<40x10xf32>
    %dot_general3A_1325 = arith.constant dense<0.000000e+00> : vector<40x10xf32>
    %dot_general3A_1326 = tpu.matmul %slice3A_1323, %slice3A_1324, %dot_general3A_1325 {dimension_numbers = #tpu.dot_dimension_numbers<[1], [0], [0], [1], [0, 0, 1, 1], [], []>, transpose_lhs_hint = false} : vector<40x40xf32>, vector<40x10xf32>, vector<40x10xf32> -> vector<40x10xf32>
    %slice3A_1327 = vector.extract_strided_slice %select_n3A_1109 {offsets = [2160, 0], sizes = [40, 40], strides = [1, 1]} : vector<2560x40xf32> to vector<40x40xf32>
    %slice3A_1328 = vector.extract_strided_slice %concatenate3A_1110 {offsets = [2160, 0], sizes = [40, 10], strides = [1, 1]} : vector<2560x10xf32> to vector<40x10xf32>
    %dot_general3A_1329 = arith.constant dense<0.000000e+00> : vector<40x10xf32>
    %dot_general3A_1330 = tpu.matmul %slice3A_1327, %slice3A_1328, %dot_general3A_1329 {dimension_numbers = #tpu.dot_dimension_numbers<[1], [0], [0], [1], [0, 0, 1, 1], [], []>, transpose_lhs_hint = false} : vector<40x40xf32>, vector<40x10xf32>, vector<40x10xf32> -> vector<40x10xf32>
    %slice3A_1331 = vector.extract_strided_slice %select_n3A_1109 {offsets = [2200, 0], sizes = [40, 40], strides = [1, 1]} : vector<2560x40xf32> to vector<40x40xf32>
    %slice3A_1332 = vector.extract_strided_slice %concatenate3A_1110 {offsets = [2200, 0], sizes = [40, 10], strides = [1, 1]} : vector<2560x10xf32> to vector<40x10xf32>
    %dot_general3A_1333 = arith.constant dense<0.000000e+00> : vector<40x10xf32>
    %dot_general3A_1334 = tpu.matmul %slice3A_1331, %slice3A_1332, %dot_general3A_1333 {dimension_numbers = #tpu.dot_dimension_numbers<[1], [0], [0], [1], [0, 0, 1, 1], [], []>, transpose_lhs_hint = false} : vector<40x40xf32>, vector<40x10xf32>, vector<40x10xf32> -> vector<40x10xf32>
    %slice3A_1335 = vector.extract_strided_slice %select_n3A_1109 {offsets = [2240, 0], sizes = [40, 40], strides = [1, 1]} : vector<2560x40xf32> to vector<40x40xf32>
    %slice3A_1336 = vector.extract_strided_slice %concatenate3A_1110 {offsets = [2240, 0], sizes = [40, 10], strides = [1, 1]} : vector<2560x10xf32> to vector<40x10xf32>
    %dot_general3A_1337 = arith.constant dense<0.000000e+00> : vector<40x10xf32>
    %dot_general3A_1338 = tpu.matmul %slice3A_1335, %slice3A_1336, %dot_general3A_1337 {dimension_numbers = #tpu.dot_dimension_numbers<[1], [0], [0], [1], [0, 0, 1, 1], [], []>, transpose_lhs_hint = false} : vector<40x40xf32>, vector<40x10xf32>, vector<40x10xf32> -> vector<40x10xf32>
    %slice3A_1339 = vector.extract_strided_slice %select_n3A_1109 {offsets = [2280, 0], sizes = [40, 40], strides = [1, 1]} : vector<2560x40xf32> to vector<40x40xf32>
    %slice3A_1340 = vector.extract_strided_slice %concatenate3A_1110 {offsets = [2280, 0], sizes = [40, 10], strides = [1, 1]} : vector<2560x10xf32> to vector<40x10xf32>
    %dot_general3A_1341 = arith.constant dense<0.000000e+00> : vector<40x10xf32>
    %dot_general3A_1342 = tpu.matmul %slice3A_1339, %slice3A_1340, %dot_general3A_1341 {dimension_numbers = #tpu.dot_dimension_numbers<[1], [0], [0], [1], [0, 0, 1, 1], [], []>, transpose_lhs_hint = false} : vector<40x40xf32>, vector<40x10xf32>, vector<40x10xf32> -> vector<40x10xf32>
    %slice3A_1343 = vector.extract_strided_slice %select_n3A_1109 {offsets = [2320, 0], sizes = [40, 40], strides = [1, 1]} : vector<2560x40xf32> to vector<40x40xf32>
    %slice3A_1344 = vector.extract_strided_slice %concatenate3A_1110 {offsets = [2320, 0], sizes = [40, 10], strides = [1, 1]} : vector<2560x10xf32> to vector<40x10xf32>
    %dot_general3A_1345 = arith.constant dense<0.000000e+00> : vector<40x10xf32>
    %dot_general3A_1346 = tpu.matmul %slice3A_1343, %slice3A_1344, %dot_general3A_1345 {dimension_numbers = #tpu.dot_dimension_numbers<[1], [0], [0], [1], [0, 0, 1, 1], [], []>, transpose_lhs_hint = false} : vector<40x40xf32>, vector<40x10xf32>, vector<40x10xf32> -> vector<40x10xf32>
    %slice3A_1347 = vector.extract_strided_slice %select_n3A_1109 {offsets = [2360, 0], sizes = [40, 40], strides = [1, 1]} : vector<2560x40xf32> to vector<40x40xf32>
    %slice3A_1348 = vector.extract_strided_slice %concatenate3A_1110 {offsets = [2360, 0], sizes = [40, 10], strides = [1, 1]} : vector<2560x10xf32> to vector<40x10xf32>
    %dot_general3A_1349 = arith.constant dense<0.000000e+00> : vector<40x10xf32>
    %dot_general3A_1350 = tpu.matmul %slice3A_1347, %slice3A_1348, %dot_general3A_1349 {dimension_numbers = #tpu.dot_dimension_numbers<[1], [0], [0], [1], [0, 0, 1, 1], [], []>, transpose_lhs_hint = false} : vector<40x40xf32>, vector<40x10xf32>, vector<40x10xf32> -> vector<40x10xf32>
    %slice3A_1351 = vector.extract_strided_slice %select_n3A_1109 {offsets = [2400, 0], sizes = [40, 40], strides = [1, 1]} : vector<2560x40xf32> to vector<40x40xf32>
    %slice3A_1352 = vector.extract_strided_slice %concatenate3A_1110 {offsets = [2400, 0], sizes = [40, 10], strides = [1, 1]} : vector<2560x10xf32> to vector<40x10xf32>
    %dot_general3A_1353 = arith.constant dense<0.000000e+00> : vector<40x10xf32>
    %dot_general3A_1354 = tpu.matmul %slice3A_1351, %slice3A_1352, %dot_general3A_1353 {dimension_numbers = #tpu.dot_dimension_numbers<[1], [0], [0], [1], [0, 0, 1, 1], [], []>, transpose_lhs_hint = false} : vector<40x40xf32>, vector<40x10xf32>, vector<40x10xf32> -> vector<40x10xf32>
    %slice3A_1355 = vector.extract_strided_slice %select_n3A_1109 {offsets = [2440, 0], sizes = [40, 40], strides = [1, 1]} : vector<2560x40xf32> to vector<40x40xf32>
    %slice3A_1356 = vector.extract_strided_slice %concatenate3A_1110 {offsets = [2440, 0], sizes = [40, 10], strides = [1, 1]} : vector<2560x10xf32> to vector<40x10xf32>
    %dot_general3A_1357 = arith.constant dense<0.000000e+00> : vector<40x10xf32>
    %dot_general3A_1358 = tpu.matmul %slice3A_1355, %slice3A_1356, %dot_general3A_1357 {dimension_numbers = #tpu.dot_dimension_numbers<[1], [0], [0], [1], [0, 0, 1, 1], [], []>, transpose_lhs_hint = false} : vector<40x40xf32>, vector<40x10xf32>, vector<40x10xf32> -> vector<40x10xf32>
    %slice3A_1359 = vector.extract_strided_slice %select_n3A_1109 {offsets = [2480, 0], sizes = [40, 40], strides = [1, 1]} : vector<2560x40xf32> to vector<40x40xf32>
    %slice3A_1360 = vector.extract_strided_slice %concatenate3A_1110 {offsets = [2480, 0], sizes = [40, 10], strides = [1, 1]} : vector<2560x10xf32> to vector<40x10xf32>
    %dot_general3A_1361 = arith.constant dense<0.000000e+00> : vector<40x10xf32>
    %dot_general3A_1362 = tpu.matmul %slice3A_1359, %slice3A_1360, %dot_general3A_1361 {dimension_numbers = #tpu.dot_dimension_numbers<[1], [0], [0], [1], [0, 0, 1, 1], [], []>, transpose_lhs_hint = false} : vector<40x40xf32>, vector<40x10xf32>, vector<40x10xf32> -> vector<40x10xf32>
    %slice3A_1363 = vector.extract_strided_slice %select_n3A_1109 {offsets = [2520, 0], sizes = [40, 40], strides = [1, 1]} : vector<2560x40xf32> to vector<40x40xf32>
    %slice3A_1364 = vector.extract_strided_slice %concatenate3A_1110 {offsets = [2520, 0], sizes = [40, 10], strides = [1, 1]} : vector<2560x10xf32> to vector<40x10xf32>
    %dot_general3A_1365 = arith.constant dense<0.000000e+00> : vector<40x10xf32>
    %dot_general3A_1366 = tpu.matmul %slice3A_1363, %slice3A_1364, %dot_general3A_1365 {dimension_numbers = #tpu.dot_dimension_numbers<[1], [0], [0], [1], [0, 0, 1, 1], [], []>, transpose_lhs_hint = false} : vector<40x40xf32>, vector<40x10xf32>, vector<40x10xf32> -> vector<40x10xf32>
    %concatenate3A_1367 = tpu.concatenate %dot_general3A_1114, %dot_general3A_1118, %dot_general3A_1122, %dot_general3A_1126, %dot_general3A_1130, %dot_general3A_1134, %dot_general3A_1138, %dot_general3A_1142, %dot_general3A_1146, %dot_general3A_1150, %dot_general3A_1154, %dot_general3A_1158, %dot_general3A_1162, %dot_general3A_1166, %dot_general3A_1170, %dot_general3A_1174, %dot_general3A_1178, %dot_general3A_1182, %dot_general3A_1186, %dot_general3A_1190, %dot_general3A_1194, %dot_general3A_1198, %dot_general3A_1202, %dot_general3A_1206, %dot_general3A_1210, %dot_general3A_1214, %dot_general3A_1218, %dot_general3A_1222, %dot_general3A_1226, %dot_general3A_1230, %dot_general3A_1234, %dot_general3A_1238, %dot_general3A_1242, %dot_general3A_1246, %dot_general3A_1250, %dot_general3A_1254, %dot_general3A_1258, %dot_general3A_1262, %dot_general3A_1266, %dot_general3A_1270, %dot_general3A_1274, %dot_general3A_1278, %dot_general3A_1282, %dot_general3A_1286, %dot_general3A_1290, %dot_general3A_1294, %dot_general3A_1298, %dot_general3A_1302, %dot_general3A_1306, %dot_general3A_1310, %dot_general3A_1314, %dot_general3A_1318, %dot_general3A_1322, %dot_general3A_1326, %dot_general3A_1330, %dot_general3A_1334, %dot_general3A_1338, %dot_general3A_1342, %dot_general3A_1346, %dot_general3A_1350, %dot_general3A_1354, %dot_general3A_1358, %dot_general3A_1362, %dot_general3A_1366 in 0 : vector<40x10xf32>, vector<40x10xf32>, vector<40x10xf32>, vector<40x10xf32>, vector<40x10xf32>, vector<40x10xf32>, vector<40x10xf32>, vector<40x10xf32>, vector<40x10xf32>, vector<40x10xf32>, vector<40x10xf32>, vector<40x10xf32>, vector<40x10xf32>, vector<40x10xf32>, vector<40x10xf32>, vector<40x10xf32>, vector<40x10xf32>, vector<40x10xf32>, vector<40x10xf32>, vector<40x10xf32>, vector<40x10xf32>, vector<40x10xf32>, vector<40x10xf32>, vector<40x10xf32>, vector<40x10xf32>, vector<40x10xf32>, vector<40x10xf32>, vector<40x10xf32>, vector<40x10xf32>, vector<40x10xf32>, vector<40x10xf32>, vector<40x10xf32>, vector<40x10xf32>, vector<40x10xf32>, vector<40x10xf32>, vector<40x10xf32>, vector<40x10xf32>, vector<40x10xf32>, vector<40x10xf32>, vector<40x10xf32>, vector<40x10xf32>, vector<40x10xf32>, vector<40x10xf32>, vector<40x10xf32>, vector<40x10xf32>, vector<40x10xf32>, vector<40x10xf32>, vector<40x10xf32>, vector<40x10xf32>, vector<40x10xf32>, vector<40x10xf32>, vector<40x10xf32>, vector<40x10xf32>, vector<40x10xf32>, vector<40x10xf32>, vector<40x10xf32>, vector<40x10xf32>, vector<40x10xf32>, vector<40x10xf32>, vector<40x10xf32>, vector<40x10xf32>, vector<40x10xf32>, vector<40x10xf32>, vector<40x10xf32> -> vector<2560x10xf32>
    %slice3A_1368 = vector.extract_strided_slice %concatenate3A_1367 {offsets = [0, 0], sizes = [2560, 9], strides = [1, 1]} : vector<2560x10xf32> to vector<2560x9xf32>
    %slice3A_1369 = vector.extract_strided_slice %concatenate3A_1367 {offsets = [0, 9], sizes = [2560, 1], strides = [1, 1]} : vector<2560x10xf32> to vector<2560x1xf32>
    %add3A_1370 = arith.constant 1.000000e-16 : f32
    %add3A_1371 = vector.broadcast %add3A_1370 : f32 to vector<2560x1xf32>
    %add3A_1372 = arith.addf %slice3A_1369, %add3A_1371 : vector<2560x1xf32>
    %div3A_1373 = arith.constant 1.000000e+00 : f32
    %div3A_1374 = vector.broadcast %div3A_1373 : f32 to vector<2560x1xf32>
    %div3A_1375 = arith.divf %div3A_1374, %add3A_1372 : vector<2560x1xf32>
    %mul3A_1376 = vector.broadcast %div3A_1375 : vector<2560x1xf32> to vector<2560x9xf32>
    %mul3A_1377 = arith.mulf %slice3A_1368, %mul3A_1376 : vector<2560x9xf32>
    %get3A_1378 = arith.constant 0 : index
    %get3A_1379 = arith.constant 0 : index
    %get3A_1380 = vector.load %arg10[%get3A_1378, %get3A_1379] : memref<1x9xf32, #tpu.memory_space<vmem>>, vector<1x9xf32>
    %add3A_1381 = vector.broadcast %get3A_1380 : vector<1x9xf32> to vector<2560x9xf32>
    %add3A_1382 = arith.addf %mul3A_1377, %add3A_1381 : vector<2560x9xf32>
    %max3A_1383 = arith.constant 0.000000e+00 : f32
    %max3A_1384 = vector.broadcast %max3A_1383 : f32 to vector<2560x9xf32>
    %max3A_1385 = arith.maximumf %add3A_1382, %max3A_1384 : vector<2560x9xf32>
    %swap3A_1386 = arith.constant 0 : index
    %swap3A_1387 = arith.constant 0 : index
    %swap3A_1388 = vector.load %arg14[%swap3A_1386, %swap3A_1387] : memref<2560x9xf32, #tpu.memory_space<vmem>>, vector<2560x9xf32>
    tpu.vector_store %arg14[%swap3A_1386, %swap3A_1387], %max3A_1385 {strides = array<i32>} : memref<2560x9xf32, #tpu.memory_space<vmem>>, vector<2560x9xf32>,
    %jit3A_1389 = arith.constant -3.000000e+38 : f32
    %broadcast_in_dim3A_1390 = vector.shape_cast %lt3A_16 : vector<2560x1xi1> to vector<2560x1xi1>
    %broadcast_in_dim3A_1391 = vector.broadcast %broadcast_in_dim3A_1390 : vector<2560x1xi1> to vector<2560x9xi1>
    %broadcast_in_dim3A_1392 = vector.broadcast %jit3A_1389 : f32 to vector<2560x9xf32>
    %select_n3A_1393 = arith.select %broadcast_in_dim3A_1391, %max3A_1385, %broadcast_in_dim3A_1392 : vector<2560x9xi1>, vector<2560x9xf32>
    %reshape3A_1394 = vector.shape_cast %select_n3A_1393 : vector<2560x9xf32> to vector<64x40x9xf32>
    %reduce_max3A_1395 = arith.constant dense<0xFF800000> : vector<64x9xf32>
    %reduce_max3A_1396 = vector.multi_reduction <maximumf>, %reshape3A_1394, %reduce_max3A_1395 [1] : vector<64x40x9xf32> to vector<64x9xf32>
    %concatenate3A_1397 = tpu.concatenate %reduce_max3A_111, %reduce_max3A_427, %reduce_max3A_750, %reduce_max3A_1073, %reduce_max3A_1396 in 1 : vector<64x1xf32>, vector<64x8xf32>, vector<64x64xf32>, vector<64x32xf32>, vector<64x9xf32> -> vector<64x114xf32>
    %swap3A_1398 = arith.constant 0 : index
    %swap3A_1399 = arith.constant 0 : index
    %swap3A_1400 = vector.load %arg15[%swap3A_1398, %swap3A_1399] : memref<64x114xf32, #tpu.memory_space<vmem>>, vector<64x114xf32>
    tpu.vector_store %arg15[%swap3A_1398, %swap3A_1399], %concatenate3A_1397 {strides = array<i32>} : memref<64x114xf32, #tpu.memory_space<vmem>>, vector<64x114xf32>,
    return
  }
  func.func @transform_0(%arg0: i32) -> (i32, i32) {
    %c0_i32 = arith.constant 0 : i32
    %c0_i32_0 = arith.constant 0 : i32
    return %arg0, %c0_i32 : i32, i32
  }
  func.func @transform_1(%arg0: i32) -> (i32, i32) {
    %c0_i32 = arith.constant 0 : i32
    %c0_i32_0 = arith.constant 0 : i32
    return %arg0, %c0_i32 : i32, i32
  }
  func.func @transform_2(%arg0: i32) -> (i32, i32) {
    %c0_i32 = arith.constant 0 : i32
    %c0_i32_0 = arith.constant 0 : i32
    %c0_i32_1 = arith.constant 0 : i32
    return %c0_i32, %c0_i32_0 : i32, i32
  }
  func.func @transform_3(%arg0: i32) -> (i32, i32) {
    %c0_i32 = arith.constant 0 : i32
    %c0_i32_0 = arith.constant 0 : i32
    %c0_i32_1 = arith.constant 0 : i32
    return %c0_i32, %c0_i32_0 : i32, i32
  }
  func.func @transform_4(%arg0: i32) -> (i32, i32) {
    %c0_i32 = arith.constant 0 : i32
    %c0_i32_0 = arith.constant 0 : i32
    %c0_i32_1 = arith.constant 0 : i32
    return %c0_i32, %c0_i32_0 : i32, i32
  }
  func.func @transform_5(%arg0: i32) -> (i32, i32) {
    %c0_i32 = arith.constant 0 : i32
    %c0_i32_0 = arith.constant 0 : i32
    %c0_i32_1 = arith.constant 0 : i32
    return %c0_i32, %c0_i32_0 : i32, i32
  }
  func.func @transform_6(%arg0: i32) -> (i32, i32) {
    %c0_i32 = arith.constant 0 : i32
    %c0_i32_0 = arith.constant 0 : i32
    %c0_i32_1 = arith.constant 0 : i32
    return %c0_i32, %c0_i32_0 : i32, i32
  }
  func.func @transform_7(%arg0: i32) -> (i32, i32) {
    %c0_i32 = arith.constant 0 : i32
    %c0_i32_0 = arith.constant 0 : i32
    %c0_i32_1 = arith.constant 0 : i32
    return %c0_i32, %c0_i32_0 : i32, i32
  }
  func.func @transform_8(%arg0: i32) -> (i32, i32) {
    %c0_i32 = arith.constant 0 : i32
    %c0_i32_0 = arith.constant 0 : i32
    %c0_i32_1 = arith.constant 0 : i32
    return %c0_i32, %c0_i32_0 : i32, i32
  }
  func.func @transform_9(%arg0: i32) -> (i32, i32) {
    %c0_i32 = arith.constant 0 : i32
    %c0_i32_0 = arith.constant 0 : i32
    %c0_i32_1 = arith.constant 0 : i32
    return %c0_i32, %c0_i32_0 : i32, i32
  }
  func.func @transform_10(%arg0: i32) -> (i32, i32) {
    %c0_i32 = arith.constant 0 : i32
    %c0_i32_0 = arith.constant 0 : i32
    return %arg0, %c0_i32 : i32, i32
  }
  func.func @transform_11(%arg0: i32) -> (i32, i32) {
    %c0_i32 = arith.constant 0 : i32
    %c0_i32_0 = arith.constant 0 : i32
    return %arg0, %c0_i32 : i32, i32
  }
  func.func @transform_12(%arg0: i32) -> (i32, i32) {
    %c0_i32 = arith.constant 0 : i32
    %c0_i32_0 = arith.constant 0 : i32
    return %arg0, %c0_i32 : i32, i32
  }
  func.func @transform_13(%arg0: i32) -> (i32, i32) {
    %c0_i32 = arith.constant 0 : i32
    %c0_i32_0 = arith.constant 0 : i32
    return %arg0, %c0_i32 : i32, i32
  }
  func.func @transform_14(%arg0: i32) -> (i32, i32) {
    %c0_i32 = arith.constant 0 : i32
    %c0_i32_0 = arith.constant 0 : i32
    return %arg0, %c0_i32 : i32, i32
  }
}

module attributes {stable_mosaic.version = 14 : i64} {
  func.func @_mlp_kernel(%arg0: i32, %arg1: memref<512x39xf32, #tpu.memory_space<vmem>>, %arg2: memref<512x312xf32, #tpu.memory_space<vmem>>, %arg3: memref<512x2496xf32, #tpu.memory_space<vmem>>, %arg4: memref<512x1248xf32, #tpu.memory_space<vmem>>, %arg5: memref<512x351xf32, #tpu.memory_space<vmem>>, %arg6: memref<512x114xf32, #tpu.memory_space<vmem>>, %arg7: memref<39x1024xf32, #tpu.memory_space<vmem>>, %arg8: memref<312x1024xf32, #tpu.memory_space<vmem>>, %arg9: memref<2496x1024xf32, #tpu.memory_space<vmem>>, %arg10: memref<1248x1024xf32, #tpu.memory_space<vmem>>, %arg11: memref<351x1024xf32, #tpu.memory_space<vmem>>, %arg12: memref<114x1024xf32, #tpu.memory_space<vmem>>, %arg13: memref<1x1024xf32, #tpu.memory_space<vmem>>, %arg14: memref<1024x128xf32, #tpu.memory_space<vmem>>, %arg15: memref<1x128xf32, #tpu.memory_space<vmem>>, %arg16: memref<128x9xf32, #tpu.memory_space<vmem>>, %arg17: memref<1x9xf32, #tpu.memory_space<vmem>>, %arg18: memref<512x9xf32, #tpu.memory_space<vmem>>) attributes {dimension_semantics = [#tpu.dimension_semantics<parallel>], iteration_bounds = array<i64: 4>, scalar_prefetch = 0 : i64, scratch_operands = 0 : i64, tpu.core_type = #tpu.core_type<tc>, window_params = [{transform_indices = @transform_0, window_bounds = array<i64: 512, 39>}, {transform_indices = @transform_1, window_bounds = array<i64: 512, 312>}, {transform_indices = @transform_2, window_bounds = array<i64: 512, 2496>}, {transform_indices = @transform_3, window_bounds = array<i64: 512, 1248>}, {transform_indices = @transform_4, window_bounds = array<i64: 512, 351>}, {transform_indices = @transform_5, window_bounds = array<i64: 512, 114>}, {pipeline_mode = #tpu.pipeline_mode<synchronous>, transform_indices = @transform_6, window_bounds = array<i64: 39, 1024>}, {pipeline_mode = #tpu.pipeline_mode<synchronous>, transform_indices = @transform_7, window_bounds = array<i64: 312, 1024>}, {pipeline_mode = #tpu.pipeline_mode<synchronous>, transform_indices = @transform_8, window_bounds = array<i64: 2496, 1024>}, {pipeline_mode = #tpu.pipeline_mode<synchronous>, transform_indices = @transform_9, window_bounds = array<i64: 1248, 1024>}, {pipeline_mode = #tpu.pipeline_mode<synchronous>, transform_indices = @transform_10, window_bounds = array<i64: 351, 1024>}, {pipeline_mode = #tpu.pipeline_mode<synchronous>, transform_indices = @transform_11, window_bounds = array<i64: 114, 1024>}, {pipeline_mode = #tpu.pipeline_mode<synchronous>, transform_indices = @transform_12, window_bounds = array<i64: 1, 1024>}, {pipeline_mode = #tpu.pipeline_mode<synchronous>, transform_indices = @transform_13, window_bounds = array<i64: 1024, 128>}, {pipeline_mode = #tpu.pipeline_mode<synchronous>, transform_indices = @transform_14, window_bounds = array<i64: 1, 128>}, {pipeline_mode = #tpu.pipeline_mode<synchronous>, transform_indices = @transform_15, window_bounds = array<i64: 128, 9>}, {pipeline_mode = #tpu.pipeline_mode<synchronous>, transform_indices = @transform_16, window_bounds = array<i64: 1, 9>}, {transform_indices = @transform_17, window_bounds = array<i64: 512, 9>}]} {
    %get3A = arith.constant 0 : index
    %get3A_0 = arith.constant 0 : index
    %get3A_1 = vector.load %arg1[%get3A, %get3A_0] : memref<512x39xf32, #tpu.memory_space<vmem>>, vector<512x39xf32>
    %get3A_2 = arith.constant 0 : index
    %get3A_3 = arith.constant 0 : index
    %get3A_4 = vector.load %arg7[%get3A_2, %get3A_3] : memref<39x1024xf32, #tpu.memory_space<vmem>>, vector<39x1024xf32>
    %dot_general3A = arith.constant dense<0.000000e+00> : vector<512x1024xf32>
    %dot_general3A_5 = tpu.matmul %get3A_1, %get3A_4, %dot_general3A {dimension_numbers = #tpu.dot_dimension_numbers<[1], [0], [0], [1], [0, 0, 1, 1], [], []>, transpose_lhs_hint = false} : vector<512x39xf32>, vector<39x1024xf32>, vector<512x1024xf32> -> vector<512x1024xf32>
    %get3A_6 = arith.constant 0 : index
    %get3A_7 = arith.constant 0 : index
    %get3A_8 = vector.load %arg2[%get3A_6, %get3A_7] : memref<512x312xf32, #tpu.memory_space<vmem>>, vector<512x312xf32>
    %get3A_9 = arith.constant 0 : index
    %get3A_10 = arith.constant 0 : index
    %get3A_11 = vector.load %arg8[%get3A_9, %get3A_10] : memref<312x1024xf32, #tpu.memory_space<vmem>>, vector<312x1024xf32>
    %dot_general3A_12 = arith.constant dense<0.000000e+00> : vector<512x1024xf32>
    %dot_general3A_13 = tpu.matmul %get3A_8, %get3A_11, %dot_general3A_12 {dimension_numbers = #tpu.dot_dimension_numbers<[1], [0], [0], [1], [0, 0, 1, 1], [], []>, transpose_lhs_hint = false} : vector<512x312xf32>, vector<312x1024xf32>, vector<512x1024xf32> -> vector<512x1024xf32>
    %add3A = arith.addf %dot_general3A_5, %dot_general3A_13 : vector<512x1024xf32>
    %get3A_14 = arith.constant 0 : index
    %get3A_15 = arith.constant 0 : index
    %get3A_16 = vector.load %arg3[%get3A_14, %get3A_15] : memref<512x2496xf32, #tpu.memory_space<vmem>>, vector<512x2496xf32>
    %get3A_17 = arith.constant 0 : index
    %get3A_18 = arith.constant 0 : index
    %get3A_19 = vector.load %arg9[%get3A_17, %get3A_18] : memref<2496x1024xf32, #tpu.memory_space<vmem>>, vector<2496x1024xf32>
    %dot_general3A_20 = arith.constant dense<0.000000e+00> : vector<512x1024xf32>
    %dot_general3A_21 = tpu.matmul %get3A_16, %get3A_19, %dot_general3A_20 {dimension_numbers = #tpu.dot_dimension_numbers<[1], [0], [0], [1], [0, 0, 1, 1], [], []>, transpose_lhs_hint = false} : vector<512x2496xf32>, vector<2496x1024xf32>, vector<512x1024xf32> -> vector<512x1024xf32>
    %add3A_22 = arith.addf %add3A, %dot_general3A_21 : vector<512x1024xf32>
    %get3A_23 = arith.constant 0 : index
    %get3A_24 = arith.constant 0 : index
    %get3A_25 = vector.load %arg4[%get3A_23, %get3A_24] : memref<512x1248xf32, #tpu.memory_space<vmem>>, vector<512x1248xf32>
    %get3A_26 = arith.constant 0 : index
    %get3A_27 = arith.constant 0 : index
    %get3A_28 = vector.load %arg10[%get3A_26, %get3A_27] : memref<1248x1024xf32, #tpu.memory_space<vmem>>, vector<1248x1024xf32>
    %dot_general3A_29 = arith.constant dense<0.000000e+00> : vector<512x1024xf32>
    %dot_general3A_30 = tpu.matmul %get3A_25, %get3A_28, %dot_general3A_29 {dimension_numbers = #tpu.dot_dimension_numbers<[1], [0], [0], [1], [0, 0, 1, 1], [], []>, transpose_lhs_hint = false} : vector<512x1248xf32>, vector<1248x1024xf32>, vector<512x1024xf32> -> vector<512x1024xf32>
    %add3A_31 = arith.addf %add3A_22, %dot_general3A_30 : vector<512x1024xf32>
    %get3A_32 = arith.constant 0 : index
    %get3A_33 = arith.constant 0 : index
    %get3A_34 = vector.load %arg5[%get3A_32, %get3A_33] : memref<512x351xf32, #tpu.memory_space<vmem>>, vector<512x351xf32>
    %get3A_35 = arith.constant 0 : index
    %get3A_36 = arith.constant 0 : index
    %get3A_37 = vector.load %arg11[%get3A_35, %get3A_36] : memref<351x1024xf32, #tpu.memory_space<vmem>>, vector<351x1024xf32>
    %dot_general3A_38 = arith.constant dense<0.000000e+00> : vector<512x1024xf32>
    %dot_general3A_39 = tpu.matmul %get3A_34, %get3A_37, %dot_general3A_38 {dimension_numbers = #tpu.dot_dimension_numbers<[1], [0], [0], [1], [0, 0, 1, 1], [], []>, transpose_lhs_hint = false} : vector<512x351xf32>, vector<351x1024xf32>, vector<512x1024xf32> -> vector<512x1024xf32>
    %add3A_40 = arith.addf %add3A_31, %dot_general3A_39 : vector<512x1024xf32>
    %get3A_41 = arith.constant 0 : index
    %get3A_42 = arith.constant 0 : index
    %get3A_43 = vector.load %arg6[%get3A_41, %get3A_42] : memref<512x114xf32, #tpu.memory_space<vmem>>, vector<512x114xf32>
    %get3A_44 = arith.constant 0 : index
    %get3A_45 = arith.constant 0 : index
    %get3A_46 = vector.load %arg12[%get3A_44, %get3A_45] : memref<114x1024xf32, #tpu.memory_space<vmem>>, vector<114x1024xf32>
    %dot_general3A_47 = arith.constant dense<0.000000e+00> : vector<512x1024xf32>
    %dot_general3A_48 = tpu.matmul %get3A_43, %get3A_46, %dot_general3A_47 {dimension_numbers = #tpu.dot_dimension_numbers<[1], [0], [0], [1], [0, 0, 1, 1], [], []>, transpose_lhs_hint = false} : vector<512x114xf32>, vector<114x1024xf32>, vector<512x1024xf32> -> vector<512x1024xf32>
    %add3A_49 = arith.addf %add3A_40, %dot_general3A_48 : vector<512x1024xf32>
    %get3A_50 = arith.constant 0 : index
    %get3A_51 = arith.constant 0 : index
    %get3A_52 = vector.load %arg13[%get3A_50, %get3A_51] : memref<1x1024xf32, #tpu.memory_space<vmem>>, vector<1x1024xf32>
    %add3A_53 = vector.broadcast %get3A_52 : vector<1x1024xf32> to vector<512x1024xf32>
    %add3A_54 = arith.addf %add3A_49, %add3A_53 : vector<512x1024xf32>
    %max3A = arith.constant 0.000000e+00 : f32
    %max3A_55 = vector.broadcast %max3A : f32 to vector<512x1024xf32>
    %max3A_56 = arith.maximumf %add3A_54, %max3A_55 : vector<512x1024xf32>
    %get3A_57 = arith.constant 0 : index
    %get3A_58 = arith.constant 0 : index
    %get3A_59 = vector.load %arg14[%get3A_57, %get3A_58] : memref<1024x128xf32, #tpu.memory_space<vmem>>, vector<1024x128xf32>
    %dot_general3A_60 = arith.constant dense<0.000000e+00> : vector<512x128xf32>
    %dot_general3A_61 = tpu.matmul %max3A_56, %get3A_59, %dot_general3A_60 {dimension_numbers = #tpu.dot_dimension_numbers<[1], [0], [0], [1], [0, 0, 1, 1], [], []>, transpose_lhs_hint = false} : vector<512x1024xf32>, vector<1024x128xf32>, vector<512x128xf32> -> vector<512x128xf32>
    %get3A_62 = arith.constant 0 : index
    %get3A_63 = arith.constant 0 : index
    %get3A_64 = vector.load %arg15[%get3A_62, %get3A_63] : memref<1x128xf32, #tpu.memory_space<vmem>>, vector<1x128xf32>
    %add3A_65 = vector.broadcast %get3A_64 : vector<1x128xf32> to vector<512x128xf32>
    %add3A_66 = arith.addf %dot_general3A_61, %add3A_65 : vector<512x128xf32>
    %max3A_67 = arith.constant 0.000000e+00 : f32
    %max3A_68 = vector.broadcast %max3A_67 : f32 to vector<512x128xf32>
    %max3A_69 = arith.maximumf %add3A_66, %max3A_68 : vector<512x128xf32>
    %get3A_70 = arith.constant 0 : index
    %get3A_71 = arith.constant 0 : index
    %get3A_72 = vector.load %arg16[%get3A_70, %get3A_71] : memref<128x9xf32, #tpu.memory_space<vmem>>, vector<128x9xf32>
    %dot_general3A_73 = arith.constant dense<0.000000e+00> : vector<512x9xf32>
    %dot_general3A_74 = tpu.matmul %max3A_69, %get3A_72, %dot_general3A_73 {dimension_numbers = #tpu.dot_dimension_numbers<[1], [0], [0], [1], [0, 0, 1, 1], [], []>, transpose_lhs_hint = false} : vector<512x128xf32>, vector<128x9xf32>, vector<512x9xf32> -> vector<512x9xf32>
    %get3A_75 = arith.constant 0 : index
    %get3A_76 = arith.constant 0 : index
    %get3A_77 = vector.load %arg17[%get3A_75, %get3A_76] : memref<1x9xf32, #tpu.memory_space<vmem>>, vector<1x9xf32>
    %add3A_78 = vector.broadcast %get3A_77 : vector<1x9xf32> to vector<512x9xf32>
    %add3A_79 = arith.addf %dot_general3A_74, %add3A_78 : vector<512x9xf32>
    %swap3A = arith.constant 0 : index
    %swap3A_80 = arith.constant 0 : index
    %swap3A_81 = vector.load %arg18[%swap3A, %swap3A_80] : memref<512x9xf32, #tpu.memory_space<vmem>>, vector<512x9xf32>
    tpu.vector_store %arg18[%swap3A, %swap3A_80], %add3A_79 {strides = array<i32>} : memref<512x9xf32, #tpu.memory_space<vmem>>, vector<512x9xf32>,
    return
  }
  func.func @transform_0(%arg0: i32) -> (i32, i32) {
    %c0_i32 = arith.constant 0 : i32
    %c0_i32_0 = arith.constant 0 : i32
    return %arg0, %c0_i32 : i32, i32
  }
  func.func @transform_1(%arg0: i32) -> (i32, i32) {
    %c0_i32 = arith.constant 0 : i32
    %c0_i32_0 = arith.constant 0 : i32
    return %arg0, %c0_i32 : i32, i32
  }
  func.func @transform_2(%arg0: i32) -> (i32, i32) {
    %c0_i32 = arith.constant 0 : i32
    %c0_i32_0 = arith.constant 0 : i32
    return %arg0, %c0_i32 : i32, i32
  }
  func.func @transform_3(%arg0: i32) -> (i32, i32) {
    %c0_i32 = arith.constant 0 : i32
    %c0_i32_0 = arith.constant 0 : i32
    return %arg0, %c0_i32 : i32, i32
  }
  func.func @transform_4(%arg0: i32) -> (i32, i32) {
    %c0_i32 = arith.constant 0 : i32
    %c0_i32_0 = arith.constant 0 : i32
    return %arg0, %c0_i32 : i32, i32
  }
  func.func @transform_5(%arg0: i32) -> (i32, i32) {
    %c0_i32 = arith.constant 0 : i32
    %c0_i32_0 = arith.constant 0 : i32
    return %arg0, %c0_i32 : i32, i32
  }
  func.func @transform_6(%arg0: i32) -> (i32, i32) {
    %c0_i32 = arith.constant 0 : i32
    %c0_i32_0 = arith.constant 0 : i32
    %c0_i32_1 = arith.constant 0 : i32
    return %c0_i32, %c0_i32_0 : i32, i32
  }
  func.func @transform_7(%arg0: i32) -> (i32, i32) {
    %c0_i32 = arith.constant 0 : i32
    %c0_i32_0 = arith.constant 0 : i32
    %c0_i32_1 = arith.constant 0 : i32
    return %c0_i32, %c0_i32_0 : i32, i32
  }
  func.func @transform_8(%arg0: i32) -> (i32, i32) {
    %c0_i32 = arith.constant 0 : i32
    %c0_i32_0 = arith.constant 0 : i32
    %c0_i32_1 = arith.constant 0 : i32
    return %c0_i32, %c0_i32_0 : i32, i32
  }
  func.func @transform_9(%arg0: i32) -> (i32, i32) {
    %c0_i32 = arith.constant 0 : i32
    %c0_i32_0 = arith.constant 0 : i32
    %c0_i32_1 = arith.constant 0 : i32
    return %c0_i32, %c0_i32_0 : i32, i32
  }
  func.func @transform_10(%arg0: i32) -> (i32, i32) {
    %c0_i32 = arith.constant 0 : i32
    %c0_i32_0 = arith.constant 0 : i32
    %c0_i32_1 = arith.constant 0 : i32
    return %c0_i32, %c0_i32_0 : i32, i32
  }
  func.func @transform_11(%arg0: i32) -> (i32, i32) {
    %c0_i32 = arith.constant 0 : i32
    %c0_i32_0 = arith.constant 0 : i32
    %c0_i32_1 = arith.constant 0 : i32
    return %c0_i32, %c0_i32_0 : i32, i32
  }
  func.func @transform_12(%arg0: i32) -> (i32, i32) {
    %c0_i32 = arith.constant 0 : i32
    %c0_i32_0 = arith.constant 0 : i32
    %c0_i32_1 = arith.constant 0 : i32
    return %c0_i32, %c0_i32_0 : i32, i32
  }
  func.func @transform_13(%arg0: i32) -> (i32, i32) {
    %c0_i32 = arith.constant 0 : i32
    %c0_i32_0 = arith.constant 0 : i32
    %c0_i32_1 = arith.constant 0 : i32
    return %c0_i32, %c0_i32_0 : i32, i32
  }
  func.func @transform_14(%arg0: i32) -> (i32, i32) {
    %c0_i32 = arith.constant 0 : i32
    %c0_i32_0 = arith.constant 0 : i32
    %c0_i32_1 = arith.constant 0 : i32
    return %c0_i32, %c0_i32_0 : i32, i32
  }
  func.func @transform_15(%arg0: i32) -> (i32, i32) {
    %c0_i32 = arith.constant 0 : i32
    %c0_i32_0 = arith.constant 0 : i32
    %c0_i32_1 = arith.constant 0 : i32
    return %c0_i32, %c0_i32_0 : i32, i32
  }
  func.func @transform_16(%arg0: i32) -> (i32, i32) {
    %c0_i32 = arith.constant 0 : i32
    %c0_i32_0 = arith.constant 0 : i32
    %c0_i32_1 = arith.constant 0 : i32
    return %c0_i32, %c0_i32_0 : i32, i32
  }
  func.func @transform_17(%arg0: i32) -> (i32, i32) {
    %c0_i32 = arith.constant 0 : i32
    %c0_i32_0 = arith.constant 0 : i32
    return %arg0, %c0_i32 : i32, i32
  }
}

</mosaic_0001>

<sc_bundles>
// kernel: kernel.5.cloned.1.call-start
scs
__scs_entry_jumppad:
0x0: {  	(pc) =	sbr.rel $0x88, $3  }
0x1: {  	(tag) =	ssettag $0x0;
	lr =	simm.s32 $0x1  }
0x2: {  	[smem:$0x3F89] =	sst lr;
	_ =	strace $0xD0000000  }
0x3: {  	_ = 	snop  }
0x4: {  	_ = 	snop  }
0x5: {  	_ = 	snop  }
0x6: {  	_ = 	snop  }
0x7: {  	_ = 	snop  }
__scs_overlays_trampoline_lowered:
0x8: {  	[smem:$0x3F98] =	sst s0  }
0x9: {  	[smem:$0x3F99] =	sst s1  }
0xa: {  	[smem:$0x3F9A] =	sst s2  }
0xb: {  	[smem:$0x3F9B] =	sst s3  }
0xc: {  	[smem:$0x3F9C] =	sst s4  }
0xd: {  	[smem:$0x3F9D] =	sst s5  }
0xe: {  	[smem:$0x3F9E] =	sst s6  }
0xf: {  	[smem:$0x3F9F] =	sst s7  }
0x10: {  	[smem:$0x3FA0] =	sst s8  }
0x11: {  	[smem:$0x3FA1] =	sst s9;
	s0 =	simm.s32 @!p0 $0x0  }
0x12: {  	s1 =	sld [smem:$0x3F87];
	s0 =	simm.s32 @p0 $0x1  }
0x13: {  	[smem:$0x3FA2] =	sst s0;
	s0 =	simm.s32 @!p1 $0x0  }
0x14: {  	s2 =	sld [smem:$0x3F86];
	s0 =	simm.s32 @p1 $0x1  }
0x15: {  	[smem:$0x3FA3] =	sst s0;
	s0 =	simm.s32 @!p2 $0x0  }
0x16: {  	s3 =	sld [smem:$0x3FDB];
	s0 =	simm.s32 @p2 $0x1  }
0x17: {  	s4 =	simm.s32 $0x1BF5;
	[smem:$0x3FA5] =	sst s0  }
0x18: {  	s0 =	sld [smem:$0x3F88];
	_ =	swait.ge [sflag:s4], $0x0  }
0x19: {  	s7 =	sld [smem:$0x3F89]  }
0x1a: {  	s8 =	sadd.s32 $0xFFFFE003, lr  }
0x1b: {  	s9 =	sadd.s32 $0xFFFFFEF7, lr;
	s5 =	simm.s32 $0xFFFFFFFF;
	p2 =	slt.u32 s8, $0xFFFFF086  }
0x1c: {  	p1 =	slt.u32 s9, $0xF7A;
	s5 =	simm.s32 @!p2 $0x0  }
0x1d: {  	s5 =	simm.s32 @p1 $0x1;
	p0 =	seq.s32 s7, s2  }
0x1e: {  	s7 =	smul.u32 @!p0 $0xF7A, s2;
	p2 =	seq.s32 @!p0 s5, $0x0  }
0x1f: {  	s9 =	smul.u32 $0xF7A, s1;
	s8 =	simm.s32 @!p0 $0x1BF5;
	p2 =	por !p2, p0  }
0x20: {  	[sflag:s8] =	ssyncset.s32 @!p0 $0xFFFFF086;
	s6 =	sadd.s32 @!p0 s3, s7;
	s7 =	simm.s32 @!p0 $0x108  }
0x21: {  	s3 =	sadd.s32 s3, s9;
	s6 =	sadd.s32 @!p0 $0x88, s6;
	s7 =	simm.s32 @p2 $0x1082  }
0x22: {  	[simem:s7], [sflag:s8] =	dma.local @!p0 [hbm:s6], $0xF7A  }
0x23: {  	s9 =	sor.u32 $0xD0000000, s2;
	s6 =	simm.s32 $0x108;
	_ =	swait.ge @!p0 [sflag:s8], $0x0  }
0x24: {  	s3 =	sadd.s32 $0x88, s3;
	s6 =	simm.s32 @!p1 $0x1082;
	[sflag:s4] =	ssyncset.s32 $0xFFFFF086  }
0x25: {  	[simem:s6], [sflag:s4] =	dma.local [hbm:s3], $0xF7A  }
0x26: {  	[smem:$0x3F89] =	sst s1;
	(tag) =	ssettag s2;
	_ =	strace s9  }
0x27: {  	s1 =	sld [smem:$0x3F99]  }
0x28: {  	s2 =	sld [smem:$0x3F9A]  }
0x29: {  	s4 =	sld [smem:$0x3F9C]  }
0x2a: {  	p0 =	seq.s32 s5, $0x0;
	s5 =	sld [smem:$0x3F9D]  }
0x2b: {  	s6 =	sld [smem:$0x3F9E]  }
0x2c: {  	s7 =	sld [smem:$0x3F9F]  }
0x2d: {  	s3 =	simm.s32 $0x108;
	s8 =	sld [smem:$0x3FA0]  }
0x2e: {  	s3 =	simm.s32 @!p0 $0x1082;
	s9 =	sld [smem:$0x3FA1]  }
0x2f: {  	lr =	sadd.s32 s0, s3;
	s0 =	sld [smem:$0x3F98]  }
0x30: {  	s3 =	sld [smem:$0x3F9B]  }
0x31: {  	[smem:$0x3FA4] =	sst s10  }
0x32: {  	s10 =	sld [smem:$0x3FA2];
	_ =	sdelay $0x3  }
0x33: {  	p0 =	seq.s32 s10, $0x1;
	s10 =	sld [smem:$0x3FA4];
	_ =	sdelay $0x3  }
0x34: {  	[smem:$0x3FA4] =	sst s10  }
0x35: {  	s10 =	sld [smem:$0x3FA3];
	_ =	sdelay $0x3  }
0x36: {  	p1 =	seq.s32 s10, $0x1;
	s10 =	sld [smem:$0x3FA4];
	_ =	sdelay $0x3  }
0x37: {  	[smem:$0x3FA4] =	sst s10  }
0x38: {  	s10 =	sld [smem:$0x3FA5]  }
0x39: {  	_ = 	snop;
	(pc) =	sbr.ind lr, $3  }
0x3a: {  	_ = 	snop  }
0x3b: {  	_ = 	snop  }
0x3c: {  	p2 =	seq.s32 s10, $0x1;
	s10 =	sld [smem:$0x3FA4]  }
0x3d: {  	_ =	shalt  }
0x3e: {  	_ =	shalt  }
0x3f: {  	_ =	shalt  }
0x40: {  	_ =	shalt  }
0x41: {  	_ =	shalt  }
0x42: {  	_ =	shalt  }
0x43: {  	_ =	shalt  }
0x44: {  	_ =	shalt  }
0x45: {  	_ =	shalt  }
0x46: {  	_ =	shalt  }
0x47: {  	_ =	shalt  }
0x48: {  	_ =	shalt  }
0x49: {  	_ =	shalt  }
0x4a: {  	_ =	shalt  }
0x4b: {  	_ =	shalt  }
0x4c: {  	_ =	shalt  }
0x4d: {  	_ =	shalt  }
0x4e: {  	_ =	shalt  }
0x4f: {  	_ =	shalt  }
0x50: {  	_ =	shalt  }
0x51: {  	_ =	shalt  }
0x52: {  	_ =	shalt  }
0x53: {  	_ =	shalt  }
0x54: {  	_ =	shalt  }
0x55: {  	_ =	shalt  }
0x56: {  	_ =	shalt  }
0x57: {  	_ =	shalt  }
0x58: {  	_ =	shalt  }
0x59: {  	_ =	shalt  }
0x5a: {  	_ =	shalt  }
0x5b: {  	_ =	shalt  }
0x5c: {  	_ =	shalt  }
0x5d: {  	_ =	shalt  }
0x5e: {  	_ =	shalt  }
0x5f: {  	_ =	shalt  }
0x60: {  	_ =	shalt  }
0x61: {  	_ =	shalt  }
0x62: {  	_ =	shalt  }
0x63: {  	_ =	shalt  }
0x64: {  	_ =	shalt  }
0x65: {  	_ =	shalt  }
0x66: {  	_ =	shalt  }
0x67: {  	_ =	shalt  }
0x68: {  	_ =	shalt  }
0x69: {  	_ =	shalt  }
0x6a: {  	_ =	shalt  }
0x6b: {  	_ =	shalt  }
0x6c: {  	_ =	shalt  }
0x6d: {  	_ =	shalt  }
0x6e: {  	_ =	shalt  }
0x6f: {  	_ =	shalt  }
0x70: {  	_ =	shalt  }
0x71: {  	_ =	shalt  }
0x72: {  	_ =	shalt  }
0x73: {  	_ =	shalt  }
0x74: {  	_ =	shalt  }
0x75: {  	_ =	shalt  }
0x76: {  	_ =	shalt  }
0x77: {  	_ =	shalt  }
0x78: {  	_ =	shalt  }
0x79: {  	_ =	shalt  }
0x7a: {  	_ =	shalt  }
0x7b: {  	_ =	shalt  }
0x7c: {  	_ =	shalt  }
0x7d: {  	_ =	shalt  }
0x7e: {  	_ =	shalt  }
0x7f: {  	_ =	shalt  }
0x80: {  	_ =	shalt  }
0x81: {  	_ =	shalt  }
0x82: {  	_ =	shalt  }
0x83: {  	_ =	shalt  }
0x84: {  	_ =	shalt  }
0x85: {  	_ =	shalt  }
0x86: {  	_ =	shalt  }
0x87: {  	_ =	shalt  }
.Lfunc_end0:
.L_simem_size_0:
called_computation_lowered:
.L_overlay_start_0:
0x88: {  	s2 =	sld [smem:$0x3FD9]  }
0x89: {  	s3 =	sld [smem:$0x3FFE];
	_ =	sdelay $0x1  }
0x8a: {  	s1 =	srdreg.scid  }
0x8b: {  	s0 =	sand.u32 $0x1, s1  }
0x8c: {  	s16 =	sshll.u32 s0, $0xA;
	s2 =	sadd.s32 s3, s2  }
0x8d: {  	s2 =	sadd.s32 s2, s16  }
0x8e: {  	[smem:$0x3FB0] =	sst s2  }
0x8f: {  	_ = 	snop  }
0x90: {  	(tm) =	ssettm $0x1  }
0x91: {  	s17 =	sld [smem:$0x3FFB];
	_ =	sdelay $0x3  }
0x92: {  	_ =	strace s17  }
0x93: {  	s2 =	sld [smem:$0x3FFC];
	_ =	sdelay $0x3  }
0x94: {  	_ =	strace s2  }
0x95: {  	s2 =	sld [smem:$0x3FFD];
	_ =	sdelay $0x3  }
0x96: {  	_ =	strace s2  }
0x97: {  	_ =	strace $0x8FFFFFFF  }
0x98: {  	s18 =	sld [smem:$0x3FDB];
	_ =	sdelay $0x1  }
0x99: {  	s19 =	simm.s32 $_scs_section_size  }
0x9a: {  	s4 =	simm.s32 $_size__tile_overlayer_lowered;
	s5 =	simm.s32 $_tile_overlayer_lowered  }
0x9b: {  	s22 =	simm.s32 $0x1BFF;
	s21 =	sshll.u32 s5, $0x1;
	s2 =	sadd.s32 s19, s18  }
0x9c: {  	s6 =	simm.s32 $0x0;
	s20 =	sshll.u32 s4, $0x1;
	s4 =	sadd.s32 s21, s2  }
0x9d: {  	[timem:s6], [sflag:s22] =	dma.local [hbm:s4], s20  }
0x9e: {  	_ =	swait.ge [sflag:s22], s20  }
0x9f: {  	s3 =	ssub.s32 $0x0, s20;
	[sflag:s22] =	ssyncset.done $0x0  }
0xa0: {  	[sflag:s22] =	ssyncadd.s32 s3;
	_ =	sdelay $0x1  }
0xa1: {  	s23 =	simm.s32 $0x1B8B  }
0xa2: {  	_ =	swait.ge [sflag:s23], $0x1  }
0xa3: {  	[sflag:s23] =	ssyncset.done $0x0  }
0xa4: {  	s25 =	simm.s32 $0x1B8E;
	s24 =	sld [smem:$0x3FFE];
	[sflag:s23] =	ssyncadd.s32 $0xFFFFFFFF  }
0xa5: {  	s26 =	simm.s32 $execute0_lowered;
	[smem:$0x3FD2] =	sst s25  }
0xa6: {  	s4 =	sshll.u32 s26, $0x1;
	_ =	strace $0x80000046;
	[dreg:$0x1] =	wrdreg $0xFFFFFFFF  }
0xa7: {  	s28 =	simm.s32 $_size_execute0_lowered;
	s2 =	sadd.s32 s2, s4;
	[dreg:$0x0] =	wrdreg $0x0  }
0xa8: {  	s4 =	sshll.u32 s28, $0x1;
	[dreg:$0x2] =	wrdreg s2  }
0xa9: {  	[dreg:$0x3] =	wrdreg s4  }
0xaa: {  	[dreg:$0x4] =	wrdreg $0xC0  }
0xab: {  	_ =	task [dreg:s6], $0x5FFFF  }
0xac: {  	[dreg:$0x1] =	wrdreg $0xFFFFFFFF  }
0xad: {  	[dreg:$0x0] =	wrdreg $0x60  }
0xae: {  	[dreg:$0x2] =	wrdreg s24  }
0xaf: {  	[dreg:$0x3] =	wrdreg $0x9  }
0xb0: {  	_ =	task.clear_ibuf [dreg:s6], $0x4FFFF;
	_ =	strace $0x90000046  }
0xb1: {  	s29 =	simm.s32 $0x9;
	_ =	strace $0x80000048  }
0xb2: {  	_ =	swait.ge [sflag:s29], $0x1  }
0xb3: {  	[sflag:s29] =	ssyncadd.s32 $0xFFFFFFFF  }
0xb4: {  	_ =	strace $0x90000048  }
0xb5: {  	_ =	sfence  }
0xb6: {  	s30 =	sld [smem:$0x0];
	_ =	sdelay $0x2  }
0xb7: {  	s31 =	sshll.u32 s1, $0xD;
	s1 =	sshrl.u32 s1, $0x2  }
0xb8: {  	s3 =	sand.u32 $0x4000, s31;
	s1 =	sadd.s32 s1, s30  }
0xb9: {  	s0 =	sor.u32 s3, s0;
	s1 =	sshll.u32 s1, $0x11  }
0xba: {  	s0 =	sor.u32 s1, s0  }
0xbb: {  	s0 =	sadd.s32 $0x8F2B, s0  }
0xbc: {  	[sflag:s0] =	ssyncadd.remote.s32 $0x1  }
0xbd: {  	_ =	sfence.sel $0xFFFF  }
0xbe: {  	[dreg:$0x0] =	wrdreg $0xFFFFFFFF;
	(pc) =	sbr.abs _section_cstart, $3  }
0xbf: {  	[dreg:$0x1] =	wrdreg $0xFFFFFFFF  }
0xc0: {  	_ =	task.clear_ibuf [dreg:s6], $0x2FFFF;
	_ =	strace $0x9FFFFFFF  }
0xc1: {  	(tm) =	ssettm $0x7FFFFFFF  }
tec
execute0_lowered:
.L_overlay_start_1:
0x0: {  	(tag) =	ssettag $0x1  }
0x1: {  	s2 =	rddreg [dreg:$0x0]  }
0x2: {  	s0 =	rddreg [dreg:$0x1];
	s1 =	simm.s32 $0x0;
	s3 =	srdreg.scid  }
0x3: {  	s9 =	simm.s32 $0x1;
	s10 =	simm.s32 $0x8B00;
	s11 =	simm.s32 $0x0  }
0x4: {  	[smem:$0x7FF] =	sst s1;
	s6 =	sand.u32 $0x1, s3;
	s3 =	sadd.s32 $0x2AC00, s2  }
0x5: {  	s4 =	sadd.s32 $0x3C00, s2;
	s5 =	sadd.s32 $0x51C00, s2;
	s7 =	ssub.s32 $0x2, s6  }
0x6: {  	s2 =	stileid.u32;
	_ =	strace $0x80000047;
	s8 =	sshrl.u32 s7, $0x1  }
0x7: {  	v3 =	vlaneseq.u32;
	v0 =	vimm.f32 $0.0e+00;
	v4 =	vimm.f32 $1.000000000e+00;
	s31 =	sshll.u32 s2, $0x7;
	s6 =	sshll.u32 s6, $0x6;
	s7 =	ssub.s32 s7, s8  }
0x8: {  	v1 =	vmul.u32 $0x27, v3;
	v2 =	vmul.u32 $0x619, v3;
	v3 =	vmul.u32 $0x270, v3;
	s6 =	sor.u32 s6, s31;
	s8 =	simm.s32 $0x6400;
	s7 =	smax.u32 s7, $0x1  }
.LBB2_1:
0x9: {  	s12 =	simm.s32 $0x0  }
.LBB2_2:
0xa: {  	s14 =	simm.s32 $0x0;
	s13 =	simm.s32 $0x200  }
.LBB2_3:
0xb: {  	p0 =	sne.s32 s13, $0x18E00;
	[tilespmem:s14+$0x70] =	vst v0  }
0xc: {  	[tilespmem:s14+$0x0] =	vst v0  }
0xd: {  	[tilespmem:s14+$0x10] =	vst v0  }
.Ltmp0:
0xe: {  	[tilespmem:s14+$0x20] =	vst v0;
	(pc) =	sbr.rel @p0 .LBB2_3-.Ltmp0, $4  }
0xf: {  	[tilespmem:s14+$0x30] =	vst v0  }
0x10: {  	[tilespmem:s14+$0x40] =	vst v0  }
0x11: {  	[tilespmem:s14+$0x50] =	vst v0  }
0x12: {  	[tilespmem:s14+$0x60] =	vst v0;
	s14 =	sshra.s32 s13, $0x2;
	s13 =	sadd.s32 $0x200, s13  }
0x13: {  	[tilespmem:s14+$0x70] =	vst v0  }
0x14: {  	[tilespmem:s14+$0x0] =	vst v0  }
0x15: {  	[tilespmem:s14+$0x10] =	vst v0  }
0x16: {  	[tilespmem:s14+$0x20] =	vst v0;
	s13 =	sshll.u32 s12, $0x4  }
0x17: {  	[tilespmem:s14+$0x30] =	vst v0;
	s13 =	sadd.s32 s6, s13  }
0x18: {  	[tilespmem:s14+$0x40] =	vst v0;
	s15 =	smul.u32 $0x4E, s13  }
0x19: {  	[tilespmem:s14+$0x50] =	vst v0  }
0x1a: {  	[tilespmem:s14+$0x60] =	vst v0;
	s30 =	sadd.s32 s3, s15  }
0x1b: {  	[tilespmem:s8], [sflag:$0x1] =	stream.linear.gather [hbm4b:s30+s1], $0x2700, $0x38;
	[tilespmem:$0xB200] =	vst v63  }
0x1c: {  	_ =	swait.ge [sflag:s9], $0x2700  }
0x1d: {  	v5 =	vmov s13;
	[sflag:s9] =	ssyncset.done $0x0  }
0x1e: {  	v5 =	vmul.u32 $0x27, v5;
	s31 =	sadd.s32 s4, s15;
	[sflag:s9] =	ssyncadd.s32 $0xFFFFD900  }
0x1f: {  	[tilespmem:s10], [sflag:$0x1] =	stream.linear.gather [hbm4b:s31+s1], $0x2700, $0x38;
	[tilespmem:$0xB200] =	vst v63  }
0x20: {  	v6 =	vbroadcast v5, $0x0;
	_ =	swait.ge [sflag:s9], $0x2700  }
0x21: {  	[sflag:s9] =	ssyncset.done $0x0  }
0x22: {  	s14 =	simm.s32 $0x7;
	v5 =	vadd.s32 v1, v6;
	v6 =	vsub.s32 v2, v6;
	[sflag:s9] =	ssyncadd.s32 $0xFFFFD900  }
.LBB2_5:
0x23: {  	s15 =	sadd.s32 $0xFFFFFFF9, s14  }
0x24: {  	v7 =	vadd.s32 s15, v3;
	_ =	sdelay $0x4  }
0x25: {  	v8 =	vld.idx.msk [tilespmem:v7+s10+$0x0], $0xffff;
	_ =	sdelay $0x1  }
0x26: {  	v7 =	vld.idx.msk [tilespmem:v7+s8+$0x0], $0xffff;
	_ =	sdelay $0x2  }
0x27: {  	v8 =	vsub.s32 v8, v5  }
0x28: {  	v8 =	vmul.u32 $0x28, v8  }
0x29: {  	v7 =	vadd.s32 v6, v7  }
0x2a: {  	s25 =	sadd.s32 $0xFFFFFFFA, s14;
	v7 =	vadd.s32 v8, v7  }
0x2b: {  	v8 =	vadd.s32 s25, v3;
	_ =	sdelay $0x3  }
0x2c: {  	[tilespmem:v7+s1+$0x0] =	vst.idx.add.f32.msk $0xffff, v4  }
0x2d: {  	v7 =	vld.idx.msk [tilespmem:v8+s10+$0x0], $0xffff;
	_ =	sdelay $0x1  }
0x2e: {  	v8 =	vld.idx.msk [tilespmem:v8+s8+$0x0], $0xffff;
	_ =	sdelay $0x2  }
0x2f: {  	v7 =	vsub.s32 v7, v5  }
0x30: {  	v7 =	vmul.u32 $0x28, v7  }
0x31: {  	v8 =	vadd.s32 v6, v8  }
0x32: {  	s26 =	sadd.s32 $0xFFFFFFFB, s14;
	v7 =	vadd.s32 v7, v8  }
0x33: {  	v8 =	vadd.s32 s26, v3;
	_ =	sdelay $0x3  }
0x34: {  	[tilespmem:v7+s1+$0x0] =	vst.idx.add.f32.msk $0xffff, v4  }
0x35: {  	v7 =	vld.idx.msk [tilespmem:v8+s10+$0x0], $0xffff;
	_ =	sdelay $0x1  }
0x36: {  	v8 =	vld.idx.msk [tilespmem:v8+s8+$0x0], $0xffff;
	_ =	sdelay $0x2  }
0x37: {  	v7 =	vsub.s32 v7, v5  }
0x38: {  	v7 =	vmul.u32 $0x28, v7  }
0x39: {  	v8 =	vadd.s32 v6, v8  }
0x3a: {  	s28 =	sadd.s32 $0xFFFFFFFC, s14;
	v7 =	vadd.s32 v7, v8  }
0x3b: {  	v8 =	vadd.s32 s28, v3;
	_ =	sdelay $0x3  }
0x3c: {  	[tilespmem:v7+s1+$0x0] =	vst.idx.add.f32.msk $0xffff, v4  }
0x3d: {  	v7 =	vld.idx.msk [tilespmem:v8+s10+$0x0], $0xffff;
	_ =	sdelay $0x1  }
0x3e: {  	v8 =	vld.idx.msk [tilespmem:v8+s8+$0x0], $0xffff;
	_ =	sdelay $0x2  }
0x3f: {  	v7 =	vsub.s32 v7, v5  }
0x40: {  	v7 =	vmul.u32 $0x28, v7  }
0x41: {  	v8 =	vadd.s32 v6, v8  }
0x42: {  	s29 =	sadd.s32 $0xFFFFFFFD, s14;
	v7 =	vadd.s32 v7, v8  }
0x43: {  	v8 =	vadd.s32 s29, v3;
	_ =	sdelay $0x3  }
0x44: {  	[tilespmem:v7+s1+$0x0] =	vst.idx.add.f32.msk $0xffff, v4  }
0x45: {  	v7 =	vld.idx.msk [tilespmem:v8+s10+$0x0], $0xffff;
	_ =	sdelay $0x1  }
0x46: {  	v8 =	vld.idx.msk [tilespmem:v8+s8+$0x0], $0xffff;
	_ =	sdelay $0x2  }
0x47: {  	v7 =	vsub.s32 v7, v5  }
0x48: {  	v7 =	vmul.u32 $0x28, v7  }
0x49: {  	v8 =	vadd.s32 v6, v8  }
0x4a: {  	s30 =	sadd.s32 $0xFFFFFFFE, s14;
	v7 =	vadd.s32 v7, v8  }
0x4b: {  	v8 =	vadd.s32 s30, v3;
	_ =	sdelay $0x3  }
0x4c: {  	[tilespmem:v7+s1+$0x0] =	vst.idx.add.f32.msk $0xffff, v4  }
0x4d: {  	v7 =	vld.idx.msk [tilespmem:v8+s10+$0x0], $0xffff;
	_ =	sdelay $0x1  }
0x4e: {  	v8 =	vld.idx.msk [tilespmem:v8+s8+$0x0], $0xffff;
	_ =	sdelay $0x2  }
0x4f: {  	v7 =	vsub.s32 v7, v5  }
0x50: {  	v7 =	vmul.u32 $0x28, v7  }
0x51: {  	v8 =	vadd.s32 v6, v8  }
0x52: {  	s31 =	sadd.s32 $0xFFFFFFFF, s14;
	v7 =	vadd.s32 v7, v8  }
0x53: {  	v8 =	vadd.s32 s31, v3;
	_ =	sdelay $0x3  }
0x54: {  	[tilespmem:v7+s1+$0x0] =	vst.idx.add.f32.msk $0xffff, v4  }
0x55: {  	v7 =	vld.idx.msk [tilespmem:v8+s10+$0x0], $0xffff;
	_ =	sdelay $0x1  }
0x56: {  	v8 =	vld.idx.msk [tilespmem:v8+s8+$0x0], $0xffff;
	_ =	sdelay $0x2  }
0x57: {  	v7 =	vsub.s32 v7, v5  }
0x58: {  	v7 =	vmul.u32 $0x28, v7  }
0x59: {  	v8 =	vadd.s32 v6, v8  }
0x5a: {  	v7 =	vadd.s32 v7, v8  }
0x5b: {  	v8 =	vadd.s32 s14, v3;
	_ =	sdelay $0x3  }
0x5c: {  	[tilespmem:v7+s1+$0x0] =	vst.idx.add.f32.msk $0xffff, v4  }
0x5d: {  	v7 =	vld.idx.msk [tilespmem:v8+s10+$0x0], $0xffff;
	_ =	sdelay $0x1  }
0x5e: {  	v8 =	vld.idx.msk [tilespmem:v8+s8+$0x0], $0xffff;
	_ =	sdelay $0x2  }
0x5f: {  	v7 =	vsub.s32 v7, v5  }
0x60: {  	v7 =	vmul.u32 $0x28, v7  }
0x61: {  	v8 =	vadd.s32 v6, v8  }
0x62: {  	p0 =	sne.s32 s14, $0x26F;
	v7 =	vadd.s32 v7, v8  }
.Ltmp1:
0x63: {  	_ = 	snop;
	(pc) =	sbr.rel @p0 .LBB2_5-.Ltmp1, $2  }
0x64: {  	_ =	sdelay $0x2  }
0x65: {  	s14 =	sadd.s32 $0x8, s14;
	[tilespmem:v7+s1+$0x0] =	vst.idx.add.f32.msk $0xffff, v4  }
0x66: {  	s13 =	smul.u32 $0xC8, s13;
	s12 =	sadd.s32 $0x1, s12  }
0x67: {  	p0 =	sne.s32 s12, $0x4  }
.Ltmp2:
0x68: {  	s13 =	sadd.s32 s5, s13;
	(pc) =	sbr.rel @p0 .LBB2_2-.Ltmp2, $4  }
0x69: {  	[hbm4b:s13+s1] =	stream.linear.scatter [tilespmem:s1], [sflag:$0x1], $0x6400, $0x38;
	[tilespmem:$0xB200] =	vst v63  }
0x6a: {  	_ =	swait.ge [sflag:s9], $0x6400  }
0x6b: {  	[sflag:s9] =	ssyncset.done $0x0  }
0x6c: {  	[sflag:s9] =	ssyncadd.s32 $0xFFFF9C00  }
0x6d: {  	s11 =	sadd.s32 $0x1, s11  }
0x6e: {  	p0 =	sne.s32 s11, s7  }
.Ltmp3:
0x6f: {  	_ = 	snop;
	(pc) =	sbr.rel @p0 .LBB2_1-.Ltmp3, $1  }
0x70: {  	_ =	sdelay $0x3  }
0x71: {  	_ =	sfence.sel $0x180000  }
0x72: {  	[bflag:$0x0] =	sbarrier.arrive $0xFFFF  }
0x73: {  	p0 =	sne.s32 s2, $0x0;
	_ =	strace $0x90000047  }
0x74: {  	s0 =	sadd.s32 @!p0 $0x100000, s0;
	[bflag:$0x2] =	sbarrier.arrive $0xFFFF  }
0x75: {  	[sflag:s0] =	ssyncadd.tile.s32 @!p0 $0x1;
	_ =	shalt  }
.Lfunc_end2:
_tile_overlayer_lowered:
.L_overlay_start_2:
0x76: {  	(tag) =	ssettag $0x2  }
0x77: {  	s0 =	rddreg [dreg:$0x0];
	s2 =	stileid.u32  }
0x78: {  	s1 =	rddreg [dreg:$0x1];
	p0 =	sne.s32 s2, $0x0  }
0x79: {  	s3 =	rddreg [dreg:$0x2];
	[bflag:$0x3] =	sbarrier.arrive $0xFFFF;
	s2 =	simm.s32 @!p0 $0x1C01  }
0x7a: {  	[timem:s3], [sflag:s2] =	dma.local @!p0 [hbm:s0], s1  }
0x7b: {  	s0 =	simm.s32 @!p0 $0x1  }
0x7c: {  	_ =	swait.ge @!p0 [sflag:s0], s1  }
0x7d: {  	s1 =	ssub.s32 @!p0 $0x0, s1;
	[sflag:s0] =	ssyncset.done @!p0 $0x0  }
0x7e: {  	[sflag:s0] =	ssyncadd.s32 @!p0 s1  }
0x7f: {  	[bflag:$0x3] =	sbarrier.arrive $0xFFFF  }
0x80: {  	_ =	shalt  }

</sc_bundles>
